<compile_context>
chip_gen: v7x
topology: tpu7x:2x2x1
jax: 0.10.2.dev20260603
libtpu: 0.0.44.dev20260713+nightly
codegen_flags: <defaults>
</compile_context>

<pallas_src>
import functools

import jax
import jax.numpy as jnp
from jax import lax
from jax.experimental import pallas as pl
from jax.experimental.pallas import tpu as pltpu
from jax.experimental.pallas import tpu_sc as plsc

N = 10000
E = 320000
HID = 128
NC, NS = 2, 16
NW = NC * NS
NPAD = 10240
ECH = 128
EPAD = 327680
NECH = EPAD // NW // ECH
BCH = 64
NBCH = (NPAD // NW) // BCH
RPT = NPAD // NS

_mesh = plsc.VectorSubcoreMesh(core_axis_name="c", subcore_axis_name="s")
_sc_params = pltpu.CompilerParams(use_tc_tiling_on_sc=False)


@functools.partial(
    pl.kernel,
    out_type=(
        jax.ShapeDtypeStruct((NPAD, HID), jnp.float32),
        jax.ShapeDtypeStruct((NC, 2, NPAD), jnp.float32),
    ),
    mesh=_mesh,
    scratch_types=[
        pltpu.VMEM((NBCH, BCH), jnp.int32),
        pltpu.VMEM((NBCH * BCH, HID), jnp.float32),
        pltpu.VMEM((NECH, ECH), jnp.int32),
        pltpu.VMEM((NECH, ECH), jnp.int32),
        pltpu.VMEM((ECH,), jnp.float32),
        pltpu.VMEM_SHARED((NPAD,), jnp.float32),
        pltpu.VMEM_SHARED((NPAD,), jnp.float32),
        pltpu.SemaphoreType.DMA,
        pltpu.SemaphoreType.DMA,
        pltpu.SemaphoreType.DMA,
    ],
    compiler_params=_sc_params,
)
def _phase_a(emb_hbm, batch3, e4, ones_hbm, zdeg_hbm,
             embs_out, degp_out,
             bidx_v, erows_v, sidx_v, didx_v, ones_v, degs_sh, degd_sh,
             gsem, dsem_s, dsem_d):
    cid = lax.axis_index("c")
    sid = lax.axis_index("s")
    wid = sid * NC + cid
    r0 = sid * RPT
    pltpu.sync_copy(zdeg_hbm.at[pl.ds(r0, RPT)], degs_sh.at[pl.ds(r0, RPT)])
    pltpu.sync_copy(zdeg_hbm.at[pl.ds(r0, RPT)], degd_sh.at[pl.ds(r0, RPT)])
    pltpu.sync_copy(ones_hbm, ones_v)
    pltpu.sync_copy(batch3.at[wid], bidx_v)
    pltpu.sync_copy(e4.at[0, wid], sidx_v)
    pltpu.sync_copy(e4.at[1, wid], didx_v)

    for c in range(NBCH):
        pltpu.async_copy(emb_hbm.at[bidx_v.at[c]],
                         erows_v.at[pl.ds(c * BCH, BCH)], gsem)
    for c in range(NBCH):
        pltpu.make_async_copy(emb_hbm.at[bidx_v.at[c]],
                              erows_v.at[pl.ds(c * BCH, BCH)], gsem).wait()
    pltpu.sync_copy(erows_v,
                    embs_out.at[pl.ds(wid * (NPAD // NW), NBCH * BCH)])
    plsc.subcore_barrier()

    def _dscat(c):
        pltpu.async_copy(ones_v, degs_sh.at[sidx_v.at[c]], dsem_s, add=True)
        pltpu.async_copy(ones_v, degd_sh.at[didx_v.at[c]], dsem_d, add=True)

    def _dscat_wait(c):
        pltpu.make_async_copy(ones_v, degs_sh.at[sidx_v.at[c]], dsem_s).wait()
        pltpu.make_async_copy(ones_v, degd_sh.at[didx_v.at[c]], dsem_d).wait()

    _dscat(0)

    def deg_chunk(c, carry):
        _dscat(c)
        _dscat_wait(c - 1)
        return carry

    lax.fori_loop(1, NECH, deg_chunk, 0)
    _dscat_wait(NECH - 1)
    plsc.subcore_barrier()
    pltpu.sync_copy(degs_sh.at[pl.ds(r0, RPT)],
                    degp_out.at[cid, 0, pl.ds(r0, RPT)])
    pltpu.sync_copy(degd_sh.at[pl.ds(r0, RPT)],
                    degp_out.at[cid, 1, pl.ds(r0, RPT)])


ECHM = 64
NECHM = EPAD // NW // ECHM
HECH = NECHM // 2
NBUF = 4


@functools.partial(
    pl.kernel,
    out_type=jax.ShapeDtypeStruct((NC, NPAD, HID), jnp.float32),
    mesh=_mesh,
    scratch_types=[
        pltpu.VMEM((HECH, ECHM), jnp.int32),
        pltpu.VMEM((HECH, ECHM), jnp.int32),
        [pltpu.VMEM((ECHM, HID), jnp.float32)] * NBUF,
        pltpu.VMEM_SHARED((NPAD, HID), jnp.float32),
        [pltpu.SemaphoreType.DMA] * NBUF,
        [pltpu.SemaphoreType.DMA] * NBUF,
    ],
    compiler_params=_sc_params,
)
def _msgpass(x_hbm, e5, zfeat_hbm,
             part_out,
             sidx_v, didx_v, bufs, acc_sh, gsems, ssems):
    cid = lax.axis_index("c")
    sid = lax.axis_index("s")
    wid = sid * NC + cid
    r0 = sid * RPT

    def _gather(c, j):
        return pltpu.async_copy(x_hbm.at[sidx_v.at[c]], bufs[j], gsems[j])

    def _scatter(c, j):
        return pltpu.async_copy(bufs[j], acc_sh.at[didx_v.at[c]],
                                ssems[j], add=True)

    def _gather_wait(c, j):
        pltpu.make_async_copy(x_hbm.at[sidx_v.at[c]], bufs[j],
                              gsems[j]).wait()

    def _scatter_wait(c, j):
        pltpu.make_async_copy(bufs[j], acc_sh.at[didx_v.at[c]],
                              ssems[j]).wait()

    pltpu.sync_copy(e5.at[0, wid, 0], sidx_v)
    pltpu.sync_copy(e5.at[1, wid, 0], didx_v)
    for j in range(NBUF):
        _gather(j, j)
    pltpu.sync_copy(zfeat_hbm.at[pl.ds(r0, RPT)], acc_sh.at[pl.ds(r0, RPT)])
    plsc.subcore_barrier()

    for h in range(2):
        if h:
            pltpu.sync_copy(e5.at[0, wid, h], sidx_v)
            pltpu.sync_copy(e5.at[1, wid, h], didx_v)
            for j in range(NBUF):
                _gather(j, j)

        def body(k, carry):
            base = NBUF * k
            for j in range(NBUF):
                _gather_wait(base + j, j)
                _scatter(base + j, j)
            for j in range(NBUF):
                _scatter_wait(base + j, j)
                _gather(base + NBUF + j, j)
            return carry

        lax.fori_loop(0, HECH // NBUF - 1, body, 0)
        base = HECH - NBUF
        for j in range(NBUF):
            _gather_wait(base + j, j)
            _scatter(base + j, j)
        for j in range(NBUF):
            _scatter_wait(base + j, j)
    plsc.subcore_barrier()
    pltpu.sync_copy(acc_sh.at[pl.ds(r0, RPT)],
                    part_out.at[cid, pl.ds(r0, RPT)])


RB = 2048


def _scale_body(x_ref, d0_ref, d1_ref, o_ref):
    deg = d0_ref[...] + d1_ref[...]
    o_ref[...] = x_ref[...] * lax.rsqrt(jnp.clip(deg, 1.0, None))


def _scale(x, d0, d1):
    return pl.pallas_call(
        _scale_body,
        grid=(NPAD // RB,),
        in_specs=[
            pl.BlockSpec((RB, HID), lambda i: (i, 0)),
            pl.BlockSpec((RB, 1), lambda i: (i, 0)),
            pl.BlockSpec((RB, 1), lambda i: (i, 0)),
        ],
        out_specs=pl.BlockSpec((RB, HID), lambda i: (i, 0)),
        out_shape=jax.ShapeDtypeStruct((NPAD, HID), jnp.float32),
    )(x, d0, d1)


def _layer_body(p_ref, dd0_ref, dd1_ref, ds0_ref, ds1_ref,
                w_ref, b_ref, o_ref, *, post_src):
    agg = p_ref[0] + p_ref[1]
    nd = lax.rsqrt(jnp.clip(dd0_ref[...] + dd1_ref[...], 1.0, None))
    y = jnp.dot(agg * nd, w_ref[...], preferred_element_type=jnp.float32)
    y = jnp.maximum(y + b_ref[...], 0.0)
    if post_src:
        y = y * lax.rsqrt(jnp.clip(ds0_ref[...] + ds1_ref[...], 1.0, None))
    o_ref[...] = y


def _layer(parts, dd0, dd1, ds0, ds1, w, b, post_src):
    col = pl.BlockSpec((RB, 1), lambda i: (i, 0))
    return pl.pallas_call(
        functools.partial(_layer_body, post_src=post_src),
        grid=(NPAD // RB,),
        in_specs=[
            pl.BlockSpec((NC, RB, HID), lambda i: (0, i, 0)),
            col, col, col, col,
            pl.BlockSpec((HID, HID), lambda i: (0, 0)),
            pl.BlockSpec((1, HID), lambda i: (0, 0)),
        ],
        out_specs=pl.BlockSpec((RB, HID), lambda i: (i, 0)),
        out_shape=jax.ShapeDtypeStruct((NPAD, HID), jnp.float32),
    )(parts, dd0, dd1, ds0, ds1, w, b)


def kernel(batch, edge_index, emb_table, W1, b1, W2, b2):
    pe = EPAD - E
    pad_rows = N + jnp.arange(pe, dtype=jnp.int32) % (NPAD - N)
    epad = jnp.concatenate(
        [edge_index, jnp.broadcast_to(pad_rows, (2, pe))], axis=1)
    e4 = epad.reshape(2, NW, NECH, ECH)
    e5 = epad.reshape(2, NW, 2, HECH, ECHM)
    pb = NPAD - N
    batch3 = jnp.concatenate(
        [batch, jnp.arange(pb, dtype=jnp.int32) * 131 % emb_table.shape[0]]
    ).reshape(NW, NBCH, BCH)
    ones_e = jnp.ones((ECH,), jnp.float32)
    zdeg = jnp.zeros((NPAD,), jnp.float32)
    zfeat = jnp.zeros((NPAD, HID), jnp.float32)

    embs, degp = _phase_a(emb_table, batch3, e4, ones_e, zdeg)
    ds0 = degp[0, 0].reshape(NPAD, 1)
    ds1 = degp[1, 0].reshape(NPAD, 1)
    dd0 = degp[0, 1].reshape(NPAD, 1)
    dd1 = degp[1, 1].reshape(NPAD, 1)
    b1r = b1.reshape(1, HID)
    b2r = b2.reshape(1, HID)

    h0 = _scale(embs, ds0, ds1)
    parts = _msgpass(h0, e5, zfeat)
    h1 = _layer(parts, dd0, dd1, ds0, ds1, W1, b1r, True)
    parts2 = _msgpass(h1, e5, zfeat)
    out = _layer(parts2, dd0, dd1, ds0, ds1, W2, b2r, False)
    return out[:N]

# --- scband reference (transcript-rebuilt; emitter-appended) ---
"""Pipeline reference for scband-emb-gcnencoder-40192303956494 (READ-ONLY COPY).

The authoritative reference and input builder live on the scoring server;
editing this copy changes nothing except your own understanding.
"""

import jax, jax.numpy as jnp
import numpy as np

N_NODES = 10000
N_EDGES = 320000
VOCAB = 100000
HID = 128
OUT = 128


def setup_inputs(seed: int = 0) -> dict:
    key = jax.random.key(seed)
    ks = jax.random.split(key, 7)
    batch = jax.random.randint(ks[0], (N_NODES,), 0, VOCAB, dtype=jnp.int32)
    edge_index = jax.random.randint(ks[1], (2, N_EDGES), 0, N_NODES, dtype=jnp.int32)
    emb_table = jax.random.normal(ks[2], (VOCAB, HID), dtype=jnp.float32) * 0.02
    # GraphConv layer 1: hidden_dim -> out_dim (glorot-uniform weight, zero bias)
    lim1 = float(np.sqrt(6.0 / (HID + OUT)))
    W1 = jax.random.uniform(ks[3], (HID, OUT), dtype=jnp.float32, minval=-lim1, maxval=lim1)
    b1 = jnp.zeros((OUT,), dtype=jnp.float32)
    # GraphConv layer 2: out_dim -> out_dim
    lim2 = float(np.sqrt(6.0 / (OUT + OUT)))
    W2 = jax.random.uniform(ks[4], (OUT, OUT), dtype=jnp.float32, minval=-lim2, maxval=lim2)
    b2 = jnp.zeros((OUT,), dtype=jnp.float32)
    return {"batch": batch, "edge_index": edge_index, "emb_table": emb_table,
            "W1": W1, "b1": b1, "W2": W2, "b2": b2}


def _graph_conv(x, src, dst, W, b):
    # DGL GraphConv with norm='both':
    # h = D_out^{-1/2} applied at src, scatter-add to dst, D_in^{-1/2} at dst, then @ W + b
    n = x.shape[0]
    deg_out = jnp.zeros((n,), jnp.float32).at[src].add(1.0)
    norm_src = jax.lax.rsqrt(jnp.clip(deg_out, 1.0, None))
    h = x * norm_src[:, None]
    msg = jnp.take(h, src, axis=0)
    agg = jnp.zeros((n, x.shape[1]), x.dtype).at[dst].add(msg)
    deg_in = jnp.zeros((n,), jnp.float32).at[dst].add(1.0)
    norm_dst = jax.lax.rsqrt(jnp.clip(deg_in, 1.0, None))
    agg = agg * norm_dst[:, None]
    return agg @ W + b


def reference(batch, edge_index, emb_table, W1, b1, W2, b2):
    src = edge_index[0]
    dst = edge_index[1]
    # embedding lookup
    embs = jnp.take(emb_table, batch, axis=0)
    # layer 1: GraphConv -> dropout(p=0, identity) -> relu
    h = _graph_conv(embs, src, dst, W1, b1)
    h = jax.nn.relu(h)
    # layer 2
    h = _graph_conv(h, src, dst, W2, b2)
    h = jax.nn.relu(h)
    return h

if __name__ == "__main__":
    import jax
    _d = setup_inputs()
    print(jax.jit(kernel)(*tuple(_d.values())))

</pallas_src>

<mosaic_0001>
#map = affine_map<(d0, d1) -> (0, 0)>
#map1 = affine_map<(d0, d1) -> (0, 0, 0, 0, 0)>
#map2 = affine_map<(d0, d1) -> (0, 0, 0)>
module attributes {stable_mosaic.version = 14 : i64} {
  func.func @_msgpass(%arg0: i32, %arg1: i32, %arg2: memref<10240x128xf32, #tpu.memory_space<hbm>>, %arg3: memref<2x32x2x80x64xi32, #tpu.memory_space<hbm>>, %arg4: memref<10240x128xf32, #tpu.memory_space<hbm>>, %arg5: memref<2x10240x128xf32, #tpu.memory_space<hbm>>, %arg6: memref<80x64xi32, #tpu.memory_space<vmem>>, %arg7: memref<80x64xi32, #tpu.memory_space<vmem>>, %arg8: memref<64x128xf32, #tpu.memory_space<vmem>>, %arg9: memref<64x128xf32, #tpu.memory_space<vmem>>, %arg10: memref<64x128xf32, #tpu.memory_space<vmem>>, %arg11: memref<64x128xf32, #tpu.memory_space<vmem>>, %arg12: memref<10240x128xf32, #tpu.memory_space<vmem_shared>>, %arg13: memref<!tpu.dma_semaphore, #tpu.memory_space<semaphore_mem>>, %arg14: memref<!tpu.dma_semaphore, #tpu.memory_space<semaphore_mem>>, %arg15: memref<!tpu.dma_semaphore, #tpu.memory_space<semaphore_mem>>, %arg16: memref<!tpu.dma_semaphore, #tpu.memory_space<semaphore_mem>>, %arg17: memref<!tpu.dma_semaphore, #tpu.memory_space<semaphore_mem>>, %arg18: memref<!tpu.dma_semaphore, #tpu.memory_space<semaphore_mem>>, %arg19: memref<!tpu.dma_semaphore, #tpu.memory_space<semaphore_mem>>, %arg20: memref<!tpu.dma_semaphore, #tpu.memory_space<semaphore_mem>>) attributes {dimension_semantics = [#tpu.dimension_semantics<core_parallel>, #tpu.dimension_semantics<subcore_parallel>], iteration_bounds = array<i64: 2, 16>, scalar_prefetch = 0 : i64, scratch_operands = 15 : i64, tpu.core_type = #tpu.core_type<sc_vector_subcore>, window_params = [{transform_indices = #map}, {transform_indices = #map1}, {transform_indices = #map}, {transform_indices = #map2}]} {
    %mul3A = arith.constant 2 : i32
    %mul3A_0 = arith.muli %arg1, %mul3A : i32
    %add3A = arith.addi %mul3A_0, %arg0 : i32
    %mul3A_1 = arith.constant 640 : i32
    %mul3A_2 = arith.muli %arg1, %mul3A_1 : i32
    %run_scoped3A = arith.constant 0 : i32
    %run_scoped3A_3 = arith.constant 0 : i32
    "tpu.region"() ({
      %run_scoped3A_244 = tpu.sem_alloc : memref<!tpu.dma_semaphore, #tpu.memory_space<semaphore_mem>>
      %dma_start3A_245 = arith.constant 0 : i32
      %dma_start3A_246 = arith.constant 0 : i32
      %dma_start3A_247 = tpu.memref_slice %arg3[%run_scoped3A, %add3A, %run_scoped3A_3, %dma_start3A_245, %dma_start3A_246] : memref<2x32x2x80x64xi32, #tpu.memory_space<hbm>> -> memref<1x1x1x80x64xi32, #tpu.memory_space<hbm>>
      %dma_start3A_248 = tpu.memref_squeeze %dma_start3A_247 : memref<1x1x1x80x64xi32, #tpu.memory_space<hbm>> -> memref<80x64xi32, #tpu.memory_space<hbm>>
      %dma_start3A_249 = arith.constant 0 : i32
      %dma_start3A_250 = arith.constant 0 : i32
      %dma_start3A_251 = tpu.memref_slice %arg3[%run_scoped3A, %add3A, %run_scoped3A_3, %dma_start3A_249, %dma_start3A_250] : memref<2x32x2x80x64xi32, #tpu.memory_space<hbm>> -> memref<1x1x1x80x64xi32, #tpu.memory_space<hbm>>
      %dma_start3A_252 = tpu.memref_squeeze %dma_start3A_251 : memref<1x1x1x80x64xi32, #tpu.memory_space<hbm>> -> memref<80x64xi32, #tpu.memory_space<hbm>>
      tpu.enqueue_dma source(%dma_start3A_252 : memref<80x64xi32, #tpu.memory_space<hbm>>) target(%arg6 : memref<80x64xi32, #tpu.memory_space<vmem>>) target_semaphore(%run_scoped3A_244 : memref<!tpu.dma_semaphore, #tpu.memory_space<semaphore_mem>>)
      %dma_wait3A_253 = arith.constant 0 : i32
      %dma_wait3A_254 = arith.constant 0 : i32
      %dma_wait3A_255 = tpu.memref_slice %arg3[%run_scoped3A, %add3A, %run_scoped3A_3, %dma_wait3A_253, %dma_wait3A_254] : memref<2x32x2x80x64xi32, #tpu.memory_space<hbm>> -> memref<1x1x1x80x64xi32, #tpu.memory_space<hbm>>
      %dma_wait3A_256 = tpu.memref_squeeze %dma_wait3A_255 : memref<1x1x1x80x64xi32, #tpu.memory_space<hbm>> -> memref<80x64xi32, #tpu.memory_space<hbm>>
      %dma_wait3A_257 = arith.constant 0 : i32
      %dma_wait3A_258 = arith.constant 0 : i32
      %dma_wait3A_259 = tpu.memref_slice %arg3[%run_scoped3A, %add3A, %run_scoped3A_3, %dma_wait3A_257, %dma_wait3A_258] : memref<2x32x2x80x64xi32, #tpu.memory_space<hbm>> -> memref<1x1x1x80x64xi32, #tpu.memory_space<hbm>>
      %dma_wait3A_260 = tpu.memref_squeeze %dma_wait3A_259 : memref<1x1x1x80x64xi32, #tpu.memory_space<hbm>> -> memref<80x64xi32, #tpu.memory_space<hbm>>
      tpu.wait_dma2 semaphore(%run_scoped3A_244 : memref<!tpu.dma_semaphore, #tpu.memory_space<semaphore_mem>>) src(%dma_wait3A_260 : memref<80x64xi32, #tpu.memory_space<hbm>>) dst(%arg6 : memref<80x64xi32, #tpu.memory_space<vmem>>)
      tpu.yield
    }) : () -> ()
    %run_scoped3A_4 = arith.constant 1 : i32
    %run_scoped3A_5 = arith.constant 0 : i32
    "tpu.region"() ({
      %run_scoped3A_244 = tpu.sem_alloc : memref<!tpu.dma_semaphore, #tpu.memory_space<semaphore_mem>>
      %dma_start3A_245 = arith.constant 0 : i32
      %dma_start3A_246 = arith.constant 0 : i32
      %dma_start3A_247 = tpu.memref_slice %arg3[%run_scoped3A_4, %add3A, %run_scoped3A_5, %dma_start3A_245, %dma_start3A_246] : memref<2x32x2x80x64xi32, #tpu.memory_space<hbm>> -> memref<1x1x1x80x64xi32, #tpu.memory_space<hbm>>
      %dma_start3A_248 = tpu.memref_squeeze %dma_start3A_247 : memref<1x1x1x80x64xi32, #tpu.memory_space<hbm>> -> memref<80x64xi32, #tpu.memory_space<hbm>>
      %dma_start3A_249 = arith.constant 0 : i32
      %dma_start3A_250 = arith.constant 0 : i32
      %dma_start3A_251 = tpu.memref_slice %arg3[%run_scoped3A_4, %add3A, %run_scoped3A_5, %dma_start3A_249, %dma_start3A_250] : memref<2x32x2x80x64xi32, #tpu.memory_space<hbm>> -> memref<1x1x1x80x64xi32, #tpu.memory_space<hbm>>
      %dma_start3A_252 = tpu.memref_squeeze %dma_start3A_251 : memref<1x1x1x80x64xi32, #tpu.memory_space<hbm>> -> memref<80x64xi32, #tpu.memory_space<hbm>>
      tpu.enqueue_dma source(%dma_start3A_252 : memref<80x64xi32, #tpu.memory_space<hbm>>) target(%arg7 : memref<80x64xi32, #tpu.memory_space<vmem>>) target_semaphore(%run_scoped3A_244 : memref<!tpu.dma_semaphore, #tpu.memory_space<semaphore_mem>>)
      %dma_wait3A_253 = arith.constant 0 : i32
      %dma_wait3A_254 = arith.constant 0 : i32
      %dma_wait3A_255 = tpu.memref_slice %arg3[%run_scoped3A_4, %add3A, %run_scoped3A_5, %dma_wait3A_253, %dma_wait3A_254] : memref<2x32x2x80x64xi32, #tpu.memory_space<hbm>> -> memref<1x1x1x80x64xi32, #tpu.memory_space<hbm>>
      %dma_wait3A_256 = tpu.memref_squeeze %dma_wait3A_255 : memref<1x1x1x80x64xi32, #tpu.memory_space<hbm>> -> memref<80x64xi32, #tpu.memory_space<hbm>>
      %dma_wait3A_257 = arith.constant 0 : i32
      %dma_wait3A_258 = arith.constant 0 : i32
      %dma_wait3A_259 = tpu.memref_slice %arg3[%run_scoped3A_4, %add3A, %run_scoped3A_5, %dma_wait3A_257, %dma_wait3A_258] : memref<2x32x2x80x64xi32, #tpu.memory_space<hbm>> -> memref<1x1x1x80x64xi32, #tpu.memory_space<hbm>>
      %dma_wait3A_260 = tpu.memref_squeeze %dma_wait3A_259 : memref<1x1x1x80x64xi32, #tpu.memory_space<hbm>> -> memref<80x64xi32, #tpu.memory_space<hbm>>
      tpu.wait_dma2 semaphore(%run_scoped3A_244 : memref<!tpu.dma_semaphore, #tpu.memory_space<semaphore_mem>>) src(%dma_wait3A_260 : memref<80x64xi32, #tpu.memory_space<hbm>>) dst(%arg7 : memref<80x64xi32, #tpu.memory_space<vmem>>)
      tpu.yield
    }) : () -> ()
    %dma_start3A = arith.constant 0 : i32
    %dma_start3A_6 = arith.constant 0 : i32
    %dma_start3A_7 = tpu.memref_slice %arg6[%dma_start3A, %dma_start3A_6] : memref<80x64xi32, #tpu.memory_space<vmem>> -> memref<1x64xi32, #tpu.memory_space<vmem>>
    %dma_start3A_8 = tpu.memref_squeeze %dma_start3A_7 : memref<1x64xi32, #tpu.memory_space<vmem>> -> memref<64xi32, #tpu.memory_space<vmem>>
    %dma_start3A_9 = arith.constant 0 : i32
    %dma_start3A_10 = arith.constant 0 : i32
    %dma_start3A_11 = tpu.memref_slice %arg2[%dma_start3A_9, %dma_start3A_10] : memref<10240x128xf32, #tpu.memory_space<hbm>> -> memref<10240x128xf32, #tpu.memory_space<hbm>>
    tpu.enqueue_indirect_dma source(%dma_start3A_11 : memref<10240x128xf32, #tpu.memory_space<hbm>>) target(%arg8 : memref<64x128xf32, #tpu.memory_space<vmem>>) offsets(%dma_start3A_8 : memref<64xi32, #tpu.memory_space<vmem>>) semaphore(%arg13 : memref<!tpu.dma_semaphore, #tpu.memory_space<semaphore_mem>>)
    %dma_start3A_12 = arith.constant 1 : i32
    %dma_start3A_13 = arith.constant 0 : i32
    %dma_start3A_14 = tpu.memref_slice %arg6[%dma_start3A_12, %dma_start3A_13] : memref<80x64xi32, #tpu.memory_space<vmem>> -> memref<1x64xi32, #tpu.memory_space<vmem>>
    %dma_start3A_15 = tpu.memref_squeeze %dma_start3A_14 : memref<1x64xi32, #tpu.memory_space<vmem>> -> memref<64xi32, #tpu.memory_space<vmem>>
    %dma_start3A_16 = arith.constant 0 : i32
    %dma_start3A_17 = arith.constant 0 : i32
    %dma_start3A_18 = tpu.memref_slice %arg2[%dma_start3A_16, %dma_start3A_17] : memref<10240x128xf32, #tpu.memory_space<hbm>> -> memref<10240x128xf32, #tpu.memory_space<hbm>>
    tpu.enqueue_indirect_dma source(%dma_start3A_18 : memref<10240x128xf32, #tpu.memory_space<hbm>>) target(%arg9 : memref<64x128xf32, #tpu.memory_space<vmem>>) offsets(%dma_start3A_15 : memref<64xi32, #tpu.memory_space<vmem>>) semaphore(%arg14 : memref<!tpu.dma_semaphore, #tpu.memory_space<semaphore_mem>>)
    %dma_start3A_19 = arith.constant 2 : i32
    %dma_start3A_20 = arith.constant 0 : i32
    %dma_start3A_21 = tpu.memref_slice %arg6[%dma_start3A_19, %dma_start3A_20] : memref<80x64xi32, #tpu.memory_space<vmem>> -> memref<1x64xi32, #tpu.memory_space<vmem>>
    %dma_start3A_22 = tpu.memref_squeeze %dma_start3A_21 : memref<1x64xi32, #tpu.memory_space<vmem>> -> memref<64xi32, #tpu.memory_space<vmem>>
    %dma_start3A_23 = arith.constant 0 : i32
    %dma_start3A_24 = arith.constant 0 : i32
    %dma_start3A_25 = tpu.memref_slice %arg2[%dma_start3A_23, %dma_start3A_24] : memref<10240x128xf32, #tpu.memory_space<hbm>> -> memref<10240x128xf32, #tpu.memory_space<hbm>>
    tpu.enqueue_indirect_dma source(%dma_start3A_25 : memref<10240x128xf32, #tpu.memory_space<hbm>>) target(%arg10 : memref<64x128xf32, #tpu.memory_space<vmem>>) offsets(%dma_start3A_22 : memref<64xi32, #tpu.memory_space<vmem>>) semaphore(%arg15 : memref<!tpu.dma_semaphore, #tpu.memory_space<semaphore_mem>>)
    %dma_start3A_26 = arith.constant 3 : i32
    %dma_start3A_27 = arith.constant 0 : i32
    %dma_start3A_28 = tpu.memref_slice %arg6[%dma_start3A_26, %dma_start3A_27] : memref<80x64xi32, #tpu.memory_space<vmem>> -> memref<1x64xi32, #tpu.memory_space<vmem>>
    %dma_start3A_29 = tpu.memref_squeeze %dma_start3A_28 : memref<1x64xi32, #tpu.memory_space<vmem>> -> memref<64xi32, #tpu.memory_space<vmem>>
    %dma_start3A_30 = arith.constant 0 : i32
    %dma_start3A_31 = arith.constant 0 : i32
    %dma_start3A_32 = tpu.memref_slice %arg2[%dma_start3A_30, %dma_start3A_31] : memref<10240x128xf32, #tpu.memory_space<hbm>> -> memref<10240x128xf32, #tpu.memory_space<hbm>>
    tpu.enqueue_indirect_dma source(%dma_start3A_32 : memref<10240x128xf32, #tpu.memory_space<hbm>>) target(%arg11 : memref<64x128xf32, #tpu.memory_space<vmem>>) offsets(%dma_start3A_29 : memref<64xi32, #tpu.memory_space<vmem>>) semaphore(%arg16 : memref<!tpu.dma_semaphore, #tpu.memory_space<semaphore_mem>>)
    "tpu.region"() ({
      %run_scoped3A_244 = tpu.sem_alloc : memref<!tpu.dma_semaphore, #tpu.memory_space<semaphore_mem>>
      %dma_start3A_245 = arith.constant 0 : i32
      %dma_start3A_246 = tpu.memref_slice %arg12[%mul3A_2, %dma_start3A_245] : memref<10240x128xf32, #tpu.memory_space<vmem_shared>> -> memref<640x128xf32, #tpu.memory_space<vmem_shared>>
      %dma_start3A_247 = arith.constant 0 : i32
      %dma_start3A_248 = tpu.memref_slice %arg4[%mul3A_2, %dma_start3A_247] : memref<10240x128xf32, #tpu.memory_space<hbm>> -> memref<640x128xf32, #tpu.memory_space<hbm>>
      tpu.enqueue_dma source(%dma_start3A_248 : memref<640x128xf32, #tpu.memory_space<hbm>>) target(%dma_start3A_246 : memref<640x128xf32, #tpu.memory_space<vmem_shared>>) target_semaphore(%run_scoped3A_244 : memref<!tpu.dma_semaphore, #tpu.memory_space<semaphore_mem>>)
      %dma_wait3A_249 = arith.constant 0 : i32
      %dma_wait3A_250 = tpu.memref_slice %arg12[%mul3A_2, %dma_wait3A_249] : memref<10240x128xf32, #tpu.memory_space<vmem_shared>> -> memref<640x128xf32, #tpu.memory_space<vmem_shared>>
      %dma_wait3A_251 = arith.constant 0 : i32
      %dma_wait3A_252 = tpu.memref_slice %arg4[%mul3A_2, %dma_wait3A_251] : memref<10240x128xf32, #tpu.memory_space<hbm>> -> memref<640x128xf32, #tpu.memory_space<hbm>>
      tpu.wait_dma2 semaphore(%run_scoped3A_244 : memref<!tpu.dma_semaphore, #tpu.memory_space<semaphore_mem>>) src(%dma_wait3A_252 : memref<640x128xf32, #tpu.memory_space<hbm>>) dst(%dma_wait3A_250 : memref<640x128xf32, #tpu.memory_space<vmem_shared>>)
      tpu.yield
    }) : () -> ()
    %barrier3A = arith.constant 0 : index
    tpu.barrier barrier_id(%barrier3A)
    %scan3A = arith.constant 0 : i32
    %scan3A_33 = arith.constant 0 : i32
    %scan3A_34 = arith.constant 19 : i32
    %scan3A_35 = arith.addi %scan3A_33, %scan3A_34 : i32
    %scan3A_36 = arith.constant 1 : i32
    scf.for %scan3A_244 = %scan3A_33 to %scan3A_35 step %scan3A_36  : i32 {
      %mul3A_245 = arith.constant 4 : i32
      %mul3A_246 = arith.muli %mul3A_245, %scan3A_244 : i32
      %add3A_247 = arith.constant 0 : i32
      %add3A_248 = arith.addi %mul3A_246, %add3A_247 : i32
      %dma_wait3A_249 = arith.constant 0 : i32
      %dma_wait3A_250 = tpu.memref_slice %arg6[%add3A_248, %dma_wait3A_249] : memref<80x64xi32, #tpu.memory_space<vmem>> -> memref<1x64xi32, #tpu.memory_space<vmem>>
      %dma_wait3A_251 = tpu.memref_squeeze %dma_wait3A_250 : memref<1x64xi32, #tpu.memory_space<vmem>> -> memref<64xi32, #tpu.memory_space<vmem>>
      %dma_wait3A_252 = arith.constant 0 : i32
      %dma_wait3A_253 = arith.constant 0 : i32
      %dma_wait3A_254 = tpu.memref_slice %arg2[%dma_wait3A_252, %dma_wait3A_253] : memref<10240x128xf32, #tpu.memory_space<hbm>> -> memref<10240x128xf32, #tpu.memory_space<hbm>>
      tpu.wait_indirect_dma semaphore(%arg13 : memref<!tpu.dma_semaphore, #tpu.memory_space<semaphore_mem>>) src(%dma_wait3A_254 : memref<10240x128xf32, #tpu.memory_space<hbm>>) dst(%arg8 : memref<64x128xf32, #tpu.memory_space<vmem>>)
      %add3A_255 = arith.constant 0 : i32
      %add3A_256 = arith.addi %mul3A_246, %add3A_255 : i32
      %dma_start3A_257 = arith.constant 0 : i32
      %dma_start3A_258 = tpu.memref_slice %arg7[%add3A_256, %dma_start3A_257] : memref<80x64xi32, #tpu.memory_space<vmem>> -> memref<1x64xi32, #tpu.memory_space<vmem>>
      %dma_start3A_259 = tpu.memref_squeeze %dma_start3A_258 : memref<1x64xi32, #tpu.memory_space<vmem>> -> memref<64xi32, #tpu.memory_space<vmem>>
      %dma_start3A_260 = arith.constant 0 : i32
      %dma_start3A_261 = arith.constant 0 : i32
      %dma_start3A_262 = tpu.memref_slice %arg12[%dma_start3A_260, %dma_start3A_261] : memref<10240x128xf32, #tpu.memory_space<vmem_shared>> -> memref<10240x128xf32, #tpu.memory_space<vmem_shared>>
      tpu.enqueue_indirect_dma source(%arg8 : memref<64x128xf32, #tpu.memory_space<vmem>>) target(%dma_start3A_262 : memref<10240x128xf32, #tpu.memory_space<vmem_shared>>) offsets(%dma_start3A_259 : memref<64xi32, #tpu.memory_space<vmem>>) semaphore(%arg17 : memref<!tpu.dma_semaphore, #tpu.memory_space<semaphore_mem>>) {add = true}
      %add3A_263 = arith.constant 1 : i32
      %add3A_264 = arith.addi %mul3A_246, %add3A_263 : i32
      %dma_wait3A_265 = arith.constant 0 : i32
      %dma_wait3A_266 = tpu.memref_slice %arg6[%add3A_264, %dma_wait3A_265] : memref<80x64xi32, #tpu.memory_space<vmem>> -> memref<1x64xi32, #tpu.memory_space<vmem>>
      %dma_wait3A_267 = tpu.memref_squeeze %dma_wait3A_266 : memref<1x64xi32, #tpu.memory_space<vmem>> -> memref<64xi32, #tpu.memory_space<vmem>>
      %dma_wait3A_268 = arith.constant 0 : i32
      %dma_wait3A_269 = arith.constant 0 : i32
      %dma_wait3A_270 = tpu.memref_slice %arg2[%dma_wait3A_268, %dma_wait3A_269] : memref<10240x128xf32, #tpu.memory_space<hbm>> -> memref<10240x128xf32, #tpu.memory_space<hbm>>
      tpu.wait_indirect_dma semaphore(%arg14 : memref<!tpu.dma_semaphore, #tpu.memory_space<semaphore_mem>>) src(%dma_wait3A_270 : memref<10240x128xf32, #tpu.memory_space<hbm>>) dst(%arg9 : memref<64x128xf32, #tpu.memory_space<vmem>>)
      %add3A_271 = arith.constant 1 : i32
      %add3A_272 = arith.addi %mul3A_246, %add3A_271 : i32
      %dma_start3A_273 = arith.constant 0 : i32
      %dma_start3A_274 = tpu.memref_slice %arg7[%add3A_272, %dma_start3A_273] : memref<80x64xi32, #tpu.memory_space<vmem>> -> memref<1x64xi32, #tpu.memory_space<vmem>>
      %dma_start3A_275 = tpu.memref_squeeze %dma_start3A_274 : memref<1x64xi32, #tpu.memory_space<vmem>> -> memref<64xi32, #tpu.memory_space<vmem>>
      %dma_start3A_276 = arith.constant 0 : i32
      %dma_start3A_277 = arith.constant 0 : i32
      %dma_start3A_278 = tpu.memref_slice %arg12[%dma_start3A_276, %dma_start3A_277] : memref<10240x128xf32, #tpu.memory_space<vmem_shared>> -> memref<10240x128xf32, #tpu.memory_space<vmem_shared>>
      tpu.enqueue_indirect_dma source(%arg9 : memref<64x128xf32, #tpu.memory_space<vmem>>) target(%dma_start3A_278 : memref<10240x128xf32, #tpu.memory_space<vmem_shared>>) offsets(%dma_start3A_275 : memref<64xi32, #tpu.memory_space<vmem>>) semaphore(%arg18 : memref<!tpu.dma_semaphore, #tpu.memory_space<semaphore_mem>>) {add = true}
      %add3A_279 = arith.constant 2 : i32
      %add3A_280 = arith.addi %mul3A_246, %add3A_279 : i32
      %dma_wait3A_281 = arith.constant 0 : i32
      %dma_wait3A_282 = tpu.memref_slice %arg6[%add3A_280, %dma_wait3A_281] : memref<80x64xi32, #tpu.memory_space<vmem>> -> memref<1x64xi32, #tpu.memory_space<vmem>>
      %dma_wait3A_283 = tpu.memref_squeeze %dma_wait3A_282 : memref<1x64xi32, #tpu.memory_space<vmem>> -> memref<64xi32, #tpu.memory_space<vmem>>
      %dma_wait3A_284 = arith.constant 0 : i32
      %dma_wait3A_285 = arith.constant 0 : i32
      %dma_wait3A_286 = tpu.memref_slice %arg2[%dma_wait3A_284, %dma_wait3A_285] : memref<10240x128xf32, #tpu.memory_space<hbm>> -> memref<10240x128xf32, #tpu.memory_space<hbm>>
      tpu.wait_indirect_dma semaphore(%arg15 : memref<!tpu.dma_semaphore, #tpu.memory_space<semaphore_mem>>) src(%dma_wait3A_286 : memref<10240x128xf32, #tpu.memory_space<hbm>>) dst(%arg10 : memref<64x128xf32, #tpu.memory_space<vmem>>)
      %add3A_287 = arith.constant 2 : i32
      %add3A_288 = arith.addi %mul3A_246, %add3A_287 : i32
      %dma_start3A_289 = arith.constant 0 : i32
      %dma_start3A_290 = tpu.memref_slice %arg7[%add3A_288, %dma_start3A_289] : memref<80x64xi32, #tpu.memory_space<vmem>> -> memref<1x64xi32, #tpu.memory_space<vmem>>
      %dma_start3A_291 = tpu.memref_squeeze %dma_start3A_290 : memref<1x64xi32, #tpu.memory_space<vmem>> -> memref<64xi32, #tpu.memory_space<vmem>>
      %dma_start3A_292 = arith.constant 0 : i32
      %dma_start3A_293 = arith.constant 0 : i32
      %dma_start3A_294 = tpu.memref_slice %arg12[%dma_start3A_292, %dma_start3A_293] : memref<10240x128xf32, #tpu.memory_space<vmem_shared>> -> memref<10240x128xf32, #tpu.memory_space<vmem_shared>>
      tpu.enqueue_indirect_dma source(%arg10 : memref<64x128xf32, #tpu.memory_space<vmem>>) target(%dma_start3A_294 : memref<10240x128xf32, #tpu.memory_space<vmem_shared>>) offsets(%dma_start3A_291 : memref<64xi32, #tpu.memory_space<vmem>>) semaphore(%arg19 : memref<!tpu.dma_semaphore, #tpu.memory_space<semaphore_mem>>) {add = true}
      %add3A_295 = arith.constant 3 : i32
      %add3A_296 = arith.addi %mul3A_246, %add3A_295 : i32
      %dma_wait3A_297 = arith.constant 0 : i32
      %dma_wait3A_298 = tpu.memref_slice %arg6[%add3A_296, %dma_wait3A_297] : memref<80x64xi32, #tpu.memory_space<vmem>> -> memref<1x64xi32, #tpu.memory_space<vmem>>
      %dma_wait3A_299 = tpu.memref_squeeze %dma_wait3A_298 : memref<1x64xi32, #tpu.memory_space<vmem>> -> memref<64xi32, #tpu.memory_space<vmem>>
      %dma_wait3A_300 = arith.constant 0 : i32
      %dma_wait3A_301 = arith.constant 0 : i32
      %dma_wait3A_302 = tpu.memref_slice %arg2[%dma_wait3A_300, %dma_wait3A_301] : memref<10240x128xf32, #tpu.memory_space<hbm>> -> memref<10240x128xf32, #tpu.memory_space<hbm>>
      tpu.wait_indirect_dma semaphore(%arg16 : memref<!tpu.dma_semaphore, #tpu.memory_space<semaphore_mem>>) src(%dma_wait3A_302 : memref<10240x128xf32, #tpu.memory_space<hbm>>) dst(%arg11 : memref<64x128xf32, #tpu.memory_space<vmem>>)
      %add3A_303 = arith.constant 3 : i32
      %add3A_304 = arith.addi %mul3A_246, %add3A_303 : i32
      %dma_start3A_305 = arith.constant 0 : i32
      %dma_start3A_306 = tpu.memref_slice %arg7[%add3A_304, %dma_start3A_305] : memref<80x64xi32, #tpu.memory_space<vmem>> -> memref<1x64xi32, #tpu.memory_space<vmem>>
      %dma_start3A_307 = tpu.memref_squeeze %dma_start3A_306 : memref<1x64xi32, #tpu.memory_space<vmem>> -> memref<64xi32, #tpu.memory_space<vmem>>
      %dma_start3A_308 = arith.constant 0 : i32
      %dma_start3A_309 = arith.constant 0 : i32
      %dma_start3A_310 = tpu.memref_slice %arg12[%dma_start3A_308, %dma_start3A_309] : memref<10240x128xf32, #tpu.memory_space<vmem_shared>> -> memref<10240x128xf32, #tpu.memory_space<vmem_shared>>
      tpu.enqueue_indirect_dma source(%arg11 : memref<64x128xf32, #tpu.memory_space<vmem>>) target(%dma_start3A_310 : memref<10240x128xf32, #tpu.memory_space<vmem_shared>>) offsets(%dma_start3A_307 : memref<64xi32, #tpu.memory_space<vmem>>) semaphore(%arg20 : memref<!tpu.dma_semaphore, #tpu.memory_space<semaphore_mem>>) {add = true}
      %add3A_311 = arith.constant 0 : i32
      %add3A_312 = arith.addi %mul3A_246, %add3A_311 : i32
      %dma_wait3A_313 = arith.constant 0 : i32
      %dma_wait3A_314 = tpu.memref_slice %arg7[%add3A_312, %dma_wait3A_313] : memref<80x64xi32, #tpu.memory_space<vmem>> -> memref<1x64xi32, #tpu.memory_space<vmem>>
      %dma_wait3A_315 = tpu.memref_squeeze %dma_wait3A_314 : memref<1x64xi32, #tpu.memory_space<vmem>> -> memref<64xi32, #tpu.memory_space<vmem>>
      %dma_wait3A_316 = arith.constant 0 : i32
      %dma_wait3A_317 = arith.constant 0 : i32
      %dma_wait3A_318 = tpu.memref_slice %arg12[%dma_wait3A_316, %dma_wait3A_317] : memref<10240x128xf32, #tpu.memory_space<vmem_shared>> -> memref<10240x128xf32, #tpu.memory_space<vmem_shared>>
      tpu.wait_indirect_dma semaphore(%arg17 : memref<!tpu.dma_semaphore, #tpu.memory_space<semaphore_mem>>) src(%arg8 : memref<64x128xf32, #tpu.memory_space<vmem>>) dst(%dma_wait3A_318 : memref<10240x128xf32, #tpu.memory_space<vmem_shared>>)
      %add3A_319 = arith.constant 4 : i32
      %add3A_320 = arith.addi %mul3A_246, %add3A_319 : i32
      %add3A_321 = arith.constant 0 : i32
      %add3A_322 = arith.addi %add3A_320, %add3A_321 : i32
      %dma_start3A_323 = arith.constant 0 : i32
      %dma_start3A_324 = tpu.memref_slice %arg6[%add3A_322, %dma_start3A_323] : memref<80x64xi32, #tpu.memory_space<vmem>> -> memref<1x64xi32, #tpu.memory_space<vmem>>
      %dma_start3A_325 = tpu.memref_squeeze %dma_start3A_324 : memref<1x64xi32, #tpu.memory_space<vmem>> -> memref<64xi32, #tpu.memory_space<vmem>>
      %dma_start3A_326 = arith.constant 0 : i32
      %dma_start3A_327 = arith.constant 0 : i32
      %dma_start3A_328 = tpu.memref_slice %arg2[%dma_start3A_326, %dma_start3A_327] : memref<10240x128xf32, #tpu.memory_space<hbm>> -> memref<10240x128xf32, #tpu.memory_space<hbm>>
      tpu.enqueue_indirect_dma source(%dma_start3A_328 : memref<10240x128xf32, #tpu.memory_space<hbm>>) target(%arg8 : memref<64x128xf32, #tpu.memory_space<vmem>>) offsets(%dma_start3A_325 : memref<64xi32, #tpu.memory_space<vmem>>) semaphore(%arg13 : memref<!tpu.dma_semaphore, #tpu.memory_space<semaphore_mem>>)
      %add3A_329 = arith.constant 1 : i32
      %add3A_330 = arith.addi %mul3A_246, %add3A_329 : i32
      %dma_wait3A_331 = arith.constant 0 : i32
      %dma_wait3A_332 = tpu.memref_slice %arg7[%add3A_330, %dma_wait3A_331] : memref<80x64xi32, #tpu.memory_space<vmem>> -> memref<1x64xi32, #tpu.memory_space<vmem>>
      %dma_wait3A_333 = tpu.memref_squeeze %dma_wait3A_332 : memref<1x64xi32, #tpu.memory_space<vmem>> -> memref<64xi32, #tpu.memory_space<vmem>>
      %dma_wait3A_334 = arith.constant 0 : i32
      %dma_wait3A_335 = arith.constant 0 : i32
      %dma_wait3A_336 = tpu.memref_slice %arg12[%dma_wait3A_334, %dma_wait3A_335] : memref<10240x128xf32, #tpu.memory_space<vmem_shared>> -> memref<10240x128xf32, #tpu.memory_space<vmem_shared>>
      tpu.wait_indirect_dma semaphore(%arg18 : memref<!tpu.dma_semaphore, #tpu.memory_space<semaphore_mem>>) src(%arg9 : memref<64x128xf32, #tpu.memory_space<vmem>>) dst(%dma_wait3A_336 : memref<10240x128xf32, #tpu.memory_space<vmem_shared>>)
      %add3A_337 = arith.constant 4 : i32
      %add3A_338 = arith.addi %mul3A_246, %add3A_337 : i32
      %add3A_339 = arith.constant 1 : i32
      %add3A_340 = arith.addi %add3A_338, %add3A_339 : i32
      %dma_start3A_341 = arith.constant 0 : i32
      %dma_start3A_342 = tpu.memref_slice %arg6[%add3A_340, %dma_start3A_341] : memref<80x64xi32, #tpu.memory_space<vmem>> -> memref<1x64xi32, #tpu.memory_space<vmem>>
      %dma_start3A_343 = tpu.memref_squeeze %dma_start3A_342 : memref<1x64xi32, #tpu.memory_space<vmem>> -> memref<64xi32, #tpu.memory_space<vmem>>
      %dma_start3A_344 = arith.constant 0 : i32
      %dma_start3A_345 = arith.constant 0 : i32
      %dma_start3A_346 = tpu.memref_slice %arg2[%dma_start3A_344, %dma_start3A_345] : memref<10240x128xf32, #tpu.memory_space<hbm>> -> memref<10240x128xf32, #tpu.memory_space<hbm>>
      tpu.enqueue_indirect_dma source(%dma_start3A_346 : memref<10240x128xf32, #tpu.memory_space<hbm>>) target(%arg9 : memref<64x128xf32, #tpu.memory_space<vmem>>) offsets(%dma_start3A_343 : memref<64xi32, #tpu.memory_space<vmem>>) semaphore(%arg14 : memref<!tpu.dma_semaphore, #tpu.memory_space<semaphore_mem>>)
      %add3A_347 = arith.constant 2 : i32
      %add3A_348 = arith.addi %mul3A_246, %add3A_347 : i32
      %dma_wait3A_349 = arith.constant 0 : i32
      %dma_wait3A_350 = tpu.memref_slice %arg7[%add3A_348, %dma_wait3A_349] : memref<80x64xi32, #tpu.memory_space<vmem>> -> memref<1x64xi32, #tpu.memory_space<vmem>>
      %dma_wait3A_351 = tpu.memref_squeeze %dma_wait3A_350 : memref<1x64xi32, #tpu.memory_space<vmem>> -> memref<64xi32, #tpu.memory_space<vmem>>
      %dma_wait3A_352 = arith.constant 0 : i32
      %dma_wait3A_353 = arith.constant 0 : i32
      %dma_wait3A_354 = tpu.memref_slice %arg12[%dma_wait3A_352, %dma_wait3A_353] : memref<10240x128xf32, #tpu.memory_space<vmem_shared>> -> memref<10240x128xf32, #tpu.memory_space<vmem_shared>>
      tpu.wait_indirect_dma semaphore(%arg19 : memref<!tpu.dma_semaphore, #tpu.memory_space<semaphore_mem>>) src(%arg10 : memref<64x128xf32, #tpu.memory_space<vmem>>) dst(%dma_wait3A_354 : memref<10240x128xf32, #tpu.memory_space<vmem_shared>>)
      %add3A_355 = arith.constant 4 : i32
      %add3A_356 = arith.addi %mul3A_246, %add3A_355 : i32
      %add3A_357 = arith.constant 2 : i32
      %add3A_358 = arith.addi %add3A_356, %add3A_357 : i32
      %dma_start3A_359 = arith.constant 0 : i32
      %dma_start3A_360 = tpu.memref_slice %arg6[%add3A_358, %dma_start3A_359] : memref<80x64xi32, #tpu.memory_space<vmem>> -> memref<1x64xi32, #tpu.memory_space<vmem>>
      %dma_start3A_361 = tpu.memref_squeeze %dma_start3A_360 : memref<1x64xi32, #tpu.memory_space<vmem>> -> memref<64xi32, #tpu.memory_space<vmem>>
      %dma_start3A_362 = arith.constant 0 : i32
      %dma_start3A_363 = arith.constant 0 : i32
      %dma_start3A_364 = tpu.memref_slice %arg2[%dma_start3A_362, %dma_start3A_363] : memref<10240x128xf32, #tpu.memory_space<hbm>> -> memref<10240x128xf32, #tpu.memory_space<hbm>>
      tpu.enqueue_indirect_dma source(%dma_start3A_364 : memref<10240x128xf32, #tpu.memory_space<hbm>>) target(%arg10 : memref<64x128xf32, #tpu.memory_space<vmem>>) offsets(%dma_start3A_361 : memref<64xi32, #tpu.memory_space<vmem>>) semaphore(%arg15 : memref<!tpu.dma_semaphore, #tpu.memory_space<semaphore_mem>>)
      %add3A_365 = arith.constant 3 : i32
      %add3A_366 = arith.addi %mul3A_246, %add3A_365 : i32
      %dma_wait3A_367 = arith.constant 0 : i32
      %dma_wait3A_368 = tpu.memref_slice %arg7[%add3A_366, %dma_wait3A_367] : memref<80x64xi32, #tpu.memory_space<vmem>> -> memref<1x64xi32, #tpu.memory_space<vmem>>
      %dma_wait3A_369 = tpu.memref_squeeze %dma_wait3A_368 : memref<1x64xi32, #tpu.memory_space<vmem>> -> memref<64xi32, #tpu.memory_space<vmem>>
      %dma_wait3A_370 = arith.constant 0 : i32
      %dma_wait3A_371 = arith.constant 0 : i32
      %dma_wait3A_372 = tpu.memref_slice %arg12[%dma_wait3A_370, %dma_wait3A_371] : memref<10240x128xf32, #tpu.memory_space<vmem_shared>> -> memref<10240x128xf32, #tpu.memory_space<vmem_shared>>
      tpu.wait_indirect_dma semaphore(%arg20 : memref<!tpu.dma_semaphore, #tpu.memory_space<semaphore_mem>>) src(%arg11 : memref<64x128xf32, #tpu.memory_space<vmem>>) dst(%dma_wait3A_372 : memref<10240x128xf32, #tpu.memory_space<vmem_shared>>)
      %add3A_373 = arith.constant 4 : i32
      %add3A_374 = arith.addi %mul3A_246, %add3A_373 : i32
      %add3A_375 = arith.constant 3 : i32
      %add3A_376 = arith.addi %add3A_374, %add3A_375 : i32
      %dma_start3A_377 = arith.constant 0 : i32
      %dma_start3A_378 = tpu.memref_slice %arg6[%add3A_376, %dma_start3A_377] : memref<80x64xi32, #tpu.memory_space<vmem>> -> memref<1x64xi32, #tpu.memory_space<vmem>>
      %dma_start3A_379 = tpu.memref_squeeze %dma_start3A_378 : memref<1x64xi32, #tpu.memory_space<vmem>> -> memref<64xi32, #tpu.memory_space<vmem>>
      %dma_start3A_380 = arith.constant 0 : i32
      %dma_start3A_381 = arith.constant 0 : i32
      %dma_start3A_382 = tpu.memref_slice %arg2[%dma_start3A_380, %dma_start3A_381] : memref<10240x128xf32, #tpu.memory_space<hbm>> -> memref<10240x128xf32, #tpu.memory_space<hbm>>
      tpu.enqueue_indirect_dma source(%dma_start3A_382 : memref<10240x128xf32, #tpu.memory_space<hbm>>) target(%arg11 : memref<64x128xf32, #tpu.memory_space<vmem>>) offsets(%dma_start3A_379 : memref<64xi32, #tpu.memory_space<vmem>>) semaphore(%arg16 : memref<!tpu.dma_semaphore, #tpu.memory_space<semaphore_mem>>)
    }
    %scan3A_37 = arith.constant 19 : i32
    %dma_wait3A = arith.constant 76 : i32
    %dma_wait3A_38 = arith.constant 0 : i32
    %dma_wait3A_39 = tpu.memref_slice %arg6[%dma_wait3A, %dma_wait3A_38] : memref<80x64xi32, #tpu.memory_space<vmem>> -> memref<1x64xi32, #tpu.memory_space<vmem>>
    %dma_wait3A_40 = tpu.memref_squeeze %dma_wait3A_39 : memref<1x64xi32, #tpu.memory_space<vmem>> -> memref<64xi32, #tpu.memory_space<vmem>>
    %dma_wait3A_41 = arith.constant 0 : i32
    %dma_wait3A_42 = arith.constant 0 : i32
    %dma_wait3A_43 = tpu.memref_slice %arg2[%dma_wait3A_41, %dma_wait3A_42] : memref<10240x128xf32, #tpu.memory_space<hbm>> -> memref<10240x128xf32, #tpu.memory_space<hbm>>
    tpu.wait_indirect_dma semaphore(%arg13 : memref<!tpu.dma_semaphore, #tpu.memory_space<semaphore_mem>>) src(%dma_wait3A_43 : memref<10240x128xf32, #tpu.memory_space<hbm>>) dst(%arg8 : memref<64x128xf32, #tpu.memory_space<vmem>>)
    %dma_start3A_44 = arith.constant 76 : i32
    %dma_start3A_45 = arith.constant 0 : i32
    %dma_start3A_46 = tpu.memref_slice %arg7[%dma_start3A_44, %dma_start3A_45] : memref<80x64xi32, #tpu.memory_space<vmem>> -> memref<1x64xi32, #tpu.memory_space<vmem>>
    %dma_start3A_47 = tpu.memref_squeeze %dma_start3A_46 : memref<1x64xi32, #tpu.memory_space<vmem>> -> memref<64xi32, #tpu.memory_space<vmem>>
    %dma_start3A_48 = arith.constant 0 : i32
    %dma_start3A_49 = arith.constant 0 : i32
    %dma_start3A_50 = tpu.memref_slice %arg12[%dma_start3A_48, %dma_start3A_49] : memref<10240x128xf32, #tpu.memory_space<vmem_shared>> -> memref<10240x128xf32, #tpu.memory_space<vmem_shared>>
    tpu.enqueue_indirect_dma source(%arg8 : memref<64x128xf32, #tpu.memory_space<vmem>>) target(%dma_start3A_50 : memref<10240x128xf32, #tpu.memory_space<vmem_shared>>) offsets(%dma_start3A_47 : memref<64xi32, #tpu.memory_space<vmem>>) semaphore(%arg17 : memref<!tpu.dma_semaphore, #tpu.memory_space<semaphore_mem>>) {add = true}
    %dma_wait3A_51 = arith.constant 77 : i32
    %dma_wait3A_52 = arith.constant 0 : i32
    %dma_wait3A_53 = tpu.memref_slice %arg6[%dma_wait3A_51, %dma_wait3A_52] : memref<80x64xi32, #tpu.memory_space<vmem>> -> memref<1x64xi32, #tpu.memory_space<vmem>>
    %dma_wait3A_54 = tpu.memref_squeeze %dma_wait3A_53 : memref<1x64xi32, #tpu.memory_space<vmem>> -> memref<64xi32, #tpu.memory_space<vmem>>
    %dma_wait3A_55 = arith.constant 0 : i32
    %dma_wait3A_56 = arith.constant 0 : i32
    %dma_wait3A_57 = tpu.memref_slice %arg2[%dma_wait3A_55, %dma_wait3A_56] : memref<10240x128xf32, #tpu.memory_space<hbm>> -> memref<10240x128xf32, #tpu.memory_space<hbm>>
    tpu.wait_indirect_dma semaphore(%arg14 : memref<!tpu.dma_semaphore, #tpu.memory_space<semaphore_mem>>) src(%dma_wait3A_57 : memref<10240x128xf32, #tpu.memory_space<hbm>>) dst(%arg9 : memref<64x128xf32, #tpu.memory_space<vmem>>)
    %dma_start3A_58 = arith.constant 77 : i32
    %dma_start3A_59 = arith.constant 0 : i32
    %dma_start3A_60 = tpu.memref_slice %arg7[%dma_start3A_58, %dma_start3A_59] : memref<80x64xi32, #tpu.memory_space<vmem>> -> memref<1x64xi32, #tpu.memory_space<vmem>>
    %dma_start3A_61 = tpu.memref_squeeze %dma_start3A_60 : memref<1x64xi32, #tpu.memory_space<vmem>> -> memref<64xi32, #tpu.memory_space<vmem>>
    %dma_start3A_62 = arith.constant 0 : i32
    %dma_start3A_63 = arith.constant 0 : i32
    %dma_start3A_64 = tpu.memref_slice %arg12[%dma_start3A_62, %dma_start3A_63] : memref<10240x128xf32, #tpu.memory_space<vmem_shared>> -> memref<10240x128xf32, #tpu.memory_space<vmem_shared>>
    tpu.enqueue_indirect_dma source(%arg9 : memref<64x128xf32, #tpu.memory_space<vmem>>) target(%dma_start3A_64 : memref<10240x128xf32, #tpu.memory_space<vmem_shared>>) offsets(%dma_start3A_61 : memref<64xi32, #tpu.memory_space<vmem>>) semaphore(%arg18 : memref<!tpu.dma_semaphore, #tpu.memory_space<semaphore_mem>>) {add = true}
    %dma_wait3A_65 = arith.constant 78 : i32
    %dma_wait3A_66 = arith.constant 0 : i32
    %dma_wait3A_67 = tpu.memref_slice %arg6[%dma_wait3A_65, %dma_wait3A_66] : memref<80x64xi32, #tpu.memory_space<vmem>> -> memref<1x64xi32, #tpu.memory_space<vmem>>
    %dma_wait3A_68 = tpu.memref_squeeze %dma_wait3A_67 : memref<1x64xi32, #tpu.memory_space<vmem>> -> memref<64xi32, #tpu.memory_space<vmem>>
    %dma_wait3A_69 = arith.constant 0 : i32
    %dma_wait3A_70 = arith.constant 0 : i32
    %dma_wait3A_71 = tpu.memref_slice %arg2[%dma_wait3A_69, %dma_wait3A_70] : memref<10240x128xf32, #tpu.memory_space<hbm>> -> memref<10240x128xf32, #tpu.memory_space<hbm>>
    tpu.wait_indirect_dma semaphore(%arg15 : memref<!tpu.dma_semaphore, #tpu.memory_space<semaphore_mem>>) src(%dma_wait3A_71 : memref<10240x128xf32, #tpu.memory_space<hbm>>) dst(%arg10 : memref<64x128xf32, #tpu.memory_space<vmem>>)
    %dma_start3A_72 = arith.constant 78 : i32
    %dma_start3A_73 = arith.constant 0 : i32
    %dma_start3A_74 = tpu.memref_slice %arg7[%dma_start3A_72, %dma_start3A_73] : memref<80x64xi32, #tpu.memory_space<vmem>> -> memref<1x64xi32, #tpu.memory_space<vmem>>
    %dma_start3A_75 = tpu.memref_squeeze %dma_start3A_74 : memref<1x64xi32, #tpu.memory_space<vmem>> -> memref<64xi32, #tpu.memory_space<vmem>>
    %dma_start3A_76 = arith.constant 0 : i32
    %dma_start3A_77 = arith.constant 0 : i32
    %dma_start3A_78 = tpu.memref_slice %arg12[%dma_start3A_76, %dma_start3A_77] : memref<10240x128xf32, #tpu.memory_space<vmem_shared>> -> memref<10240x128xf32, #tpu.memory_space<vmem_shared>>
    tpu.enqueue_indirect_dma source(%arg10 : memref<64x128xf32, #tpu.memory_space<vmem>>) target(%dma_start3A_78 : memref<10240x128xf32, #tpu.memory_space<vmem_shared>>) offsets(%dma_start3A_75 : memref<64xi32, #tpu.memory_space<vmem>>) semaphore(%arg19 : memref<!tpu.dma_semaphore, #tpu.memory_space<semaphore_mem>>) {add = true}
    %dma_wait3A_79 = arith.constant 79 : i32
    %dma_wait3A_80 = arith.constant 0 : i32
    %dma_wait3A_81 = tpu.memref_slice %arg6[%dma_wait3A_79, %dma_wait3A_80] : memref<80x64xi32, #tpu.memory_space<vmem>> -> memref<1x64xi32, #tpu.memory_space<vmem>>
    %dma_wait3A_82 = tpu.memref_squeeze %dma_wait3A_81 : memref<1x64xi32, #tpu.memory_space<vmem>> -> memref<64xi32, #tpu.memory_space<vmem>>
    %dma_wait3A_83 = arith.constant 0 : i32
    %dma_wait3A_84 = arith.constant 0 : i32
    %dma_wait3A_85 = tpu.memref_slice %arg2[%dma_wait3A_83, %dma_wait3A_84] : memref<10240x128xf32, #tpu.memory_space<hbm>> -> memref<10240x128xf32, #tpu.memory_space<hbm>>
    tpu.wait_indirect_dma semaphore(%arg16 : memref<!tpu.dma_semaphore, #tpu.memory_space<semaphore_mem>>) src(%dma_wait3A_85 : memref<10240x128xf32, #tpu.memory_space<hbm>>) dst(%arg11 : memref<64x128xf32, #tpu.memory_space<vmem>>)
    %dma_start3A_86 = arith.constant 79 : i32
    %dma_start3A_87 = arith.constant 0 : i32
    %dma_start3A_88 = tpu.memref_slice %arg7[%dma_start3A_86, %dma_start3A_87] : memref<80x64xi32, #tpu.memory_space<vmem>> -> memref<1x64xi32, #tpu.memory_space<vmem>>
    %dma_start3A_89 = tpu.memref_squeeze %dma_start3A_88 : memref<1x64xi32, #tpu.memory_space<vmem>> -> memref<64xi32, #tpu.memory_space<vmem>>
    %dma_start3A_90 = arith.constant 0 : i32
    %dma_start3A_91 = arith.constant 0 : i32
    %dma_start3A_92 = tpu.memref_slice %arg12[%dma_start3A_90, %dma_start3A_91] : memref<10240x128xf32, #tpu.memory_space<vmem_shared>> -> memref<10240x128xf32, #tpu.memory_space<vmem_shared>>
    tpu.enqueue_indirect_dma source(%arg11 : memref<64x128xf32, #tpu.memory_space<vmem>>) target(%dma_start3A_92 : memref<10240x128xf32, #tpu.memory_space<vmem_shared>>) offsets(%dma_start3A_89 : memref<64xi32, #tpu.memory_space<vmem>>) semaphore(%arg20 : memref<!tpu.dma_semaphore, #tpu.memory_space<semaphore_mem>>) {add = true}
    %dma_wait3A_93 = arith.constant 76 : i32
    %dma_wait3A_94 = arith.constant 0 : i32
    %dma_wait3A_95 = tpu.memref_slice %arg7[%dma_wait3A_93, %dma_wait3A_94] : memref<80x64xi32, #tpu.memory_space<vmem>> -> memref<1x64xi32, #tpu.memory_space<vmem>>
    %dma_wait3A_96 = tpu.memref_squeeze %dma_wait3A_95 : memref<1x64xi32, #tpu.memory_space<vmem>> -> memref<64xi32, #tpu.memory_space<vmem>>
    %dma_wait3A_97 = arith.constant 0 : i32
    %dma_wait3A_98 = arith.constant 0 : i32
    %dma_wait3A_99 = tpu.memref_slice %arg12[%dma_wait3A_97, %dma_wait3A_98] : memref<10240x128xf32, #tpu.memory_space<vmem_shared>> -> memref<10240x128xf32, #tpu.memory_space<vmem_shared>>
    tpu.wait_indirect_dma semaphore(%arg17 : memref<!tpu.dma_semaphore, #tpu.memory_space<semaphore_mem>>) src(%arg8 : memref<64x128xf32, #tpu.memory_space<vmem>>) dst(%dma_wait3A_99 : memref<10240x128xf32, #tpu.memory_space<vmem_shared>>)
    %dma_wait3A_100 = arith.constant 77 : i32
    %dma_wait3A_101 = arith.constant 0 : i32
    %dma_wait3A_102 = tpu.memref_slice %arg7[%dma_wait3A_100, %dma_wait3A_101] : memref<80x64xi32, #tpu.memory_space<vmem>> -> memref<1x64xi32, #tpu.memory_space<vmem>>
    %dma_wait3A_103 = tpu.memref_squeeze %dma_wait3A_102 : memref<1x64xi32, #tpu.memory_space<vmem>> -> memref<64xi32, #tpu.memory_space<vmem>>
    %dma_wait3A_104 = arith.constant 0 : i32
    %dma_wait3A_105 = arith.constant 0 : i32
    %dma_wait3A_106 = tpu.memref_slice %arg12[%dma_wait3A_104, %dma_wait3A_105] : memref<10240x128xf32, #tpu.memory_space<vmem_shared>> -> memref<10240x128xf32, #tpu.memory_space<vmem_shared>>
    tpu.wait_indirect_dma semaphore(%arg18 : memref<!tpu.dma_semaphore, #tpu.memory_space<semaphore_mem>>) src(%arg9 : memref<64x128xf32, #tpu.memory_space<vmem>>) dst(%dma_wait3A_106 : memref<10240x128xf32, #tpu.memory_space<vmem_shared>>)
    %dma_wait3A_107 = arith.constant 78 : i32
    %dma_wait3A_108 = arith.constant 0 : i32
    %dma_wait3A_109 = tpu.memref_slice %arg7[%dma_wait3A_107, %dma_wait3A_108] : memref<80x64xi32, #tpu.memory_space<vmem>> -> memref<1x64xi32, #tpu.memory_space<vmem>>
    %dma_wait3A_110 = tpu.memref_squeeze %dma_wait3A_109 : memref<1x64xi32, #tpu.memory_space<vmem>> -> memref<64xi32, #tpu.memory_space<vmem>>
    %dma_wait3A_111 = arith.constant 0 : i32
    %dma_wait3A_112 = arith.constant 0 : i32
    %dma_wait3A_113 = tpu.memref_slice %arg12[%dma_wait3A_111, %dma_wait3A_112] : memref<10240x128xf32, #tpu.memory_space<vmem_shared>> -> memref<10240x128xf32, #tpu.memory_space<vmem_shared>>
    tpu.wait_indirect_dma semaphore(%arg19 : memref<!tpu.dma_semaphore, #tpu.memory_space<semaphore_mem>>) src(%arg10 : memref<64x128xf32, #tpu.memory_space<vmem>>) dst(%dma_wait3A_113 : memref<10240x128xf32, #tpu.memory_space<vmem_shared>>)
    %dma_wait3A_114 = arith.constant 79 : i32
    %dma_wait3A_115 = arith.constant 0 : i32
    %dma_wait3A_116 = tpu.memref_slice %arg7[%dma_wait3A_114, %dma_wait3A_115] : memref<80x64xi32, #tpu.memory_space<vmem>> -> memref<1x64xi32, #tpu.memory_space<vmem>>
    %dma_wait3A_117 = tpu.memref_squeeze %dma_wait3A_116 : memref<1x64xi32, #tpu.memory_space<vmem>> -> memref<64xi32, #tpu.memory_space<vmem>>
    %dma_wait3A_118 = arith.constant 0 : i32
    %dma_wait3A_119 = arith.constant 0 : i32
    %dma_wait3A_120 = tpu.memref_slice %arg12[%dma_wait3A_118, %dma_wait3A_119] : memref<10240x128xf32, #tpu.memory_space<vmem_shared>> -> memref<10240x128xf32, #tpu.memory_space<vmem_shared>>
    tpu.wait_indirect_dma semaphore(%arg20 : memref<!tpu.dma_semaphore, #tpu.memory_space<semaphore_mem>>) src(%arg11 : memref<64x128xf32, #tpu.memory_space<vmem>>) dst(%dma_wait3A_120 : memref<10240x128xf32, #tpu.memory_space<vmem_shared>>)
    %run_scoped3A_121 = arith.constant 0 : i32
    %run_scoped3A_122 = arith.constant 1 : i32
    "tpu.region"() ({
      %run_scoped3A_244 = tpu.sem_alloc : memref<!tpu.dma_semaphore, #tpu.memory_space<semaphore_mem>>
      %dma_start3A_245 = arith.constant 0 : i32
      %dma_start3A_246 = arith.constant 0 : i32
      %dma_start3A_247 = tpu.memref_slice %arg3[%run_scoped3A_121, %add3A, %run_scoped3A_122, %dma_start3A_245, %dma_start3A_246] : memref<2x32x2x80x64xi32, #tpu.memory_space<hbm>> -> memref<1x1x1x80x64xi32, #tpu.memory_space<hbm>>
      %dma_start3A_248 = tpu.memref_squeeze %dma_start3A_247 : memref<1x1x1x80x64xi32, #tpu.memory_space<hbm>> -> memref<80x64xi32, #tpu.memory_space<hbm>>
      %dma_start3A_249 = arith.constant 0 : i32
      %dma_start3A_250 = arith.constant 0 : i32
      %dma_start3A_251 = tpu.memref_slice %arg3[%run_scoped3A_121, %add3A, %run_scoped3A_122, %dma_start3A_249, %dma_start3A_250] : memref<2x32x2x80x64xi32, #tpu.memory_space<hbm>> -> memref<1x1x1x80x64xi32, #tpu.memory_space<hbm>>
      %dma_start3A_252 = tpu.memref_squeeze %dma_start3A_251 : memref<1x1x1x80x64xi32, #tpu.memory_space<hbm>> -> memref<80x64xi32, #tpu.memory_space<hbm>>
      tpu.enqueue_dma source(%dma_start3A_252 : memref<80x64xi32, #tpu.memory_space<hbm>>) target(%arg6 : memref<80x64xi32, #tpu.memory_space<vmem>>) target_semaphore(%run_scoped3A_244 : memref<!tpu.dma_semaphore, #tpu.memory_space<semaphore_mem>>)
      %dma_wait3A_253 = arith.constant 0 : i32
      %dma_wait3A_254 = arith.constant 0 : i32
      %dma_wait3A_255 = tpu.memref_slice %arg3[%run_scoped3A_121, %add3A, %run_scoped3A_122, %dma_wait3A_253, %dma_wait3A_254] : memref<2x32x2x80x64xi32, #tpu.memory_space<hbm>> -> memref<1x1x1x80x64xi32, #tpu.memory_space<hbm>>
      %dma_wait3A_256 = tpu.memref_squeeze %dma_wait3A_255 : memref<1x1x1x80x64xi32, #tpu.memory_space<hbm>> -> memref<80x64xi32, #tpu.memory_space<hbm>>
      %dma_wait3A_257 = arith.constant 0 : i32
      %dma_wait3A_258 = arith.constant 0 : i32
      %dma_wait3A_259 = tpu.memref_slice %arg3[%run_scoped3A_121, %add3A, %run_scoped3A_122, %dma_wait3A_257, %dma_wait3A_258] : memref<2x32x2x80x64xi32, #tpu.memory_space<hbm>> -> memref<1x1x1x80x64xi32, #tpu.memory_space<hbm>>
      %dma_wait3A_260 = tpu.memref_squeeze %dma_wait3A_259 : memref<1x1x1x80x64xi32, #tpu.memory_space<hbm>> -> memref<80x64xi32, #tpu.memory_space<hbm>>
      tpu.wait_dma2 semaphore(%run_scoped3A_244 : memref<!tpu.dma_semaphore, #tpu.memory_space<semaphore_mem>>) src(%dma_wait3A_260 : memref<80x64xi32, #tpu.memory_space<hbm>>) dst(%arg6 : memref<80x64xi32, #tpu.memory_space<vmem>>)
      tpu.yield
    }) : () -> ()
    %run_scoped3A_123 = arith.constant 1 : i32
    %run_scoped3A_124 = arith.constant 1 : i32
    "tpu.region"() ({
      %run_scoped3A_244 = tpu.sem_alloc : memref<!tpu.dma_semaphore, #tpu.memory_space<semaphore_mem>>
      %dma_start3A_245 = arith.constant 0 : i32
      %dma_start3A_246 = arith.constant 0 : i32
      %dma_start3A_247 = tpu.memref_slice %arg3[%run_scoped3A_123, %add3A, %run_scoped3A_124, %dma_start3A_245, %dma_start3A_246] : memref<2x32x2x80x64xi32, #tpu.memory_space<hbm>> -> memref<1x1x1x80x64xi32, #tpu.memory_space<hbm>>
      %dma_start3A_248 = tpu.memref_squeeze %dma_start3A_247 : memref<1x1x1x80x64xi32, #tpu.memory_space<hbm>> -> memref<80x64xi32, #tpu.memory_space<hbm>>
      %dma_start3A_249 = arith.constant 0 : i32
      %dma_start3A_250 = arith.constant 0 : i32
      %dma_start3A_251 = tpu.memref_slice %arg3[%run_scoped3A_123, %add3A, %run_scoped3A_124, %dma_start3A_249, %dma_start3A_250] : memref<2x32x2x80x64xi32, #tpu.memory_space<hbm>> -> memref<1x1x1x80x64xi32, #tpu.memory_space<hbm>>
      %dma_start3A_252 = tpu.memref_squeeze %dma_start3A_251 : memref<1x1x1x80x64xi32, #tpu.memory_space<hbm>> -> memref<80x64xi32, #tpu.memory_space<hbm>>
      tpu.enqueue_dma source(%dma_start3A_252 : memref<80x64xi32, #tpu.memory_space<hbm>>) target(%arg7 : memref<80x64xi32, #tpu.memory_space<vmem>>) target_semaphore(%run_scoped3A_244 : memref<!tpu.dma_semaphore, #tpu.memory_space<semaphore_mem>>)
      %dma_wait3A_253 = arith.constant 0 : i32
      %dma_wait3A_254 = arith.constant 0 : i32
      %dma_wait3A_255 = tpu.memref_slice %arg3[%run_scoped3A_123, %add3A, %run_scoped3A_124, %dma_wait3A_253, %dma_wait3A_254] : memref<2x32x2x80x64xi32, #tpu.memory_space<hbm>> -> memref<1x1x1x80x64xi32, #tpu.memory_space<hbm>>
      %dma_wait3A_256 = tpu.memref_squeeze %dma_wait3A_255 : memref<1x1x1x80x64xi32, #tpu.memory_space<hbm>> -> memref<80x64xi32, #tpu.memory_space<hbm>>
      %dma_wait3A_257 = arith.constant 0 : i32
      %dma_wait3A_258 = arith.constant 0 : i32
      %dma_wait3A_259 = tpu.memref_slice %arg3[%run_scoped3A_123, %add3A, %run_scoped3A_124, %dma_wait3A_257, %dma_wait3A_258] : memref<2x32x2x80x64xi32, #tpu.memory_space<hbm>> -> memref<1x1x1x80x64xi32, #tpu.memory_space<hbm>>
      %dma_wait3A_260 = tpu.memref_squeeze %dma_wait3A_259 : memref<1x1x1x80x64xi32, #tpu.memory_space<hbm>> -> memref<80x64xi32, #tpu.memory_space<hbm>>
      tpu.wait_dma2 semaphore(%run_scoped3A_244 : memref<!tpu.dma_semaphore, #tpu.memory_space<semaphore_mem>>) src(%dma_wait3A_260 : memref<80x64xi32, #tpu.memory_space<hbm>>) dst(%arg7 : memref<80x64xi32, #tpu.memory_space<vmem>>)
      tpu.yield
    }) : () -> ()
    %dma_start3A_125 = arith.constant 0 : i32
    %dma_start3A_126 = arith.constant 0 : i32
    %dma_start3A_127 = tpu.memref_slice %arg6[%dma_start3A_125, %dma_start3A_126] : memref<80x64xi32, #tpu.memory_space<vmem>> -> memref<1x64xi32, #tpu.memory_space<vmem>>
    %dma_start3A_128 = tpu.memref_squeeze %dma_start3A_127 : memref<1x64xi32, #tpu.memory_space<vmem>> -> memref<64xi32, #tpu.memory_space<vmem>>
    %dma_start3A_129 = arith.constant 0 : i32
    %dma_start3A_130 = arith.constant 0 : i32
    %dma_start3A_131 = tpu.memref_slice %arg2[%dma_start3A_129, %dma_start3A_130] : memref<10240x128xf32, #tpu.memory_space<hbm>> -> memref<10240x128xf32, #tpu.memory_space<hbm>>
    tpu.enqueue_indirect_dma source(%dma_start3A_131 : memref<10240x128xf32, #tpu.memory_space<hbm>>) target(%arg8 : memref<64x128xf32, #tpu.memory_space<vmem>>) offsets(%dma_start3A_128 : memref<64xi32, #tpu.memory_space<vmem>>) semaphore(%arg13 : memref<!tpu.dma_semaphore, #tpu.memory_space<semaphore_mem>>)
    %dma_start3A_132 = arith.constant 1 : i32
    %dma_start3A_133 = arith.constant 0 : i32
    %dma_start3A_134 = tpu.memref_slice %arg6[%dma_start3A_132, %dma_start3A_133] : memref<80x64xi32, #tpu.memory_space<vmem>> -> memref<1x64xi32, #tpu.memory_space<vmem>>
    %dma_start3A_135 = tpu.memref_squeeze %dma_start3A_134 : memref<1x64xi32, #tpu.memory_space<vmem>> -> memref<64xi32, #tpu.memory_space<vmem>>
    %dma_start3A_136 = arith.constant 0 : i32
    %dma_start3A_137 = arith.constant 0 : i32
    %dma_start3A_138 = tpu.memref_slice %arg2[%dma_start3A_136, %dma_start3A_137] : memref<10240x128xf32, #tpu.memory_space<hbm>> -> memref<10240x128xf32, #tpu.memory_space<hbm>>
    tpu.enqueue_indirect_dma source(%dma_start3A_138 : memref<10240x128xf32, #tpu.memory_space<hbm>>) target(%arg9 : memref<64x128xf32, #tpu.memory_space<vmem>>) offsets(%dma_start3A_135 : memref<64xi32, #tpu.memory_space<vmem>>) semaphore(%arg14 : memref<!tpu.dma_semaphore, #tpu.memory_space<semaphore_mem>>)
    %dma_start3A_139 = arith.constant 2 : i32
    %dma_start3A_140 = arith.constant 0 : i32
    %dma_start3A_141 = tpu.memref_slice %arg6[%dma_start3A_139, %dma_start3A_140] : memref<80x64xi32, #tpu.memory_space<vmem>> -> memref<1x64xi32, #tpu.memory_space<vmem>>
    %dma_start3A_142 = tpu.memref_squeeze %dma_start3A_141 : memref<1x64xi32, #tpu.memory_space<vmem>> -> memref<64xi32, #tpu.memory_space<vmem>>
    %dma_start3A_143 = arith.constant 0 : i32
    %dma_start3A_144 = arith.constant 0 : i32
    %dma_start3A_145 = tpu.memref_slice %arg2[%dma_start3A_143, %dma_start3A_144] : memref<10240x128xf32, #tpu.memory_space<hbm>> -> memref<10240x128xf32, #tpu.memory_space<hbm>>
    tpu.enqueue_indirect_dma source(%dma_start3A_145 : memref<10240x128xf32, #tpu.memory_space<hbm>>) target(%arg10 : memref<64x128xf32, #tpu.memory_space<vmem>>) offsets(%dma_start3A_142 : memref<64xi32, #tpu.memory_space<vmem>>) semaphore(%arg15 : memref<!tpu.dma_semaphore, #tpu.memory_space<semaphore_mem>>)
    %dma_start3A_146 = arith.constant 3 : i32
    %dma_start3A_147 = arith.constant 0 : i32
    %dma_start3A_148 = tpu.memref_slice %arg6[%dma_start3A_146, %dma_start3A_147] : memref<80x64xi32, #tpu.memory_space<vmem>> -> memref<1x64xi32, #tpu.memory_space<vmem>>
    %dma_start3A_149 = tpu.memref_squeeze %dma_start3A_148 : memref<1x64xi32, #tpu.memory_space<vmem>> -> memref<64xi32, #tpu.memory_space<vmem>>
    %dma_start3A_150 = arith.constant 0 : i32
    %dma_start3A_151 = arith.constant 0 : i32
    %dma_start3A_152 = tpu.memref_slice %arg2[%dma_start3A_150, %dma_start3A_151] : memref<10240x128xf32, #tpu.memory_space<hbm>> -> memref<10240x128xf32, #tpu.memory_space<hbm>>
    tpu.enqueue_indirect_dma source(%dma_start3A_152 : memref<10240x128xf32, #tpu.memory_space<hbm>>) target(%arg11 : memref<64x128xf32, #tpu.memory_space<vmem>>) offsets(%dma_start3A_149 : memref<64xi32, #tpu.memory_space<vmem>>) semaphore(%arg16 : memref<!tpu.dma_semaphore, #tpu.memory_space<semaphore_mem>>)
    %scan3A_153 = arith.constant 0 : i32
    %scan3A_154 = arith.constant 0 : i32
    %scan3A_155 = arith.constant 19 : i32
    %scan3A_156 = arith.addi %scan3A_154, %scan3A_155 : i32
    %scan3A_157 = arith.constant 1 : i32
    scf.for %scan3A_244 = %scan3A_154 to %scan3A_156 step %scan3A_157  : i32 {
      %mul3A_245 = arith.constant 4 : i32
      %mul3A_246 = arith.muli %mul3A_245, %scan3A_244 : i32
      %add3A_247 = arith.constant 0 : i32
      %add3A_248 = arith.addi %mul3A_246, %add3A_247 : i32
      %dma_wait3A_249 = arith.constant 0 : i32
      %dma_wait3A_250 = tpu.memref_slice %arg6[%add3A_248, %dma_wait3A_249] : memref<80x64xi32, #tpu.memory_space<vmem>> -> memref<1x64xi32, #tpu.memory_space<vmem>>
      %dma_wait3A_251 = tpu.memref_squeeze %dma_wait3A_250 : memref<1x64xi32, #tpu.memory_space<vmem>> -> memref<64xi32, #tpu.memory_space<vmem>>
      %dma_wait3A_252 = arith.constant 0 : i32
      %dma_wait3A_253 = arith.constant 0 : i32
      %dma_wait3A_254 = tpu.memref_slice %arg2[%dma_wait3A_252, %dma_wait3A_253] : memref<10240x128xf32, #tpu.memory_space<hbm>> -> memref<10240x128xf32, #tpu.memory_space<hbm>>
      tpu.wait_indirect_dma semaphore(%arg13 : memref<!tpu.dma_semaphore, #tpu.memory_space<semaphore_mem>>) src(%dma_wait3A_254 : memref<10240x128xf32, #tpu.memory_space<hbm>>) dst(%arg8 : memref<64x128xf32, #tpu.memory_space<vmem>>)
      %add3A_255 = arith.constant 0 : i32
      %add3A_256 = arith.addi %mul3A_246, %add3A_255 : i32
      %dma_start3A_257 = arith.constant 0 : i32
      %dma_start3A_258 = tpu.memref_slice %arg7[%add3A_256, %dma_start3A_257] : memref<80x64xi32, #tpu.memory_space<vmem>> -> memref<1x64xi32, #tpu.memory_space<vmem>>
      %dma_start3A_259 = tpu.memref_squeeze %dma_start3A_258 : memref<1x64xi32, #tpu.memory_space<vmem>> -> memref<64xi32, #tpu.memory_space<vmem>>
      %dma_start3A_260 = arith.constant 0 : i32
      %dma_start3A_261 = arith.constant 0 : i32
      %dma_start3A_262 = tpu.memref_slice %arg12[%dma_start3A_260, %dma_start3A_261] : memref<10240x128xf32, #tpu.memory_space<vmem_shared>> -> memref<10240x128xf32, #tpu.memory_space<vmem_shared>>
      tpu.enqueue_indirect_dma source(%arg8 : memref<64x128xf32, #tpu.memory_space<vmem>>) target(%dma_start3A_262 : memref<10240x128xf32, #tpu.memory_space<vmem_shared>>) offsets(%dma_start3A_259 : memref<64xi32, #tpu.memory_space<vmem>>) semaphore(%arg17 : memref<!tpu.dma_semaphore, #tpu.memory_space<semaphore_mem>>) {add = true}
      %add3A_263 = arith.constant 1 : i32
      %add3A_264 = arith.addi %mul3A_246, %add3A_263 : i32
      %dma_wait3A_265 = arith.constant 0 : i32
      %dma_wait3A_266 = tpu.memref_slice %arg6[%add3A_264, %dma_wait3A_265] : memref<80x64xi32, #tpu.memory_space<vmem>> -> memref<1x64xi32, #tpu.memory_space<vmem>>
      %dma_wait3A_267 = tpu.memref_squeeze %dma_wait3A_266 : memref<1x64xi32, #tpu.memory_space<vmem>> -> memref<64xi32, #tpu.memory_space<vmem>>
      %dma_wait3A_268 = arith.constant 0 : i32
      %dma_wait3A_269 = arith.constant 0 : i32
      %dma_wait3A_270 = tpu.memref_slice %arg2[%dma_wait3A_268, %dma_wait3A_269] : memref<10240x128xf32, #tpu.memory_space<hbm>> -> memref<10240x128xf32, #tpu.memory_space<hbm>>
      tpu.wait_indirect_dma semaphore(%arg14 : memref<!tpu.dma_semaphore, #tpu.memory_space<semaphore_mem>>) src(%dma_wait3A_270 : memref<10240x128xf32, #tpu.memory_space<hbm>>) dst(%arg9 : memref<64x128xf32, #tpu.memory_space<vmem>>)
      %add3A_271 = arith.constant 1 : i32
      %add3A_272 = arith.addi %mul3A_246, %add3A_271 : i32
      %dma_start3A_273 = arith.constant 0 : i32
      %dma_start3A_274 = tpu.memref_slice %arg7[%add3A_272, %dma_start3A_273] : memref<80x64xi32, #tpu.memory_space<vmem>> -> memref<1x64xi32, #tpu.memory_space<vmem>>
      %dma_start3A_275 = tpu.memref_squeeze %dma_start3A_274 : memref<1x64xi32, #tpu.memory_space<vmem>> -> memref<64xi32, #tpu.memory_space<vmem>>
      %dma_start3A_276 = arith.constant 0 : i32
      %dma_start3A_277 = arith.constant 0 : i32
      %dma_start3A_278 = tpu.memref_slice %arg12[%dma_start3A_276, %dma_start3A_277] : memref<10240x128xf32, #tpu.memory_space<vmem_shared>> -> memref<10240x128xf32, #tpu.memory_space<vmem_shared>>
      tpu.enqueue_indirect_dma source(%arg9 : memref<64x128xf32, #tpu.memory_space<vmem>>) target(%dma_start3A_278 : memref<10240x128xf32, #tpu.memory_space<vmem_shared>>) offsets(%dma_start3A_275 : memref<64xi32, #tpu.memory_space<vmem>>) semaphore(%arg18 : memref<!tpu.dma_semaphore, #tpu.memory_space<semaphore_mem>>) {add = true}
      %add3A_279 = arith.constant 2 : i32
      %add3A_280 = arith.addi %mul3A_246, %add3A_279 : i32
      %dma_wait3A_281 = arith.constant 0 : i32
      %dma_wait3A_282 = tpu.memref_slice %arg6[%add3A_280, %dma_wait3A_281] : memref<80x64xi32, #tpu.memory_space<vmem>> -> memref<1x64xi32, #tpu.memory_space<vmem>>
      %dma_wait3A_283 = tpu.memref_squeeze %dma_wait3A_282 : memref<1x64xi32, #tpu.memory_space<vmem>> -> memref<64xi32, #tpu.memory_space<vmem>>
      %dma_wait3A_284 = arith.constant 0 : i32
      %dma_wait3A_285 = arith.constant 0 : i32
      %dma_wait3A_286 = tpu.memref_slice %arg2[%dma_wait3A_284, %dma_wait3A_285] : memref<10240x128xf32, #tpu.memory_space<hbm>> -> memref<10240x128xf32, #tpu.memory_space<hbm>>
      tpu.wait_indirect_dma semaphore(%arg15 : memref<!tpu.dma_semaphore, #tpu.memory_space<semaphore_mem>>) src(%dma_wait3A_286 : memref<10240x128xf32, #tpu.memory_space<hbm>>) dst(%arg10 : memref<64x128xf32, #tpu.memory_space<vmem>>)
      %add3A_287 = arith.constant 2 : i32
      %add3A_288 = arith.addi %mul3A_246, %add3A_287 : i32
      %dma_start3A_289 = arith.constant 0 : i32
      %dma_start3A_290 = tpu.memref_slice %arg7[%add3A_288, %dma_start3A_289] : memref<80x64xi32, #tpu.memory_space<vmem>> -> memref<1x64xi32, #tpu.memory_space<vmem>>
      %dma_start3A_291 = tpu.memref_squeeze %dma_start3A_290 : memref<1x64xi32, #tpu.memory_space<vmem>> -> memref<64xi32, #tpu.memory_space<vmem>>
      %dma_start3A_292 = arith.constant 0 : i32
      %dma_start3A_293 = arith.constant 0 : i32
      %dma_start3A_294 = tpu.memref_slice %arg12[%dma_start3A_292, %dma_start3A_293] : memref<10240x128xf32, #tpu.memory_space<vmem_shared>> -> memref<10240x128xf32, #tpu.memory_space<vmem_shared>>
      tpu.enqueue_indirect_dma source(%arg10 : memref<64x128xf32, #tpu.memory_space<vmem>>) target(%dma_start3A_294 : memref<10240x128xf32, #tpu.memory_space<vmem_shared>>) offsets(%dma_start3A_291 : memref<64xi32, #tpu.memory_space<vmem>>) semaphore(%arg19 : memref<!tpu.dma_semaphore, #tpu.memory_space<semaphore_mem>>) {add = true}
      %add3A_295 = arith.constant 3 : i32
      %add3A_296 = arith.addi %mul3A_246, %add3A_295 : i32
      %dma_wait3A_297 = arith.constant 0 : i32
      %dma_wait3A_298 = tpu.memref_slice %arg6[%add3A_296, %dma_wait3A_297] : memref<80x64xi32, #tpu.memory_space<vmem>> -> memref<1x64xi32, #tpu.memory_space<vmem>>
      %dma_wait3A_299 = tpu.memref_squeeze %dma_wait3A_298 : memref<1x64xi32, #tpu.memory_space<vmem>> -> memref<64xi32, #tpu.memory_space<vmem>>
      %dma_wait3A_300 = arith.constant 0 : i32
      %dma_wait3A_301 = arith.constant 0 : i32
      %dma_wait3A_302 = tpu.memref_slice %arg2[%dma_wait3A_300, %dma_wait3A_301] : memref<10240x128xf32, #tpu.memory_space<hbm>> -> memref<10240x128xf32, #tpu.memory_space<hbm>>
      tpu.wait_indirect_dma semaphore(%arg16 : memref<!tpu.dma_semaphore, #tpu.memory_space<semaphore_mem>>) src(%dma_wait3A_302 : memref<10240x128xf32, #tpu.memory_space<hbm>>) dst(%arg11 : memref<64x128xf32, #tpu.memory_space<vmem>>)
      %add3A_303 = arith.constant 3 : i32
      %add3A_304 = arith.addi %mul3A_246, %add3A_303 : i32
      %dma_start3A_305 = arith.constant 0 : i32
      %dma_start3A_306 = tpu.memref_slice %arg7[%add3A_304, %dma_start3A_305] : memref<80x64xi32, #tpu.memory_space<vmem>> -> memref<1x64xi32, #tpu.memory_space<vmem>>
      %dma_start3A_307 = tpu.memref_squeeze %dma_start3A_306 : memref<1x64xi32, #tpu.memory_space<vmem>> -> memref<64xi32, #tpu.memory_space<vmem>>
      %dma_start3A_308 = arith.constant 0 : i32
      %dma_start3A_309 = arith.constant 0 : i32
      %dma_start3A_310 = tpu.memref_slice %arg12[%dma_start3A_308, %dma_start3A_309] : memref<10240x128xf32, #tpu.memory_space<vmem_shared>> -> memref<10240x128xf32, #tpu.memory_space<vmem_shared>>
      tpu.enqueue_indirect_dma source(%arg11 : memref<64x128xf32, #tpu.memory_space<vmem>>) target(%dma_start3A_310 : memref<10240x128xf32, #tpu.memory_space<vmem_shared>>) offsets(%dma_start3A_307 : memref<64xi32, #tpu.memory_space<vmem>>) semaphore(%arg20 : memref<!tpu.dma_semaphore, #tpu.memory_space<semaphore_mem>>) {add = true}
      %add3A_311 = arith.constant 0 : i32
      %add3A_312 = arith.addi %mul3A_246, %add3A_311 : i32
      %dma_wait3A_313 = arith.constant 0 : i32
      %dma_wait3A_314 = tpu.memref_slice %arg7[%add3A_312, %dma_wait3A_313] : memref<80x64xi32, #tpu.memory_space<vmem>> -> memref<1x64xi32, #tpu.memory_space<vmem>>
      %dma_wait3A_315 = tpu.memref_squeeze %dma_wait3A_314 : memref<1x64xi32, #tpu.memory_space<vmem>> -> memref<64xi32, #tpu.memory_space<vmem>>
      %dma_wait3A_316 = arith.constant 0 : i32
      %dma_wait3A_317 = arith.constant 0 : i32
      %dma_wait3A_318 = tpu.memref_slice %arg12[%dma_wait3A_316, %dma_wait3A_317] : memref<10240x128xf32, #tpu.memory_space<vmem_shared>> -> memref<10240x128xf32, #tpu.memory_space<vmem_shared>>
      tpu.wait_indirect_dma semaphore(%arg17 : memref<!tpu.dma_semaphore, #tpu.memory_space<semaphore_mem>>) src(%arg8 : memref<64x128xf32, #tpu.memory_space<vmem>>) dst(%dma_wait3A_318 : memref<10240x128xf32, #tpu.memory_space<vmem_shared>>)
      %add3A_319 = arith.constant 4 : i32
      %add3A_320 = arith.addi %mul3A_246, %add3A_319 : i32
      %add3A_321 = arith.constant 0 : i32
      %add3A_322 = arith.addi %add3A_320, %add3A_321 : i32
      %dma_start3A_323 = arith.constant 0 : i32
      %dma_start3A_324 = tpu.memref_slice %arg6[%add3A_322, %dma_start3A_323] : memref<80x64xi32, #tpu.memory_space<vmem>> -> memref<1x64xi32, #tpu.memory_space<vmem>>
      %dma_start3A_325 = tpu.memref_squeeze %dma_start3A_324 : memref<1x64xi32, #tpu.memory_space<vmem>> -> memref<64xi32, #tpu.memory_space<vmem>>
      %dma_start3A_326 = arith.constant 0 : i32
      %dma_start3A_327 = arith.constant 0 : i32
      %dma_start3A_328 = tpu.memref_slice %arg2[%dma_start3A_326, %dma_start3A_327] : memref<10240x128xf32, #tpu.memory_space<hbm>> -> memref<10240x128xf32, #tpu.memory_space<hbm>>
      tpu.enqueue_indirect_dma source(%dma_start3A_328 : memref<10240x128xf32, #tpu.memory_space<hbm>>) target(%arg8 : memref<64x128xf32, #tpu.memory_space<vmem>>) offsets(%dma_start3A_325 : memref<64xi32, #tpu.memory_space<vmem>>) semaphore(%arg13 : memref<!tpu.dma_semaphore, #tpu.memory_space<semaphore_mem>>)
      %add3A_329 = arith.constant 1 : i32
      %add3A_330 = arith.addi %mul3A_246, %add3A_329 : i32
      %dma_wait3A_331 = arith.constant 0 : i32
      %dma_wait3A_332 = tpu.memref_slice %arg7[%add3A_330, %dma_wait3A_331] : memref<80x64xi32, #tpu.memory_space<vmem>> -> memref<1x64xi32, #tpu.memory_space<vmem>>
      %dma_wait3A_333 = tpu.memref_squeeze %dma_wait3A_332 : memref<1x64xi32, #tpu.memory_space<vmem>> -> memref<64xi32, #tpu.memory_space<vmem>>
      %dma_wait3A_334 = arith.constant 0 : i32
      %dma_wait3A_335 = arith.constant 0 : i32
      %dma_wait3A_336 = tpu.memref_slice %arg12[%dma_wait3A_334, %dma_wait3A_335] : memref<10240x128xf32, #tpu.memory_space<vmem_shared>> -> memref<10240x128xf32, #tpu.memory_space<vmem_shared>>
      tpu.wait_indirect_dma semaphore(%arg18 : memref<!tpu.dma_semaphore, #tpu.memory_space<semaphore_mem>>) src(%arg9 : memref<64x128xf32, #tpu.memory_space<vmem>>) dst(%dma_wait3A_336 : memref<10240x128xf32, #tpu.memory_space<vmem_shared>>)
      %add3A_337 = arith.constant 4 : i32
      %add3A_338 = arith.addi %mul3A_246, %add3A_337 : i32
      %add3A_339 = arith.constant 1 : i32
      %add3A_340 = arith.addi %add3A_338, %add3A_339 : i32
      %dma_start3A_341 = arith.constant 0 : i32
      %dma_start3A_342 = tpu.memref_slice %arg6[%add3A_340, %dma_start3A_341] : memref<80x64xi32, #tpu.memory_space<vmem>> -> memref<1x64xi32, #tpu.memory_space<vmem>>
      %dma_start3A_343 = tpu.memref_squeeze %dma_start3A_342 : memref<1x64xi32, #tpu.memory_space<vmem>> -> memref<64xi32, #tpu.memory_space<vmem>>
      %dma_start3A_344 = arith.constant 0 : i32
      %dma_start3A_345 = arith.constant 0 : i32
      %dma_start3A_346 = tpu.memref_slice %arg2[%dma_start3A_344, %dma_start3A_345] : memref<10240x128xf32, #tpu.memory_space<hbm>> -> memref<10240x128xf32, #tpu.memory_space<hbm>>
      tpu.enqueue_indirect_dma source(%dma_start3A_346 : memref<10240x128xf32, #tpu.memory_space<hbm>>) target(%arg9 : memref<64x128xf32, #tpu.memory_space<vmem>>) offsets(%dma_start3A_343 : memref<64xi32, #tpu.memory_space<vmem>>) semaphore(%arg14 : memref<!tpu.dma_semaphore, #tpu.memory_space<semaphore_mem>>)
      %add3A_347 = arith.constant 2 : i32
      %add3A_348 = arith.addi %mul3A_246, %add3A_347 : i32
      %dma_wait3A_349 = arith.constant 0 : i32
      %dma_wait3A_350 = tpu.memref_slice %arg7[%add3A_348, %dma_wait3A_349] : memref<80x64xi32, #tpu.memory_space<vmem>> -> memref<1x64xi32, #tpu.memory_space<vmem>>
      %dma_wait3A_351 = tpu.memref_squeeze %dma_wait3A_350 : memref<1x64xi32, #tpu.memory_space<vmem>> -> memref<64xi32, #tpu.memory_space<vmem>>
      %dma_wait3A_352 = arith.constant 0 : i32
      %dma_wait3A_353 = arith.constant 0 : i32
      %dma_wait3A_354 = tpu.memref_slice %arg12[%dma_wait3A_352, %dma_wait3A_353] : memref<10240x128xf32, #tpu.memory_space<vmem_shared>> -> memref<10240x128xf32, #tpu.memory_space<vmem_shared>>
      tpu.wait_indirect_dma semaphore(%arg19 : memref<!tpu.dma_semaphore, #tpu.memory_space<semaphore_mem>>) src(%arg10 : memref<64x128xf32, #tpu.memory_space<vmem>>) dst(%dma_wait3A_354 : memref<10240x128xf32, #tpu.memory_space<vmem_shared>>)
      %add3A_355 = arith.constant 4 : i32
      %add3A_356 = arith.addi %mul3A_246, %add3A_355 : i32
      %add3A_357 = arith.constant 2 : i32
      %add3A_358 = arith.addi %add3A_356, %add3A_357 : i32
      %dma_start3A_359 = arith.constant 0 : i32
      %dma_start3A_360 = tpu.memref_slice %arg6[%add3A_358, %dma_start3A_359] : memref<80x64xi32, #tpu.memory_space<vmem>> -> memref<1x64xi32, #tpu.memory_space<vmem>>
      %dma_start3A_361 = tpu.memref_squeeze %dma_start3A_360 : memref<1x64xi32, #tpu.memory_space<vmem>> -> memref<64xi32, #tpu.memory_space<vmem>>
      %dma_start3A_362 = arith.constant 0 : i32
      %dma_start3A_363 = arith.constant 0 : i32
      %dma_start3A_364 = tpu.memref_slice %arg2[%dma_start3A_362, %dma_start3A_363] : memref<10240x128xf32, #tpu.memory_space<hbm>> -> memref<10240x128xf32, #tpu.memory_space<hbm>>
      tpu.enqueue_indirect_dma source(%dma_start3A_364 : memref<10240x128xf32, #tpu.memory_space<hbm>>) target(%arg10 : memref<64x128xf32, #tpu.memory_space<vmem>>) offsets(%dma_start3A_361 : memref<64xi32, #tpu.memory_space<vmem>>) semaphore(%arg15 : memref<!tpu.dma_semaphore, #tpu.memory_space<semaphore_mem>>)
      %add3A_365 = arith.constant 3 : i32
      %add3A_366 = arith.addi %mul3A_246, %add3A_365 : i32
      %dma_wait3A_367 = arith.constant 0 : i32
      %dma_wait3A_368 = tpu.memref_slice %arg7[%add3A_366, %dma_wait3A_367] : memref<80x64xi32, #tpu.memory_space<vmem>> -> memref<1x64xi32, #tpu.memory_space<vmem>>
      %dma_wait3A_369 = tpu.memref_squeeze %dma_wait3A_368 : memref<1x64xi32, #tpu.memory_space<vmem>> -> memref<64xi32, #tpu.memory_space<vmem>>
      %dma_wait3A_370 = arith.constant 0 : i32
      %dma_wait3A_371 = arith.constant 0 : i32
      %dma_wait3A_372 = tpu.memref_slice %arg12[%dma_wait3A_370, %dma_wait3A_371] : memref<10240x128xf32, #tpu.memory_space<vmem_shared>> -> memref<10240x128xf32, #tpu.memory_space<vmem_shared>>
      tpu.wait_indirect_dma semaphore(%arg20 : memref<!tpu.dma_semaphore, #tpu.memory_space<semaphore_mem>>) src(%arg11 : memref<64x128xf32, #tpu.memory_space<vmem>>) dst(%dma_wait3A_372 : memref<10240x128xf32, #tpu.memory_space<vmem_shared>>)
      %add3A_373 = arith.constant 4 : i32
      %add3A_374 = arith.addi %mul3A_246, %add3A_373 : i32
      %add3A_375 = arith.constant 3 : i32
      %add3A_376 = arith.addi %add3A_374, %add3A_375 : i32
      %dma_start3A_377 = arith.constant 0 : i32
      %dma_start3A_378 = tpu.memref_slice %arg6[%add3A_376, %dma_start3A_377] : memref<80x64xi32, #tpu.memory_space<vmem>> -> memref<1x64xi32, #tpu.memory_space<vmem>>
      %dma_start3A_379 = tpu.memref_squeeze %dma_start3A_378 : memref<1x64xi32, #tpu.memory_space<vmem>> -> memref<64xi32, #tpu.memory_space<vmem>>
      %dma_start3A_380 = arith.constant 0 : i32
      %dma_start3A_381 = arith.constant 0 : i32
      %dma_start3A_382 = tpu.memref_slice %arg2[%dma_start3A_380, %dma_start3A_381] : memref<10240x128xf32, #tpu.memory_space<hbm>> -> memref<10240x128xf32, #tpu.memory_space<hbm>>
      tpu.enqueue_indirect_dma source(%dma_start3A_382 : memref<10240x128xf32, #tpu.memory_space<hbm>>) target(%arg11 : memref<64x128xf32, #tpu.memory_space<vmem>>) offsets(%dma_start3A_379 : memref<64xi32, #tpu.memory_space<vmem>>) semaphore(%arg16 : memref<!tpu.dma_semaphore, #tpu.memory_space<semaphore_mem>>)
    }
    %scan3A_158 = arith.constant 19 : i32
    %dma_wait3A_159 = arith.constant 76 : i32
    %dma_wait3A_160 = arith.constant 0 : i32
    %dma_wait3A_161 = tpu.memref_slice %arg6[%dma_wait3A_159, %dma_wait3A_160] : memref<80x64xi32, #tpu.memory_space<vmem>> -> memref<1x64xi32, #tpu.memory_space<vmem>>
    %dma_wait3A_162 = tpu.memref_squeeze %dma_wait3A_161 : memref<1x64xi32, #tpu.memory_space<vmem>> -> memref<64xi32, #tpu.memory_space<vmem>>
    %dma_wait3A_163 = arith.constant 0 : i32
    %dma_wait3A_164 = arith.constant 0 : i32
    %dma_wait3A_165 = tpu.memref_slice %arg2[%dma_wait3A_163, %dma_wait3A_164] : memref<10240x128xf32, #tpu.memory_space<hbm>> -> memref<10240x128xf32, #tpu.memory_space<hbm>>
    tpu.wait_indirect_dma semaphore(%arg13 : memref<!tpu.dma_semaphore, #tpu.memory_space<semaphore_mem>>) src(%dma_wait3A_165 : memref<10240x128xf32, #tpu.memory_space<hbm>>) dst(%arg8 : memref<64x128xf32, #tpu.memory_space<vmem>>)
    %dma_start3A_166 = arith.constant 76 : i32
    %dma_start3A_167 = arith.constant 0 : i32
    %dma_start3A_168 = tpu.memref_slice %arg7[%dma_start3A_166, %dma_start3A_167] : memref<80x64xi32, #tpu.memory_space<vmem>> -> memref<1x64xi32, #tpu.memory_space<vmem>>
    %dma_start3A_169 = tpu.memref_squeeze %dma_start3A_168 : memref<1x64xi32, #tpu.memory_space<vmem>> -> memref<64xi32, #tpu.memory_space<vmem>>
    %dma_start3A_170 = arith.constant 0 : i32
    %dma_start3A_171 = arith.constant 0 : i32
    %dma_start3A_172 = tpu.memref_slice %arg12[%dma_start3A_170, %dma_start3A_171] : memref<10240x128xf32, #tpu.memory_space<vmem_shared>> -> memref<10240x128xf32, #tpu.memory_space<vmem_shared>>
    tpu.enqueue_indirect_dma source(%arg8 : memref<64x128xf32, #tpu.memory_space<vmem>>) target(%dma_start3A_172 : memref<10240x128xf32, #tpu.memory_space<vmem_shared>>) offsets(%dma_start3A_169 : memref<64xi32, #tpu.memory_space<vmem>>) semaphore(%arg17 : memref<!tpu.dma_semaphore, #tpu.memory_space<semaphore_mem>>) {add = true}
    %dma_wait3A_173 = arith.constant 77 : i32
    %dma_wait3A_174 = arith.constant 0 : i32
    %dma_wait3A_175 = tpu.memref_slice %arg6[%dma_wait3A_173, %dma_wait3A_174] : memref<80x64xi32, #tpu.memory_space<vmem>> -> memref<1x64xi32, #tpu.memory_space<vmem>>
    %dma_wait3A_176 = tpu.memref_squeeze %dma_wait3A_175 : memref<1x64xi32, #tpu.memory_space<vmem>> -> memref<64xi32, #tpu.memory_space<vmem>>
    %dma_wait3A_177 = arith.constant 0 : i32
    %dma_wait3A_178 = arith.constant 0 : i32
    %dma_wait3A_179 = tpu.memref_slice %arg2[%dma_wait3A_177, %dma_wait3A_178] : memref<10240x128xf32, #tpu.memory_space<hbm>> -> memref<10240x128xf32, #tpu.memory_space<hbm>>
    tpu.wait_indirect_dma semaphore(%arg14 : memref<!tpu.dma_semaphore, #tpu.memory_space<semaphore_mem>>) src(%dma_wait3A_179 : memref<10240x128xf32, #tpu.memory_space<hbm>>) dst(%arg9 : memref<64x128xf32, #tpu.memory_space<vmem>>)
    %dma_start3A_180 = arith.constant 77 : i32
    %dma_start3A_181 = arith.constant 0 : i32
    %dma_start3A_182 = tpu.memref_slice %arg7[%dma_start3A_180, %dma_start3A_181] : memref<80x64xi32, #tpu.memory_space<vmem>> -> memref<1x64xi32, #tpu.memory_space<vmem>>
    %dma_start3A_183 = tpu.memref_squeeze %dma_start3A_182 : memref<1x64xi32, #tpu.memory_space<vmem>> -> memref<64xi32, #tpu.memory_space<vmem>>
    %dma_start3A_184 = arith.constant 0 : i32
    %dma_start3A_185 = arith.constant 0 : i32
    %dma_start3A_186 = tpu.memref_slice %arg12[%dma_start3A_184, %dma_start3A_185] : memref<10240x128xf32, #tpu.memory_space<vmem_shared>> -> memref<10240x128xf32, #tpu.memory_space<vmem_shared>>
    tpu.enqueue_indirect_dma source(%arg9 : memref<64x128xf32, #tpu.memory_space<vmem>>) target(%dma_start3A_186 : memref<10240x128xf32, #tpu.memory_space<vmem_shared>>) offsets(%dma_start3A_183 : memref<64xi32, #tpu.memory_space<vmem>>) semaphore(%arg18 : memref<!tpu.dma_semaphore, #tpu.memory_space<semaphore_mem>>) {add = true}
    %dma_wait3A_187 = arith.constant 78 : i32
    %dma_wait3A_188 = arith.constant 0 : i32
    %dma_wait3A_189 = tpu.memref_slice %arg6[%dma_wait3A_187, %dma_wait3A_188] : memref<80x64xi32, #tpu.memory_space<vmem>> -> memref<1x64xi32, #tpu.memory_space<vmem>>
    %dma_wait3A_190 = tpu.memref_squeeze %dma_wait3A_189 : memref<1x64xi32, #tpu.memory_space<vmem>> -> memref<64xi32, #tpu.memory_space<vmem>>
    %dma_wait3A_191 = arith.constant 0 : i32
    %dma_wait3A_192 = arith.constant 0 : i32
    %dma_wait3A_193 = tpu.memref_slice %arg2[%dma_wait3A_191, %dma_wait3A_192] : memref<10240x128xf32, #tpu.memory_space<hbm>> -> memref<10240x128xf32, #tpu.memory_space<hbm>>
    tpu.wait_indirect_dma semaphore(%arg15 : memref<!tpu.dma_semaphore, #tpu.memory_space<semaphore_mem>>) src(%dma_wait3A_193 : memref<10240x128xf32, #tpu.memory_space<hbm>>) dst(%arg10 : memref<64x128xf32, #tpu.memory_space<vmem>>)
    %dma_start3A_194 = arith.constant 78 : i32
    %dma_start3A_195 = arith.constant 0 : i32
    %dma_start3A_196 = tpu.memref_slice %arg7[%dma_start3A_194, %dma_start3A_195] : memref<80x64xi32, #tpu.memory_space<vmem>> -> memref<1x64xi32, #tpu.memory_space<vmem>>
    %dma_start3A_197 = tpu.memref_squeeze %dma_start3A_196 : memref<1x64xi32, #tpu.memory_space<vmem>> -> memref<64xi32, #tpu.memory_space<vmem>>
    %dma_start3A_198 = arith.constant 0 : i32
    %dma_start3A_199 = arith.constant 0 : i32
    %dma_start3A_200 = tpu.memref_slice %arg12[%dma_start3A_198, %dma_start3A_199] : memref<10240x128xf32, #tpu.memory_space<vmem_shared>> -> memref<10240x128xf32, #tpu.memory_space<vmem_shared>>
    tpu.enqueue_indirect_dma source(%arg10 : memref<64x128xf32, #tpu.memory_space<vmem>>) target(%dma_start3A_200 : memref<10240x128xf32, #tpu.memory_space<vmem_shared>>) offsets(%dma_start3A_197 : memref<64xi32, #tpu.memory_space<vmem>>) semaphore(%arg19 : memref<!tpu.dma_semaphore, #tpu.memory_space<semaphore_mem>>) {add = true}
    %dma_wait3A_201 = arith.constant 79 : i32
    %dma_wait3A_202 = arith.constant 0 : i32
    %dma_wait3A_203 = tpu.memref_slice %arg6[%dma_wait3A_201, %dma_wait3A_202] : memref<80x64xi32, #tpu.memory_space<vmem>> -> memref<1x64xi32, #tpu.memory_space<vmem>>
    %dma_wait3A_204 = tpu.memref_squeeze %dma_wait3A_203 : memref<1x64xi32, #tpu.memory_space<vmem>> -> memref<64xi32, #tpu.memory_space<vmem>>
    %dma_wait3A_205 = arith.constant 0 : i32
    %dma_wait3A_206 = arith.constant 0 : i32
    %dma_wait3A_207 = tpu.memref_slice %arg2[%dma_wait3A_205, %dma_wait3A_206] : memref<10240x128xf32, #tpu.memory_space<hbm>> -> memref<10240x128xf32, #tpu.memory_space<hbm>>
    tpu.wait_indirect_dma semaphore(%arg16 : memref<!tpu.dma_semaphore, #tpu.memory_space<semaphore_mem>>) src(%dma_wait3A_207 : memref<10240x128xf32, #tpu.memory_space<hbm>>) dst(%arg11 : memref<64x128xf32, #tpu.memory_space<vmem>>)
    %dma_start3A_208 = arith.constant 79 : i32
    %dma_start3A_209 = arith.constant 0 : i32
    %dma_start3A_210 = tpu.memref_slice %arg7[%dma_start3A_208, %dma_start3A_209] : memref<80x64xi32, #tpu.memory_space<vmem>> -> memref<1x64xi32, #tpu.memory_space<vmem>>
    %dma_start3A_211 = tpu.memref_squeeze %dma_start3A_210 : memref<1x64xi32, #tpu.memory_space<vmem>> -> memref<64xi32, #tpu.memory_space<vmem>>
    %dma_start3A_212 = arith.constant 0 : i32
    %dma_start3A_213 = arith.constant 0 : i32
    %dma_start3A_214 = tpu.memref_slice %arg12[%dma_start3A_212, %dma_start3A_213] : memref<10240x128xf32, #tpu.memory_space<vmem_shared>> -> memref<10240x128xf32, #tpu.memory_space<vmem_shared>>
    tpu.enqueue_indirect_dma source(%arg11 : memref<64x128xf32, #tpu.memory_space<vmem>>) target(%dma_start3A_214 : memref<10240x128xf32, #tpu.memory_space<vmem_shared>>) offsets(%dma_start3A_211 : memref<64xi32, #tpu.memory_space<vmem>>) semaphore(%arg20 : memref<!tpu.dma_semaphore, #tpu.memory_space<semaphore_mem>>) {add = true}
    %dma_wait3A_215 = arith.constant 76 : i32
    %dma_wait3A_216 = arith.constant 0 : i32
    %dma_wait3A_217 = tpu.memref_slice %arg7[%dma_wait3A_215, %dma_wait3A_216] : memref<80x64xi32, #tpu.memory_space<vmem>> -> memref<1x64xi32, #tpu.memory_space<vmem>>
    %dma_wait3A_218 = tpu.memref_squeeze %dma_wait3A_217 : memref<1x64xi32, #tpu.memory_space<vmem>> -> memref<64xi32, #tpu.memory_space<vmem>>
    %dma_wait3A_219 = arith.constant 0 : i32
    %dma_wait3A_220 = arith.constant 0 : i32
    %dma_wait3A_221 = tpu.memref_slice %arg12[%dma_wait3A_219, %dma_wait3A_220] : memref<10240x128xf32, #tpu.memory_space<vmem_shared>> -> memref<10240x128xf32, #tpu.memory_space<vmem_shared>>
    tpu.wait_indirect_dma semaphore(%arg17 : memref<!tpu.dma_semaphore, #tpu.memory_space<semaphore_mem>>) src(%arg8 : memref<64x128xf32, #tpu.memory_space<vmem>>) dst(%dma_wait3A_221 : memref<10240x128xf32, #tpu.memory_space<vmem_shared>>)
    %dma_wait3A_222 = arith.constant 77 : i32
    %dma_wait3A_223 = arith.constant 0 : i32
    %dma_wait3A_224 = tpu.memref_slice %arg7[%dma_wait3A_222, %dma_wait3A_223] : memref<80x64xi32, #tpu.memory_space<vmem>> -> memref<1x64xi32, #tpu.memory_space<vmem>>
    %dma_wait3A_225 = tpu.memref_squeeze %dma_wait3A_224 : memref<1x64xi32, #tpu.memory_space<vmem>> -> memref<64xi32, #tpu.memory_space<vmem>>
    %dma_wait3A_226 = arith.constant 0 : i32
    %dma_wait3A_227 = arith.constant 0 : i32
    %dma_wait3A_228 = tpu.memref_slice %arg12[%dma_wait3A_226, %dma_wait3A_227] : memref<10240x128xf32, #tpu.memory_space<vmem_shared>> -> memref<10240x128xf32, #tpu.memory_space<vmem_shared>>
    tpu.wait_indirect_dma semaphore(%arg18 : memref<!tpu.dma_semaphore, #tpu.memory_space<semaphore_mem>>) src(%arg9 : memref<64x128xf32, #tpu.memory_space<vmem>>) dst(%dma_wait3A_228 : memref<10240x128xf32, #tpu.memory_space<vmem_shared>>)
    %dma_wait3A_229 = arith.constant 78 : i32
    %dma_wait3A_230 = arith.constant 0 : i32
    %dma_wait3A_231 = tpu.memref_slice %arg7[%dma_wait3A_229, %dma_wait3A_230] : memref<80x64xi32, #tpu.memory_space<vmem>> -> memref<1x64xi32, #tpu.memory_space<vmem>>
    %dma_wait3A_232 = tpu.memref_squeeze %dma_wait3A_231 : memref<1x64xi32, #tpu.memory_space<vmem>> -> memref<64xi32, #tpu.memory_space<vmem>>
    %dma_wait3A_233 = arith.constant 0 : i32
    %dma_wait3A_234 = arith.constant 0 : i32
    %dma_wait3A_235 = tpu.memref_slice %arg12[%dma_wait3A_233, %dma_wait3A_234] : memref<10240x128xf32, #tpu.memory_space<vmem_shared>> -> memref<10240x128xf32, #tpu.memory_space<vmem_shared>>
    tpu.wait_indirect_dma semaphore(%arg19 : memref<!tpu.dma_semaphore, #tpu.memory_space<semaphore_mem>>) src(%arg10 : memref<64x128xf32, #tpu.memory_space<vmem>>) dst(%dma_wait3A_235 : memref<10240x128xf32, #tpu.memory_space<vmem_shared>>)
    %dma_wait3A_236 = arith.constant 79 : i32
    %dma_wait3A_237 = arith.constant 0 : i32
    %dma_wait3A_238 = tpu.memref_slice %arg7[%dma_wait3A_236, %dma_wait3A_237] : memref<80x64xi32, #tpu.memory_space<vmem>> -> memref<1x64xi32, #tpu.memory_space<vmem>>
    %dma_wait3A_239 = tpu.memref_squeeze %dma_wait3A_238 : memref<1x64xi32, #tpu.memory_space<vmem>> -> memref<64xi32, #tpu.memory_space<vmem>>
    %dma_wait3A_240 = arith.constant 0 : i32
    %dma_wait3A_241 = arith.constant 0 : i32
    %dma_wait3A_242 = tpu.memref_slice %arg12[%dma_wait3A_240, %dma_wait3A_241] : memref<10240x128xf32, #tpu.memory_space<vmem_shared>> -> memref<10240x128xf32, #tpu.memory_space<vmem_shared>>
    tpu.wait_indirect_dma semaphore(%arg20 : memref<!tpu.dma_semaphore, #tpu.memory_space<semaphore_mem>>) src(%arg11 : memref<64x128xf32, #tpu.memory_space<vmem>>) dst(%dma_wait3A_242 : memref<10240x128xf32, #tpu.memory_space<vmem_shared>>)
    %barrier3A_243 = arith.constant 0 : index
    tpu.barrier barrier_id(%barrier3A_243)
    "tpu.region"() ({
      %run_scoped3A_244 = tpu.sem_alloc : memref<!tpu.dma_semaphore, #tpu.memory_space<semaphore_mem>>
      %dma_start3A_245 = arith.constant 0 : i32
      %dma_start3A_246 = tpu.memref_slice %arg5[%arg0, %mul3A_2, %dma_start3A_245] : memref<2x10240x128xf32, #tpu.memory_space<hbm>> -> memref<1x640x128xf32, #tpu.memory_space<hbm>>
      %dma_start3A_247 = tpu.memref_squeeze %dma_start3A_246 : memref<1x640x128xf32, #tpu.memory_space<hbm>> -> memref<640x128xf32, #tpu.memory_space<hbm>>
      %dma_start3A_248 = arith.constant 0 : i32
      %dma_start3A_249 = tpu.memref_slice %arg12[%mul3A_2, %dma_start3A_248] : memref<10240x128xf32, #tpu.memory_space<vmem_shared>> -> memref<640x128xf32, #tpu.memory_space<vmem_shared>>
      tpu.enqueue_dma source(%dma_start3A_249 : memref<640x128xf32, #tpu.memory_space<vmem_shared>>) target(%dma_start3A_247 : memref<640x128xf32, #tpu.memory_space<hbm>>) target_semaphore(%run_scoped3A_244 : memref<!tpu.dma_semaphore, #tpu.memory_space<semaphore_mem>>)
      %dma_wait3A_250 = arith.constant 0 : i32
      %dma_wait3A_251 = tpu.memref_slice %arg5[%arg0, %mul3A_2, %dma_wait3A_250] : memref<2x10240x128xf32, #tpu.memory_space<hbm>> -> memref<1x640x128xf32, #tpu.memory_space<hbm>>
      %dma_wait3A_252 = tpu.memref_squeeze %dma_wait3A_251 : memref<1x640x128xf32, #tpu.memory_space<hbm>> -> memref<640x128xf32, #tpu.memory_space<hbm>>
      %dma_wait3A_253 = arith.constant 0 : i32
      %dma_wait3A_254 = tpu.memref_slice %arg12[%mul3A_2, %dma_wait3A_253] : memref<10240x128xf32, #tpu.memory_space<vmem_shared>> -> memref<640x128xf32, #tpu.memory_space<vmem_shared>>
      tpu.wait_dma2 semaphore(%run_scoped3A_244 : memref<!tpu.dma_semaphore, #tpu.memory_space<semaphore_mem>>) src(%dma_wait3A_254 : memref<640x128xf32, #tpu.memory_space<vmem_shared>>) dst(%dma_wait3A_252 : memref<640x128xf32, #tpu.memory_space<hbm>>)
      tpu.yield
    }) : () -> ()
    return
  }
}

#map = affine_map<(d0, d1) -> (0, 0)>
#map1 = affine_map<(d0, d1) -> (0, 0, 0)>
#map2 = affine_map<(d0, d1) -> (0, 0, 0, 0)>
#map3 = affine_map<(d0, d1) -> (0)>
module attributes {stable_mosaic.version = 14 : i64} {
  func.func @_phase_a(%arg0: i32, %arg1: i32, %arg2: memref<100000x128xf32, #tpu.memory_space<hbm>>, %arg3: memref<32x5x64xi32, #tpu.memory_space<hbm>>, %arg4: memref<2x32x80x128xi32, #tpu.memory_space<hbm>>, %arg5: memref<128xf32, #tpu.memory_space<hbm>>, %arg6: memref<10240xf32, #tpu.memory_space<hbm>>, %arg7: memref<10240x128xf32, #tpu.memory_space<hbm>>, %arg8: memref<2x2x10240xf32, #tpu.memory_space<hbm>>, %arg9: memref<5x64xi32, #tpu.memory_space<vmem>>, %arg10: memref<320x128xf32, #tpu.memory_space<vmem>>, %arg11: memref<80x128xi32, #tpu.memory_space<vmem>>, %arg12: memref<80x128xi32, #tpu.memory_space<vmem>>, %arg13: memref<128xf32, #tpu.memory_space<vmem>>, %arg14: memref<10240xf32, #tpu.memory_space<vmem_shared>>, %arg15: memref<10240xf32, #tpu.memory_space<vmem_shared>>, %arg16: memref<!tpu.dma_semaphore, #tpu.memory_space<semaphore_mem>>, %arg17: memref<!tpu.dma_semaphore, #tpu.memory_space<semaphore_mem>>, %arg18: memref<!tpu.dma_semaphore, #tpu.memory_space<semaphore_mem>>) attributes {dimension_semantics = [#tpu.dimension_semantics<core_parallel>, #tpu.dimension_semantics<subcore_parallel>], iteration_bounds = array<i64: 2, 16>, scalar_prefetch = 0 : i64, scratch_operands = 10 : i64, tpu.core_type = #tpu.core_type<sc_vector_subcore>, window_params = [{transform_indices = #map}, {transform_indices = #map1}, {transform_indices = #map2}, {transform_indices = #map3}, {transform_indices = #map3}, {transform_indices = #map}, {transform_indices = #map1}]} {
    %mul3A = arith.constant 2 : i32
    %mul3A_0 = arith.muli %arg1, %mul3A : i32
    %add3A = arith.addi %mul3A_0, %arg0 : i32
    %mul3A_1 = arith.constant 640 : i32
    %mul3A_2 = arith.muli %arg1, %mul3A_1 : i32
    "tpu.region"() ({
      %run_scoped3A_136 = tpu.sem_alloc : memref<!tpu.dma_semaphore, #tpu.memory_space<semaphore_mem>>
      %dma_start3A_137 = tpu.memref_slice %arg14[%mul3A_2] : memref<10240xf32, #tpu.memory_space<vmem_shared>> -> memref<640xf32, #tpu.memory_space<vmem_shared>>
      %dma_start3A_138 = tpu.memref_slice %arg6[%mul3A_2] : memref<10240xf32, #tpu.memory_space<hbm>> -> memref<640xf32, #tpu.memory_space<hbm>>
      tpu.enqueue_dma source(%dma_start3A_138 : memref<640xf32, #tpu.memory_space<hbm>>) target(%dma_start3A_137 : memref<640xf32, #tpu.memory_space<vmem_shared>>) target_semaphore(%run_scoped3A_136 : memref<!tpu.dma_semaphore, #tpu.memory_space<semaphore_mem>>)
      %dma_wait3A_139 = tpu.memref_slice %arg14[%mul3A_2] : memref<10240xf32, #tpu.memory_space<vmem_shared>> -> memref<640xf32, #tpu.memory_space<vmem_shared>>
      %dma_wait3A_140 = tpu.memref_slice %arg6[%mul3A_2] : memref<10240xf32, #tpu.memory_space<hbm>> -> memref<640xf32, #tpu.memory_space<hbm>>
      tpu.wait_dma2 semaphore(%run_scoped3A_136 : memref<!tpu.dma_semaphore, #tpu.memory_space<semaphore_mem>>) src(%dma_wait3A_140 : memref<640xf32, #tpu.memory_space<hbm>>) dst(%dma_wait3A_139 : memref<640xf32, #tpu.memory_space<vmem_shared>>)
      tpu.yield
    }) : () -> ()
    "tpu.region"() ({
      %run_scoped3A_136 = tpu.sem_alloc : memref<!tpu.dma_semaphore, #tpu.memory_space<semaphore_mem>>
      %dma_start3A_137 = tpu.memref_slice %arg15[%mul3A_2] : memref<10240xf32, #tpu.memory_space<vmem_shared>> -> memref<640xf32, #tpu.memory_space<vmem_shared>>
      %dma_start3A_138 = tpu.memref_slice %arg6[%mul3A_2] : memref<10240xf32, #tpu.memory_space<hbm>> -> memref<640xf32, #tpu.memory_space<hbm>>
      tpu.enqueue_dma source(%dma_start3A_138 : memref<640xf32, #tpu.memory_space<hbm>>) target(%dma_start3A_137 : memref<640xf32, #tpu.memory_space<vmem_shared>>) target_semaphore(%run_scoped3A_136 : memref<!tpu.dma_semaphore, #tpu.memory_space<semaphore_mem>>)
      %dma_wait3A_139 = tpu.memref_slice %arg15[%mul3A_2] : memref<10240xf32, #tpu.memory_space<vmem_shared>> -> memref<640xf32, #tpu.memory_space<vmem_shared>>
      %dma_wait3A_140 = tpu.memref_slice %arg6[%mul3A_2] : memref<10240xf32, #tpu.memory_space<hbm>> -> memref<640xf32, #tpu.memory_space<hbm>>
      tpu.wait_dma2 semaphore(%run_scoped3A_136 : memref<!tpu.dma_semaphore, #tpu.memory_space<semaphore_mem>>) src(%dma_wait3A_140 : memref<640xf32, #tpu.memory_space<hbm>>) dst(%dma_wait3A_139 : memref<640xf32, #tpu.memory_space<vmem_shared>>)
      tpu.yield
    }) : () -> ()
    "tpu.region"() ({
      %run_scoped3A_136 = tpu.sem_alloc : memref<!tpu.dma_semaphore, #tpu.memory_space<semaphore_mem>>
      tpu.enqueue_dma source(%arg5 : memref<128xf32, #tpu.memory_space<hbm>>) target(%arg13 : memref<128xf32, #tpu.memory_space<vmem>>) target_semaphore(%run_scoped3A_136 : memref<!tpu.dma_semaphore, #tpu.memory_space<semaphore_mem>>)
      tpu.wait_dma2 semaphore(%run_scoped3A_136 : memref<!tpu.dma_semaphore, #tpu.memory_space<semaphore_mem>>) src(%arg5 : memref<128xf32, #tpu.memory_space<hbm>>) dst(%arg13 : memref<128xf32, #tpu.memory_space<vmem>>)
      tpu.yield
    }) : () -> ()
    "tpu.region"() ({
      %run_scoped3A_136 = tpu.sem_alloc : memref<!tpu.dma_semaphore, #tpu.memory_space<semaphore_mem>>
      %dma_start3A_137 = arith.constant 0 : i32
      %dma_start3A_138 = arith.constant 0 : i32
      %dma_start3A_139 = tpu.memref_slice %arg3[%add3A, %dma_start3A_137, %dma_start3A_138] : memref<32x5x64xi32, #tpu.memory_space<hbm>> -> memref<1x5x64xi32, #tpu.memory_space<hbm>>
      %dma_start3A_140 = tpu.memref_squeeze %dma_start3A_139 : memref<1x5x64xi32, #tpu.memory_space<hbm>> -> memref<5x64xi32, #tpu.memory_space<hbm>>
      %dma_start3A_141 = arith.constant 0 : i32
      %dma_start3A_142 = arith.constant 0 : i32
      %dma_start3A_143 = tpu.memref_slice %arg3[%add3A, %dma_start3A_141, %dma_start3A_142] : memref<32x5x64xi32, #tpu.memory_space<hbm>> -> memref<1x5x64xi32, #tpu.memory_space<hbm>>
      %dma_start3A_144 = tpu.memref_squeeze %dma_start3A_143 : memref<1x5x64xi32, #tpu.memory_space<hbm>> -> memref<5x64xi32, #tpu.memory_space<hbm>>
      tpu.enqueue_dma source(%dma_start3A_144 : memref<5x64xi32, #tpu.memory_space<hbm>>) target(%arg9 : memref<5x64xi32, #tpu.memory_space<vmem>>) target_semaphore(%run_scoped3A_136 : memref<!tpu.dma_semaphore, #tpu.memory_space<semaphore_mem>>)
      %dma_wait3A_145 = arith.constant 0 : i32
      %dma_wait3A_146 = arith.constant 0 : i32
      %dma_wait3A_147 = tpu.memref_slice %arg3[%add3A, %dma_wait3A_145, %dma_wait3A_146] : memref<32x5x64xi32, #tpu.memory_space<hbm>> -> memref<1x5x64xi32, #tpu.memory_space<hbm>>
      %dma_wait3A_148 = tpu.memref_squeeze %dma_wait3A_147 : memref<1x5x64xi32, #tpu.memory_space<hbm>> -> memref<5x64xi32, #tpu.memory_space<hbm>>
      %dma_wait3A_149 = arith.constant 0 : i32
      %dma_wait3A_150 = arith.constant 0 : i32
      %dma_wait3A_151 = tpu.memref_slice %arg3[%add3A, %dma_wait3A_149, %dma_wait3A_150] : memref<32x5x64xi32, #tpu.memory_space<hbm>> -> memref<1x5x64xi32, #tpu.memory_space<hbm>>
      %dma_wait3A_152 = tpu.memref_squeeze %dma_wait3A_151 : memref<1x5x64xi32, #tpu.memory_space<hbm>> -> memref<5x64xi32, #tpu.memory_space<hbm>>
      tpu.wait_dma2 semaphore(%run_scoped3A_136 : memref<!tpu.dma_semaphore, #tpu.memory_space<semaphore_mem>>) src(%dma_wait3A_152 : memref<5x64xi32, #tpu.memory_space<hbm>>) dst(%arg9 : memref<5x64xi32, #tpu.memory_space<vmem>>)
      tpu.yield
    }) : () -> ()
    %run_scoped3A = arith.constant 0 : i32
    "tpu.region"() ({
      %run_scoped3A_136 = tpu.sem_alloc : memref<!tpu.dma_semaphore, #tpu.memory_space<semaphore_mem>>
      %dma_start3A_137 = arith.constant 0 : i32
      %dma_start3A_138 = arith.constant 0 : i32
      %dma_start3A_139 = tpu.memref_slice %arg4[%run_scoped3A, %add3A, %dma_start3A_137, %dma_start3A_138] : memref<2x32x80x128xi32, #tpu.memory_space<hbm>> -> memref<1x1x80x128xi32, #tpu.memory_space<hbm>>
      %dma_start3A_140 = tpu.memref_squeeze %dma_start3A_139 : memref<1x1x80x128xi32, #tpu.memory_space<hbm>> -> memref<80x128xi32, #tpu.memory_space<hbm>>
      %dma_start3A_141 = arith.constant 0 : i32
      %dma_start3A_142 = arith.constant 0 : i32
      %dma_start3A_143 = tpu.memref_slice %arg4[%run_scoped3A, %add3A, %dma_start3A_141, %dma_start3A_142] : memref<2x32x80x128xi32, #tpu.memory_space<hbm>> -> memref<1x1x80x128xi32, #tpu.memory_space<hbm>>
      %dma_start3A_144 = tpu.memref_squeeze %dma_start3A_143 : memref<1x1x80x128xi32, #tpu.memory_space<hbm>> -> memref<80x128xi32, #tpu.memory_space<hbm>>
      tpu.enqueue_dma source(%dma_start3A_144 : memref<80x128xi32, #tpu.memory_space<hbm>>) target(%arg11 : memref<80x128xi32, #tpu.memory_space<vmem>>) target_semaphore(%run_scoped3A_136 : memref<!tpu.dma_semaphore, #tpu.memory_space<semaphore_mem>>)
      %dma_wait3A_145 = arith.constant 0 : i32
      %dma_wait3A_146 = arith.constant 0 : i32
      %dma_wait3A_147 = tpu.memref_slice %arg4[%run_scoped3A, %add3A, %dma_wait3A_145, %dma_wait3A_146] : memref<2x32x80x128xi32, #tpu.memory_space<hbm>> -> memref<1x1x80x128xi32, #tpu.memory_space<hbm>>
      %dma_wait3A_148 = tpu.memref_squeeze %dma_wait3A_147 : memref<1x1x80x128xi32, #tpu.memory_space<hbm>> -> memref<80x128xi32, #tpu.memory_space<hbm>>
      %dma_wait3A_149 = arith.constant 0 : i32
      %dma_wait3A_150 = arith.constant 0 : i32
      %dma_wait3A_151 = tpu.memref_slice %arg4[%run_scoped3A, %add3A, %dma_wait3A_149, %dma_wait3A_150] : memref<2x32x80x128xi32, #tpu.memory_space<hbm>> -> memref<1x1x80x128xi32, #tpu.memory_space<hbm>>
      %dma_wait3A_152 = tpu.memref_squeeze %dma_wait3A_151 : memref<1x1x80x128xi32, #tpu.memory_space<hbm>> -> memref<80x128xi32, #tpu.memory_space<hbm>>
      tpu.wait_dma2 semaphore(%run_scoped3A_136 : memref<!tpu.dma_semaphore, #tpu.memory_space<semaphore_mem>>) src(%dma_wait3A_152 : memref<80x128xi32, #tpu.memory_space<hbm>>) dst(%arg11 : memref<80x128xi32, #tpu.memory_space<vmem>>)
      tpu.yield
    }) : () -> ()
    %run_scoped3A_3 = arith.constant 1 : i32
    "tpu.region"() ({
      %run_scoped3A_136 = tpu.sem_alloc : memref<!tpu.dma_semaphore, #tpu.memory_space<semaphore_mem>>
      %dma_start3A_137 = arith.constant 0 : i32
      %dma_start3A_138 = arith.constant 0 : i32
      %dma_start3A_139 = tpu.memref_slice %arg4[%run_scoped3A_3, %add3A, %dma_start3A_137, %dma_start3A_138] : memref<2x32x80x128xi32, #tpu.memory_space<hbm>> -> memref<1x1x80x128xi32, #tpu.memory_space<hbm>>
      %dma_start3A_140 = tpu.memref_squeeze %dma_start3A_139 : memref<1x1x80x128xi32, #tpu.memory_space<hbm>> -> memref<80x128xi32, #tpu.memory_space<hbm>>
      %dma_start3A_141 = arith.constant 0 : i32
      %dma_start3A_142 = arith.constant 0 : i32
      %dma_start3A_143 = tpu.memref_slice %arg4[%run_scoped3A_3, %add3A, %dma_start3A_141, %dma_start3A_142] : memref<2x32x80x128xi32, #tpu.memory_space<hbm>> -> memref<1x1x80x128xi32, #tpu.memory_space<hbm>>
      %dma_start3A_144 = tpu.memref_squeeze %dma_start3A_143 : memref<1x1x80x128xi32, #tpu.memory_space<hbm>> -> memref<80x128xi32, #tpu.memory_space<hbm>>
      tpu.enqueue_dma source(%dma_start3A_144 : memref<80x128xi32, #tpu.memory_space<hbm>>) target(%arg12 : memref<80x128xi32, #tpu.memory_space<vmem>>) target_semaphore(%run_scoped3A_136 : memref<!tpu.dma_semaphore, #tpu.memory_space<semaphore_mem>>)
      %dma_wait3A_145 = arith.constant 0 : i32
      %dma_wait3A_146 = arith.constant 0 : i32
      %dma_wait3A_147 = tpu.memref_slice %arg4[%run_scoped3A_3, %add3A, %dma_wait3A_145, %dma_wait3A_146] : memref<2x32x80x128xi32, #tpu.memory_space<hbm>> -> memref<1x1x80x128xi32, #tpu.memory_space<hbm>>
      %dma_wait3A_148 = tpu.memref_squeeze %dma_wait3A_147 : memref<1x1x80x128xi32, #tpu.memory_space<hbm>> -> memref<80x128xi32, #tpu.memory_space<hbm>>
      %dma_wait3A_149 = arith.constant 0 : i32
      %dma_wait3A_150 = arith.constant 0 : i32
      %dma_wait3A_151 = tpu.memref_slice %arg4[%run_scoped3A_3, %add3A, %dma_wait3A_149, %dma_wait3A_150] : memref<2x32x80x128xi32, #tpu.memory_space<hbm>> -> memref<1x1x80x128xi32, #tpu.memory_space<hbm>>
      %dma_wait3A_152 = tpu.memref_squeeze %dma_wait3A_151 : memref<1x1x80x128xi32, #tpu.memory_space<hbm>> -> memref<80x128xi32, #tpu.memory_space<hbm>>
      tpu.wait_dma2 semaphore(%run_scoped3A_136 : memref<!tpu.dma_semaphore, #tpu.memory_space<semaphore_mem>>) src(%dma_wait3A_152 : memref<80x128xi32, #tpu.memory_space<hbm>>) dst(%arg12 : memref<80x128xi32, #tpu.memory_space<vmem>>)
      tpu.yield
    }) : () -> ()
    %dma_start3A = arith.constant 0 : i32
    %dma_start3A_4 = arith.constant 0 : i32
    %dma_start3A_5 = arith.constant 0 : i32
    %dma_start3A_6 = tpu.memref_slice %arg10[%dma_start3A_4, %dma_start3A_5] : memref<320x128xf32, #tpu.memory_space<vmem>> -> memref<64x128xf32, #tpu.memory_space<vmem>>
    %dma_start3A_7 = arith.constant 0 : i32
    %dma_start3A_8 = tpu.memref_slice %arg9[%dma_start3A, %dma_start3A_7] : memref<5x64xi32, #tpu.memory_space<vmem>> -> memref<1x64xi32, #tpu.memory_space<vmem>>
    %dma_start3A_9 = tpu.memref_squeeze %dma_start3A_8 : memref<1x64xi32, #tpu.memory_space<vmem>> -> memref<64xi32, #tpu.memory_space<vmem>>
    %dma_start3A_10 = arith.constant 0 : i32
    %dma_start3A_11 = arith.constant 0 : i32
    %dma_start3A_12 = tpu.memref_slice %arg2[%dma_start3A_10, %dma_start3A_11] : memref<100000x128xf32, #tpu.memory_space<hbm>> -> memref<100000x128xf32, #tpu.memory_space<hbm>>
    tpu.enqueue_indirect_dma source(%dma_start3A_12 : memref<100000x128xf32, #tpu.memory_space<hbm>>) target(%dma_start3A_6 : memref<64x128xf32, #tpu.memory_space<vmem>>) offsets(%dma_start3A_9 : memref<64xi32, #tpu.memory_space<vmem>>) semaphore(%arg16 : memref<!tpu.dma_semaphore, #tpu.memory_space<semaphore_mem>>)
    %dma_start3A_13 = arith.constant 1 : i32
    %dma_start3A_14 = arith.constant 64 : i32
    %dma_start3A_15 = arith.constant 0 : i32
    %dma_start3A_16 = tpu.memref_slice %arg10[%dma_start3A_14, %dma_start3A_15] : memref<320x128xf32, #tpu.memory_space<vmem>> -> memref<64x128xf32, #tpu.memory_space<vmem>>
    %dma_start3A_17 = arith.constant 0 : i32
    %dma_start3A_18 = tpu.memref_slice %arg9[%dma_start3A_13, %dma_start3A_17] : memref<5x64xi32, #tpu.memory_space<vmem>> -> memref<1x64xi32, #tpu.memory_space<vmem>>
    %dma_start3A_19 = tpu.memref_squeeze %dma_start3A_18 : memref<1x64xi32, #tpu.memory_space<vmem>> -> memref<64xi32, #tpu.memory_space<vmem>>
    %dma_start3A_20 = arith.constant 0 : i32
    %dma_start3A_21 = arith.constant 0 : i32
    %dma_start3A_22 = tpu.memref_slice %arg2[%dma_start3A_20, %dma_start3A_21] : memref<100000x128xf32, #tpu.memory_space<hbm>> -> memref<100000x128xf32, #tpu.memory_space<hbm>>
    tpu.enqueue_indirect_dma source(%dma_start3A_22 : memref<100000x128xf32, #tpu.memory_space<hbm>>) target(%dma_start3A_16 : memref<64x128xf32, #tpu.memory_space<vmem>>) offsets(%dma_start3A_19 : memref<64xi32, #tpu.memory_space<vmem>>) semaphore(%arg16 : memref<!tpu.dma_semaphore, #tpu.memory_space<semaphore_mem>>)
    %dma_start3A_23 = arith.constant 2 : i32
    %dma_start3A_24 = arith.constant 128 : i32
    %dma_start3A_25 = arith.constant 0 : i32
    %dma_start3A_26 = tpu.memref_slice %arg10[%dma_start3A_24, %dma_start3A_25] : memref<320x128xf32, #tpu.memory_space<vmem>> -> memref<64x128xf32, #tpu.memory_space<vmem>>
    %dma_start3A_27 = arith.constant 0 : i32
    %dma_start3A_28 = tpu.memref_slice %arg9[%dma_start3A_23, %dma_start3A_27] : memref<5x64xi32, #tpu.memory_space<vmem>> -> memref<1x64xi32, #tpu.memory_space<vmem>>
    %dma_start3A_29 = tpu.memref_squeeze %dma_start3A_28 : memref<1x64xi32, #tpu.memory_space<vmem>> -> memref<64xi32, #tpu.memory_space<vmem>>
    %dma_start3A_30 = arith.constant 0 : i32
    %dma_start3A_31 = arith.constant 0 : i32
    %dma_start3A_32 = tpu.memref_slice %arg2[%dma_start3A_30, %dma_start3A_31] : memref<100000x128xf32, #tpu.memory_space<hbm>> -> memref<100000x128xf32, #tpu.memory_space<hbm>>
    tpu.enqueue_indirect_dma source(%dma_start3A_32 : memref<100000x128xf32, #tpu.memory_space<hbm>>) target(%dma_start3A_26 : memref<64x128xf32, #tpu.memory_space<vmem>>) offsets(%dma_start3A_29 : memref<64xi32, #tpu.memory_space<vmem>>) semaphore(%arg16 : memref<!tpu.dma_semaphore, #tpu.memory_space<semaphore_mem>>)
    %dma_start3A_33 = arith.constant 3 : i32
    %dma_start3A_34 = arith.constant 192 : i32
    %dma_start3A_35 = arith.constant 0 : i32
    %dma_start3A_36 = tpu.memref_slice %arg10[%dma_start3A_34, %dma_start3A_35] : memref<320x128xf32, #tpu.memory_space<vmem>> -> memref<64x128xf32, #tpu.memory_space<vmem>>
    %dma_start3A_37 = arith.constant 0 : i32
    %dma_start3A_38 = tpu.memref_slice %arg9[%dma_start3A_33, %dma_start3A_37] : memref<5x64xi32, #tpu.memory_space<vmem>> -> memref<1x64xi32, #tpu.memory_space<vmem>>
    %dma_start3A_39 = tpu.memref_squeeze %dma_start3A_38 : memref<1x64xi32, #tpu.memory_space<vmem>> -> memref<64xi32, #tpu.memory_space<vmem>>
    %dma_start3A_40 = arith.constant 0 : i32
    %dma_start3A_41 = arith.constant 0 : i32
    %dma_start3A_42 = tpu.memref_slice %arg2[%dma_start3A_40, %dma_start3A_41] : memref<100000x128xf32, #tpu.memory_space<hbm>> -> memref<100000x128xf32, #tpu.memory_space<hbm>>
    tpu.enqueue_indirect_dma source(%dma_start3A_42 : memref<100000x128xf32, #tpu.memory_space<hbm>>) target(%dma_start3A_36 : memref<64x128xf32, #tpu.memory_space<vmem>>) offsets(%dma_start3A_39 : memref<64xi32, #tpu.memory_space<vmem>>) semaphore(%arg16 : memref<!tpu.dma_semaphore, #tpu.memory_space<semaphore_mem>>)
    %dma_start3A_43 = arith.constant 4 : i32
    %dma_start3A_44 = arith.constant 256 : i32
    %dma_start3A_45 = arith.constant 0 : i32
    %dma_start3A_46 = tpu.memref_slice %arg10[%dma_start3A_44, %dma_start3A_45] : memref<320x128xf32, #tpu.memory_space<vmem>> -> memref<64x128xf32, #tpu.memory_space<vmem>>
    %dma_start3A_47 = arith.constant 0 : i32
    %dma_start3A_48 = tpu.memref_slice %arg9[%dma_start3A_43, %dma_start3A_47] : memref<5x64xi32, #tpu.memory_space<vmem>> -> memref<1x64xi32, #tpu.memory_space<vmem>>
    %dma_start3A_49 = tpu.memref_squeeze %dma_start3A_48 : memref<1x64xi32, #tpu.memory_space<vmem>> -> memref<64xi32, #tpu.memory_space<vmem>>
    %dma_start3A_50 = arith.constant 0 : i32
    %dma_start3A_51 = arith.constant 0 : i32
    %dma_start3A_52 = tpu.memref_slice %arg2[%dma_start3A_50, %dma_start3A_51] : memref<100000x128xf32, #tpu.memory_space<hbm>> -> memref<100000x128xf32, #tpu.memory_space<hbm>>
    tpu.enqueue_indirect_dma source(%dma_start3A_52 : memref<100000x128xf32, #tpu.memory_space<hbm>>) target(%dma_start3A_46 : memref<64x128xf32, #tpu.memory_space<vmem>>) offsets(%dma_start3A_49 : memref<64xi32, #tpu.memory_space<vmem>>) semaphore(%arg16 : memref<!tpu.dma_semaphore, #tpu.memory_space<semaphore_mem>>)
    %dma_wait3A = arith.constant 0 : i32
    %dma_wait3A_53 = arith.constant 0 : i32
    %dma_wait3A_54 = arith.constant 0 : i32
    %dma_wait3A_55 = tpu.memref_slice %arg10[%dma_wait3A_53, %dma_wait3A_54] : memref<320x128xf32, #tpu.memory_space<vmem>> -> memref<64x128xf32, #tpu.memory_space<vmem>>
    %dma_wait3A_56 = arith.constant 0 : i32
    %dma_wait3A_57 = tpu.memref_slice %arg9[%dma_wait3A, %dma_wait3A_56] : memref<5x64xi32, #tpu.memory_space<vmem>> -> memref<1x64xi32, #tpu.memory_space<vmem>>
    %dma_wait3A_58 = tpu.memref_squeeze %dma_wait3A_57 : memref<1x64xi32, #tpu.memory_space<vmem>> -> memref<64xi32, #tpu.memory_space<vmem>>
    %dma_wait3A_59 = arith.constant 0 : i32
    %dma_wait3A_60 = arith.constant 0 : i32
    %dma_wait3A_61 = tpu.memref_slice %arg2[%dma_wait3A_59, %dma_wait3A_60] : memref<100000x128xf32, #tpu.memory_space<hbm>> -> memref<100000x128xf32, #tpu.memory_space<hbm>>
    tpu.wait_indirect_dma semaphore(%arg16 : memref<!tpu.dma_semaphore, #tpu.memory_space<semaphore_mem>>) src(%dma_wait3A_61 : memref<100000x128xf32, #tpu.memory_space<hbm>>) dst(%dma_wait3A_55 : memref<64x128xf32, #tpu.memory_space<vmem>>)
    %dma_wait3A_62 = arith.constant 1 : i32
    %dma_wait3A_63 = arith.constant 64 : i32
    %dma_wait3A_64 = arith.constant 0 : i32
    %dma_wait3A_65 = tpu.memref_slice %arg10[%dma_wait3A_63, %dma_wait3A_64] : memref<320x128xf32, #tpu.memory_space<vmem>> -> memref<64x128xf32, #tpu.memory_space<vmem>>
    %dma_wait3A_66 = arith.constant 0 : i32
    %dma_wait3A_67 = tpu.memref_slice %arg9[%dma_wait3A_62, %dma_wait3A_66] : memref<5x64xi32, #tpu.memory_space<vmem>> -> memref<1x64xi32, #tpu.memory_space<vmem>>
    %dma_wait3A_68 = tpu.memref_squeeze %dma_wait3A_67 : memref<1x64xi32, #tpu.memory_space<vmem>> -> memref<64xi32, #tpu.memory_space<vmem>>
    %dma_wait3A_69 = arith.constant 0 : i32
    %dma_wait3A_70 = arith.constant 0 : i32
    %dma_wait3A_71 = tpu.memref_slice %arg2[%dma_wait3A_69, %dma_wait3A_70] : memref<100000x128xf32, #tpu.memory_space<hbm>> -> memref<100000x128xf32, #tpu.memory_space<hbm>>
    tpu.wait_indirect_dma semaphore(%arg16 : memref<!tpu.dma_semaphore, #tpu.memory_space<semaphore_mem>>) src(%dma_wait3A_71 : memref<100000x128xf32, #tpu.memory_space<hbm>>) dst(%dma_wait3A_65 : memref<64x128xf32, #tpu.memory_space<vmem>>)
    %dma_wait3A_72 = arith.constant 2 : i32
    %dma_wait3A_73 = arith.constant 128 : i32
    %dma_wait3A_74 = arith.constant 0 : i32
    %dma_wait3A_75 = tpu.memref_slice %arg10[%dma_wait3A_73, %dma_wait3A_74] : memref<320x128xf32, #tpu.memory_space<vmem>> -> memref<64x128xf32, #tpu.memory_space<vmem>>
    %dma_wait3A_76 = arith.constant 0 : i32
    %dma_wait3A_77 = tpu.memref_slice %arg9[%dma_wait3A_72, %dma_wait3A_76] : memref<5x64xi32, #tpu.memory_space<vmem>> -> memref<1x64xi32, #tpu.memory_space<vmem>>
    %dma_wait3A_78 = tpu.memref_squeeze %dma_wait3A_77 : memref<1x64xi32, #tpu.memory_space<vmem>> -> memref<64xi32, #tpu.memory_space<vmem>>
    %dma_wait3A_79 = arith.constant 0 : i32
    %dma_wait3A_80 = arith.constant 0 : i32
    %dma_wait3A_81 = tpu.memref_slice %arg2[%dma_wait3A_79, %dma_wait3A_80] : memref<100000x128xf32, #tpu.memory_space<hbm>> -> memref<100000x128xf32, #tpu.memory_space<hbm>>
    tpu.wait_indirect_dma semaphore(%arg16 : memref<!tpu.dma_semaphore, #tpu.memory_space<semaphore_mem>>) src(%dma_wait3A_81 : memref<100000x128xf32, #tpu.memory_space<hbm>>) dst(%dma_wait3A_75 : memref<64x128xf32, #tpu.memory_space<vmem>>)
    %dma_wait3A_82 = arith.constant 3 : i32
    %dma_wait3A_83 = arith.constant 192 : i32
    %dma_wait3A_84 = arith.constant 0 : i32
    %dma_wait3A_85 = tpu.memref_slice %arg10[%dma_wait3A_83, %dma_wait3A_84] : memref<320x128xf32, #tpu.memory_space<vmem>> -> memref<64x128xf32, #tpu.memory_space<vmem>>
    %dma_wait3A_86 = arith.constant 0 : i32
    %dma_wait3A_87 = tpu.memref_slice %arg9[%dma_wait3A_82, %dma_wait3A_86] : memref<5x64xi32, #tpu.memory_space<vmem>> -> memref<1x64xi32, #tpu.memory_space<vmem>>
    %dma_wait3A_88 = tpu.memref_squeeze %dma_wait3A_87 : memref<1x64xi32, #tpu.memory_space<vmem>> -> memref<64xi32, #tpu.memory_space<vmem>>
    %dma_wait3A_89 = arith.constant 0 : i32
    %dma_wait3A_90 = arith.constant 0 : i32
    %dma_wait3A_91 = tpu.memref_slice %arg2[%dma_wait3A_89, %dma_wait3A_90] : memref<100000x128xf32, #tpu.memory_space<hbm>> -> memref<100000x128xf32, #tpu.memory_space<hbm>>
    tpu.wait_indirect_dma semaphore(%arg16 : memref<!tpu.dma_semaphore, #tpu.memory_space<semaphore_mem>>) src(%dma_wait3A_91 : memref<100000x128xf32, #tpu.memory_space<hbm>>) dst(%dma_wait3A_85 : memref<64x128xf32, #tpu.memory_space<vmem>>)
    %dma_wait3A_92 = arith.constant 4 : i32
    %dma_wait3A_93 = arith.constant 256 : i32
    %dma_wait3A_94 = arith.constant 0 : i32
    %dma_wait3A_95 = tpu.memref_slice %arg10[%dma_wait3A_93, %dma_wait3A_94] : memref<320x128xf32, #tpu.memory_space<vmem>> -> memref<64x128xf32, #tpu.memory_space<vmem>>
    %dma_wait3A_96 = arith.constant 0 : i32
    %dma_wait3A_97 = tpu.memref_slice %arg9[%dma_wait3A_92, %dma_wait3A_96] : memref<5x64xi32, #tpu.memory_space<vmem>> -> memref<1x64xi32, #tpu.memory_space<vmem>>
    %dma_wait3A_98 = tpu.memref_squeeze %dma_wait3A_97 : memref<1x64xi32, #tpu.memory_space<vmem>> -> memref<64xi32, #tpu.memory_space<vmem>>
    %dma_wait3A_99 = arith.constant 0 : i32
    %dma_wait3A_100 = arith.constant 0 : i32
    %dma_wait3A_101 = tpu.memref_slice %arg2[%dma_wait3A_99, %dma_wait3A_100] : memref<100000x128xf32, #tpu.memory_space<hbm>> -> memref<100000x128xf32, #tpu.memory_space<hbm>>
    tpu.wait_indirect_dma semaphore(%arg16 : memref<!tpu.dma_semaphore, #tpu.memory_space<semaphore_mem>>) src(%dma_wait3A_101 : memref<100000x128xf32, #tpu.memory_space<hbm>>) dst(%dma_wait3A_95 : memref<64x128xf32, #tpu.memory_space<vmem>>)
    %mul3A_102 = arith.constant 320 : i32
    %mul3A_103 = arith.muli %add3A, %mul3A_102 : i32
    "tpu.region"() ({
      %run_scoped3A_136 = tpu.sem_alloc : memref<!tpu.dma_semaphore, #tpu.memory_space<semaphore_mem>>
      %dma_start3A_137 = arith.constant 0 : i32
      %dma_start3A_138 = tpu.memref_slice %arg7[%mul3A_103, %dma_start3A_137] : memref<10240x128xf32, #tpu.memory_space<hbm>> -> memref<320x128xf32, #tpu.memory_space<hbm>>
      %dma_start3A_139 = arith.constant 0 : i32
      %dma_start3A_140 = tpu.memref_slice %arg7[%mul3A_103, %dma_start3A_139] : memref<10240x128xf32, #tpu.memory_space<hbm>> -> memref<320x128xf32, #tpu.memory_space<hbm>>
      tpu.enqueue_dma source(%arg10 : memref<320x128xf32, #tpu.memory_space<vmem>>) target(%dma_start3A_140 : memref<320x128xf32, #tpu.memory_space<hbm>>) target_semaphore(%run_scoped3A_136 : memref<!tpu.dma_semaphore, #tpu.memory_space<semaphore_mem>>)
      %dma_wait3A_141 = arith.constant 0 : i32
      %dma_wait3A_142 = tpu.memref_slice %arg7[%mul3A_103, %dma_wait3A_141] : memref<10240x128xf32, #tpu.memory_space<hbm>> -> memref<320x128xf32, #tpu.memory_space<hbm>>
      %dma_wait3A_143 = arith.constant 0 : i32
      %dma_wait3A_144 = tpu.memref_slice %arg7[%mul3A_103, %dma_wait3A_143] : memref<10240x128xf32, #tpu.memory_space<hbm>> -> memref<320x128xf32, #tpu.memory_space<hbm>>
      tpu.wait_dma2 semaphore(%run_scoped3A_136 : memref<!tpu.dma_semaphore, #tpu.memory_space<semaphore_mem>>) src(%arg10 : memref<320x128xf32, #tpu.memory_space<vmem>>) dst(%dma_wait3A_144 : memref<320x128xf32, #tpu.memory_space<hbm>>)
      tpu.yield
    }) : () -> ()
    %barrier3A = arith.constant 0 : index
    tpu.barrier barrier_id(%barrier3A)
    %dma_start3A_104 = arith.constant 0 : i32
    %dma_start3A_105 = arith.constant 0 : i32
    %dma_start3A_106 = tpu.memref_slice %arg11[%dma_start3A_104, %dma_start3A_105] : memref<80x128xi32, #tpu.memory_space<vmem>> -> memref<1x128xi32, #tpu.memory_space<vmem>>
    %dma_start3A_107 = tpu.memref_squeeze %dma_start3A_106 : memref<1x128xi32, #tpu.memory_space<vmem>> -> memref<128xi32, #tpu.memory_space<vmem>>
    %dma_start3A_108 = arith.constant 0 : i32
    %dma_start3A_109 = tpu.memref_slice %arg14[%dma_start3A_108] : memref<10240xf32, #tpu.memory_space<vmem_shared>> -> memref<10240xf32, #tpu.memory_space<vmem_shared>>
    tpu.enqueue_indirect_dma source(%arg13 : memref<128xf32, #tpu.memory_space<vmem>>) target(%dma_start3A_109 : memref<10240xf32, #tpu.memory_space<vmem_shared>>) offsets(%dma_start3A_107 : memref<128xi32, #tpu.memory_space<vmem>>) semaphore(%arg17 : memref<!tpu.dma_semaphore, #tpu.memory_space<semaphore_mem>>) {add = true}
    %dma_start3A_110 = arith.constant 0 : i32
    %dma_start3A_111 = arith.constant 0 : i32
    %dma_start3A_112 = tpu.memref_slice %arg12[%dma_start3A_110, %dma_start3A_111] : memref<80x128xi32, #tpu.memory_space<vmem>> -> memref<1x128xi32, #tpu.memory_space<vmem>>
    %dma_start3A_113 = tpu.memref_squeeze %dma_start3A_112 : memref<1x128xi32, #tpu.memory_space<vmem>> -> memref<128xi32, #tpu.memory_space<vmem>>
    %dma_start3A_114 = arith.constant 0 : i32
    %dma_start3A_115 = tpu.memref_slice %arg15[%dma_start3A_114] : memref<10240xf32, #tpu.memory_space<vmem_shared>> -> memref<10240xf32, #tpu.memory_space<vmem_shared>>
    tpu.enqueue_indirect_dma source(%arg13 : memref<128xf32, #tpu.memory_space<vmem>>) target(%dma_start3A_115 : memref<10240xf32, #tpu.memory_space<vmem_shared>>) offsets(%dma_start3A_113 : memref<128xi32, #tpu.memory_space<vmem>>) semaphore(%arg18 : memref<!tpu.dma_semaphore, #tpu.memory_space<semaphore_mem>>) {add = true}
    %scan3A = arith.constant 0 : i32
    %scan3A_116 = arith.constant 1 : i32
    %scan3A_117 = arith.constant 79 : i32
    %scan3A_118 = arith.addi %scan3A_116, %scan3A_117 : i32
    %scan3A_119 = arith.constant 1 : i32
    scf.for %scan3A_136 = %scan3A_116 to %scan3A_118 step %scan3A_119  : i32 {
      %dma_start3A_137 = arith.constant 0 : i32
      %dma_start3A_138 = tpu.memref_slice %arg11[%scan3A_136, %dma_start3A_137] : memref<80x128xi32, #tpu.memory_space<vmem>> -> memref<1x128xi32, #tpu.memory_space<vmem>>
      %dma_start3A_139 = tpu.memref_squeeze %dma_start3A_138 : memref<1x128xi32, #tpu.memory_space<vmem>> -> memref<128xi32, #tpu.memory_space<vmem>>
      %dma_start3A_140 = arith.constant 0 : i32
      %dma_start3A_141 = tpu.memref_slice %arg14[%dma_start3A_140] : memref<10240xf32, #tpu.memory_space<vmem_shared>> -> memref<10240xf32, #tpu.memory_space<vmem_shared>>
      tpu.enqueue_indirect_dma source(%arg13 : memref<128xf32, #tpu.memory_space<vmem>>) target(%dma_start3A_141 : memref<10240xf32, #tpu.memory_space<vmem_shared>>) offsets(%dma_start3A_139 : memref<128xi32, #tpu.memory_space<vmem>>) semaphore(%arg17 : memref<!tpu.dma_semaphore, #tpu.memory_space<semaphore_mem>>) {add = true}
      %dma_start3A_142 = arith.constant 0 : i32
      %dma_start3A_143 = tpu.memref_slice %arg12[%scan3A_136, %dma_start3A_142] : memref<80x128xi32, #tpu.memory_space<vmem>> -> memref<1x128xi32, #tpu.memory_space<vmem>>
      %dma_start3A_144 = tpu.memref_squeeze %dma_start3A_143 : memref<1x128xi32, #tpu.memory_space<vmem>> -> memref<128xi32, #tpu.memory_space<vmem>>
      %dma_start3A_145 = arith.constant 0 : i32
      %dma_start3A_146 = tpu.memref_slice %arg15[%dma_start3A_145] : memref<10240xf32, #tpu.memory_space<vmem_shared>> -> memref<10240xf32, #tpu.memory_space<vmem_shared>>
      tpu.enqueue_indirect_dma source(%arg13 : memref<128xf32, #tpu.memory_space<vmem>>) target(%dma_start3A_146 : memref<10240xf32, #tpu.memory_space<vmem_shared>>) offsets(%dma_start3A_144 : memref<128xi32, #tpu.memory_space<vmem>>) semaphore(%arg18 : memref<!tpu.dma_semaphore, #tpu.memory_space<semaphore_mem>>) {add = true}
      %sub3A = arith.constant 1 : i32
      %sub3A_147 = arith.subi %scan3A_136, %sub3A : i32
      %dma_wait3A_148 = arith.constant 0 : i32
      %dma_wait3A_149 = tpu.memref_slice %arg11[%sub3A_147, %dma_wait3A_148] : memref<80x128xi32, #tpu.memory_space<vmem>> -> memref<1x128xi32, #tpu.memory_space<vmem>>
      %dma_wait3A_150 = tpu.memref_squeeze %dma_wait3A_149 : memref<1x128xi32, #tpu.memory_space<vmem>> -> memref<128xi32, #tpu.memory_space<vmem>>
      %dma_wait3A_151 = arith.constant 0 : i32
      %dma_wait3A_152 = tpu.memref_slice %arg14[%dma_wait3A_151] : memref<10240xf32, #tpu.memory_space<vmem_shared>> -> memref<10240xf32, #tpu.memory_space<vmem_shared>>
      tpu.wait_indirect_dma semaphore(%arg17 : memref<!tpu.dma_semaphore, #tpu.memory_space<semaphore_mem>>) src(%arg13 : memref<128xf32, #tpu.memory_space<vmem>>) dst(%dma_wait3A_152 : memref<10240xf32, #tpu.memory_space<vmem_shared>>)
      %dma_wait3A_153 = arith.constant 0 : i32
      %dma_wait3A_154 = tpu.memref_slice %arg12[%sub3A_147, %dma_wait3A_153] : memref<80x128xi32, #tpu.memory_space<vmem>> -> memref<1x128xi32, #tpu.memory_space<vmem>>
      %dma_wait3A_155 = tpu.memref_squeeze %dma_wait3A_154 : memref<1x128xi32, #tpu.memory_space<vmem>> -> memref<128xi32, #tpu.memory_space<vmem>>
      %dma_wait3A_156 = arith.constant 0 : i32
      %dma_wait3A_157 = tpu.memref_slice %arg15[%dma_wait3A_156] : memref<10240xf32, #tpu.memory_space<vmem_shared>> -> memref<10240xf32, #tpu.memory_space<vmem_shared>>
      tpu.wait_indirect_dma semaphore(%arg18 : memref<!tpu.dma_semaphore, #tpu.memory_space<semaphore_mem>>) src(%arg13 : memref<128xf32, #tpu.memory_space<vmem>>) dst(%dma_wait3A_157 : memref<10240xf32, #tpu.memory_space<vmem_shared>>)
    }
    %scan3A_120 = arith.constant 79 : i32
    %dma_wait3A_121 = arith.constant 79 : i32
    %dma_wait3A_122 = arith.constant 0 : i32
    %dma_wait3A_123 = tpu.memref_slice %arg11[%dma_wait3A_121, %dma_wait3A_122] : memref<80x128xi32, #tpu.memory_space<vmem>> -> memref<1x128xi32, #tpu.memory_space<vmem>>
    %dma_wait3A_124 = tpu.memref_squeeze %dma_wait3A_123 : memref<1x128xi32, #tpu.memory_space<vmem>> -> memref<128xi32, #tpu.memory_space<vmem>>
    %dma_wait3A_125 = arith.constant 0 : i32
    %dma_wait3A_126 = tpu.memref_slice %arg14[%dma_wait3A_125] : memref<10240xf32, #tpu.memory_space<vmem_shared>> -> memref<10240xf32, #tpu.memory_space<vmem_shared>>
    tpu.wait_indirect_dma semaphore(%arg17 : memref<!tpu.dma_semaphore, #tpu.memory_space<semaphore_mem>>) src(%arg13 : memref<128xf32, #tpu.memory_space<vmem>>) dst(%dma_wait3A_126 : memref<10240xf32, #tpu.memory_space<vmem_shared>>)
    %dma_wait3A_127 = arith.constant 79 : i32
    %dma_wait3A_128 = arith.constant 0 : i32
    %dma_wait3A_129 = tpu.memref_slice %arg12[%dma_wait3A_127, %dma_wait3A_128] : memref<80x128xi32, #tpu.memory_space<vmem>> -> memref<1x128xi32, #tpu.memory_space<vmem>>
    %dma_wait3A_130 = tpu.memref_squeeze %dma_wait3A_129 : memref<1x128xi32, #tpu.memory_space<vmem>> -> memref<128xi32, #tpu.memory_space<vmem>>
    %dma_wait3A_131 = arith.constant 0 : i32
    %dma_wait3A_132 = tpu.memref_slice %arg15[%dma_wait3A_131] : memref<10240xf32, #tpu.memory_space<vmem_shared>> -> memref<10240xf32, #tpu.memory_space<vmem_shared>>
    tpu.wait_indirect_dma semaphore(%arg18 : memref<!tpu.dma_semaphore, #tpu.memory_space<semaphore_mem>>) src(%arg13 : memref<128xf32, #tpu.memory_space<vmem>>) dst(%dma_wait3A_132 : memref<10240xf32, #tpu.memory_space<vmem_shared>>)
    %barrier3A_133 = arith.constant 0 : index
    tpu.barrier barrier_id(%barrier3A_133)
    %run_scoped3A_134 = arith.constant 0 : i32
    "tpu.region"() ({
      %run_scoped3A_136 = tpu.sem_alloc : memref<!tpu.dma_semaphore, #tpu.memory_space<semaphore_mem>>
      %dma_start3A_137 = tpu.memref_slice %arg8[%arg0, %run_scoped3A_134, %mul3A_2] : memref<2x2x10240xf32, #tpu.memory_space<hbm>> -> memref<1x1x640xf32, #tpu.memory_space<hbm>>
      %dma_start3A_138 = tpu.memref_squeeze %dma_start3A_137 : memref<1x1x640xf32, #tpu.memory_space<hbm>> -> memref<640xf32, #tpu.memory_space<hbm>>
      %dma_start3A_139 = tpu.memref_slice %arg14[%mul3A_2] : memref<10240xf32, #tpu.memory_space<vmem_shared>> -> memref<640xf32, #tpu.memory_space<vmem_shared>>
      tpu.enqueue_dma source(%dma_start3A_139 : memref<640xf32, #tpu.memory_space<vmem_shared>>) target(%dma_start3A_138 : memref<640xf32, #tpu.memory_space<hbm>>) target_semaphore(%run_scoped3A_136 : memref<!tpu.dma_semaphore, #tpu.memory_space<semaphore_mem>>)
      %dma_wait3A_140 = tpu.memref_slice %arg8[%arg0, %run_scoped3A_134, %mul3A_2] : memref<2x2x10240xf32, #tpu.memory_space<hbm>> -> memref<1x1x640xf32, #tpu.memory_space<hbm>>
      %dma_wait3A_141 = tpu.memref_squeeze %dma_wait3A_140 : memref<1x1x640xf32, #tpu.memory_space<hbm>> -> memref<640xf32, #tpu.memory_space<hbm>>
      %dma_wait3A_142 = tpu.memref_slice %arg14[%mul3A_2] : memref<10240xf32, #tpu.memory_space<vmem_shared>> -> memref<640xf32, #tpu.memory_space<vmem_shared>>
      tpu.wait_dma2 semaphore(%run_scoped3A_136 : memref<!tpu.dma_semaphore, #tpu.memory_space<semaphore_mem>>) src(%dma_wait3A_142 : memref<640xf32, #tpu.memory_space<vmem_shared>>) dst(%dma_wait3A_141 : memref<640xf32, #tpu.memory_space<hbm>>)
      tpu.yield
    }) : () -> ()
    %run_scoped3A_135 = arith.constant 1 : i32
    "tpu.region"() ({
      %run_scoped3A_136 = tpu.sem_alloc : memref<!tpu.dma_semaphore, #tpu.memory_space<semaphore_mem>>
      %dma_start3A_137 = tpu.memref_slice %arg8[%arg0, %run_scoped3A_135, %mul3A_2] : memref<2x2x10240xf32, #tpu.memory_space<hbm>> -> memref<1x1x640xf32, #tpu.memory_space<hbm>>
      %dma_start3A_138 = tpu.memref_squeeze %dma_start3A_137 : memref<1x1x640xf32, #tpu.memory_space<hbm>> -> memref<640xf32, #tpu.memory_space<hbm>>
      %dma_start3A_139 = tpu.memref_slice %arg15[%mul3A_2] : memref<10240xf32, #tpu.memory_space<vmem_shared>> -> memref<640xf32, #tpu.memory_space<vmem_shared>>
      tpu.enqueue_dma source(%dma_start3A_139 : memref<640xf32, #tpu.memory_space<vmem_shared>>) target(%dma_start3A_138 : memref<640xf32, #tpu.memory_space<hbm>>) target_semaphore(%run_scoped3A_136 : memref<!tpu.dma_semaphore, #tpu.memory_space<semaphore_mem>>)
      %dma_wait3A_140 = tpu.memref_slice %arg8[%arg0, %run_scoped3A_135, %mul3A_2] : memref<2x2x10240xf32, #tpu.memory_space<hbm>> -> memref<1x1x640xf32, #tpu.memory_space<hbm>>
      %dma_wait3A_141 = tpu.memref_squeeze %dma_wait3A_140 : memref<1x1x640xf32, #tpu.memory_space<hbm>> -> memref<640xf32, #tpu.memory_space<hbm>>
      %dma_wait3A_142 = tpu.memref_slice %arg15[%mul3A_2] : memref<10240xf32, #tpu.memory_space<vmem_shared>> -> memref<640xf32, #tpu.memory_space<vmem_shared>>
      tpu.wait_dma2 semaphore(%run_scoped3A_136 : memref<!tpu.dma_semaphore, #tpu.memory_space<semaphore_mem>>) src(%dma_wait3A_142 : memref<640xf32, #tpu.memory_space<vmem_shared>>) dst(%dma_wait3A_141 : memref<640xf32, #tpu.memory_space<hbm>>)
      tpu.yield
    }) : () -> ()
    return
  }
}

#map = affine_map<(d0, d1) -> (0, 0)>
#map1 = affine_map<(d0, d1) -> (0, 0, 0, 0, 0)>
#map2 = affine_map<(d0, d1) -> (0, 0, 0)>
module attributes {stable_mosaic.version = 14 : i64} {
  func.func @_msgpass(%arg0: i32, %arg1: i32, %arg2: memref<10240x128xf32, #tpu.memory_space<hbm>>, %arg3: memref<2x32x2x80x64xi32, #tpu.memory_space<hbm>>, %arg4: memref<10240x128xf32, #tpu.memory_space<hbm>>, %arg5: memref<2x10240x128xf32, #tpu.memory_space<hbm>>, %arg6: memref<80x64xi32, #tpu.memory_space<vmem>>, %arg7: memref<80x64xi32, #tpu.memory_space<vmem>>, %arg8: memref<64x128xf32, #tpu.memory_space<vmem>>, %arg9: memref<64x128xf32, #tpu.memory_space<vmem>>, %arg10: memref<64x128xf32, #tpu.memory_space<vmem>>, %arg11: memref<64x128xf32, #tpu.memory_space<vmem>>, %arg12: memref<10240x128xf32, #tpu.memory_space<vmem_shared>>, %arg13: memref<!tpu.dma_semaphore, #tpu.memory_space<semaphore_mem>>, %arg14: memref<!tpu.dma_semaphore, #tpu.memory_space<semaphore_mem>>, %arg15: memref<!tpu.dma_semaphore, #tpu.memory_space<semaphore_mem>>, %arg16: memref<!tpu.dma_semaphore, #tpu.memory_space<semaphore_mem>>, %arg17: memref<!tpu.dma_semaphore, #tpu.memory_space<semaphore_mem>>, %arg18: memref<!tpu.dma_semaphore, #tpu.memory_space<semaphore_mem>>, %arg19: memref<!tpu.dma_semaphore, #tpu.memory_space<semaphore_mem>>, %arg20: memref<!tpu.dma_semaphore, #tpu.memory_space<semaphore_mem>>) attributes {dimension_semantics = [#tpu.dimension_semantics<core_parallel>, #tpu.dimension_semantics<subcore_parallel>], iteration_bounds = array<i64: 2, 16>, scalar_prefetch = 0 : i64, scratch_operands = 15 : i64, tpu.core_type = #tpu.core_type<sc_vector_subcore>, window_params = [{transform_indices = #map}, {transform_indices = #map1}, {transform_indices = #map}, {transform_indices = #map2}]} {
    %mul3A = arith.constant 2 : i32
    %mul3A_0 = arith.muli %arg1, %mul3A : i32
    %add3A = arith.addi %mul3A_0, %arg0 : i32
    %mul3A_1 = arith.constant 640 : i32
    %mul3A_2 = arith.muli %arg1, %mul3A_1 : i32
    %run_scoped3A = arith.constant 0 : i32
    %run_scoped3A_3 = arith.constant 0 : i32
    "tpu.region"() ({
      %run_scoped3A_244 = tpu.sem_alloc : memref<!tpu.dma_semaphore, #tpu.memory_space<semaphore_mem>>
      %dma_start3A_245 = arith.constant 0 : i32
      %dma_start3A_246 = arith.constant 0 : i32
      %dma_start3A_247 = tpu.memref_slice %arg3[%run_scoped3A, %add3A, %run_scoped3A_3, %dma_start3A_245, %dma_start3A_246] : memref<2x32x2x80x64xi32, #tpu.memory_space<hbm>> -> memref<1x1x1x80x64xi32, #tpu.memory_space<hbm>>
      %dma_start3A_248 = tpu.memref_squeeze %dma_start3A_247 : memref<1x1x1x80x64xi32, #tpu.memory_space<hbm>> -> memref<80x64xi32, #tpu.memory_space<hbm>>
      %dma_start3A_249 = arith.constant 0 : i32
      %dma_start3A_250 = arith.constant 0 : i32
      %dma_start3A_251 = tpu.memref_slice %arg3[%run_scoped3A, %add3A, %run_scoped3A_3, %dma_start3A_249, %dma_start3A_250] : memref<2x32x2x80x64xi32, #tpu.memory_space<hbm>> -> memref<1x1x1x80x64xi32, #tpu.memory_space<hbm>>
      %dma_start3A_252 = tpu.memref_squeeze %dma_start3A_251 : memref<1x1x1x80x64xi32, #tpu.memory_space<hbm>> -> memref<80x64xi32, #tpu.memory_space<hbm>>
      tpu.enqueue_dma source(%dma_start3A_252 : memref<80x64xi32, #tpu.memory_space<hbm>>) target(%arg6 : memref<80x64xi32, #tpu.memory_space<vmem>>) target_semaphore(%run_scoped3A_244 : memref<!tpu.dma_semaphore, #tpu.memory_space<semaphore_mem>>)
      %dma_wait3A_253 = arith.constant 0 : i32
      %dma_wait3A_254 = arith.constant 0 : i32
      %dma_wait3A_255 = tpu.memref_slice %arg3[%run_scoped3A, %add3A, %run_scoped3A_3, %dma_wait3A_253, %dma_wait3A_254] : memref<2x32x2x80x64xi32, #tpu.memory_space<hbm>> -> memref<1x1x1x80x64xi32, #tpu.memory_space<hbm>>
      %dma_wait3A_256 = tpu.memref_squeeze %dma_wait3A_255 : memref<1x1x1x80x64xi32, #tpu.memory_space<hbm>> -> memref<80x64xi32, #tpu.memory_space<hbm>>
      %dma_wait3A_257 = arith.constant 0 : i32
      %dma_wait3A_258 = arith.constant 0 : i32
      %dma_wait3A_259 = tpu.memref_slice %arg3[%run_scoped3A, %add3A, %run_scoped3A_3, %dma_wait3A_257, %dma_wait3A_258] : memref<2x32x2x80x64xi32, #tpu.memory_space<hbm>> -> memref<1x1x1x80x64xi32, #tpu.memory_space<hbm>>
      %dma_wait3A_260 = tpu.memref_squeeze %dma_wait3A_259 : memref<1x1x1x80x64xi32, #tpu.memory_space<hbm>> -> memref<80x64xi32, #tpu.memory_space<hbm>>
      tpu.wait_dma2 semaphore(%run_scoped3A_244 : memref<!tpu.dma_semaphore, #tpu.memory_space<semaphore_mem>>) src(%dma_wait3A_260 : memref<80x64xi32, #tpu.memory_space<hbm>>) dst(%arg6 : memref<80x64xi32, #tpu.memory_space<vmem>>)
      tpu.yield
    }) : () -> ()
    %run_scoped3A_4 = arith.constant 1 : i32
    %run_scoped3A_5 = arith.constant 0 : i32
    "tpu.region"() ({
      %run_scoped3A_244 = tpu.sem_alloc : memref<!tpu.dma_semaphore, #tpu.memory_space<semaphore_mem>>
      %dma_start3A_245 = arith.constant 0 : i32
      %dma_start3A_246 = arith.constant 0 : i32
      %dma_start3A_247 = tpu.memref_slice %arg3[%run_scoped3A_4, %add3A, %run_scoped3A_5, %dma_start3A_245, %dma_start3A_246] : memref<2x32x2x80x64xi32, #tpu.memory_space<hbm>> -> memref<1x1x1x80x64xi32, #tpu.memory_space<hbm>>
      %dma_start3A_248 = tpu.memref_squeeze %dma_start3A_247 : memref<1x1x1x80x64xi32, #tpu.memory_space<hbm>> -> memref<80x64xi32, #tpu.memory_space<hbm>>
      %dma_start3A_249 = arith.constant 0 : i32
      %dma_start3A_250 = arith.constant 0 : i32
      %dma_start3A_251 = tpu.memref_slice %arg3[%run_scoped3A_4, %add3A, %run_scoped3A_5, %dma_start3A_249, %dma_start3A_250] : memref<2x32x2x80x64xi32, #tpu.memory_space<hbm>> -> memref<1x1x1x80x64xi32, #tpu.memory_space<hbm>>
      %dma_start3A_252 = tpu.memref_squeeze %dma_start3A_251 : memref<1x1x1x80x64xi32, #tpu.memory_space<hbm>> -> memref<80x64xi32, #tpu.memory_space<hbm>>
      tpu.enqueue_dma source(%dma_start3A_252 : memref<80x64xi32, #tpu.memory_space<hbm>>) target(%arg7 : memref<80x64xi32, #tpu.memory_space<vmem>>) target_semaphore(%run_scoped3A_244 : memref<!tpu.dma_semaphore, #tpu.memory_space<semaphore_mem>>)
      %dma_wait3A_253 = arith.constant 0 : i32
      %dma_wait3A_254 = arith.constant 0 : i32
      %dma_wait3A_255 = tpu.memref_slice %arg3[%run_scoped3A_4, %add3A, %run_scoped3A_5, %dma_wait3A_253, %dma_wait3A_254] : memref<2x32x2x80x64xi32, #tpu.memory_space<hbm>> -> memref<1x1x1x80x64xi32, #tpu.memory_space<hbm>>
      %dma_wait3A_256 = tpu.memref_squeeze %dma_wait3A_255 : memref<1x1x1x80x64xi32, #tpu.memory_space<hbm>> -> memref<80x64xi32, #tpu.memory_space<hbm>>
      %dma_wait3A_257 = arith.constant 0 : i32
      %dma_wait3A_258 = arith.constant 0 : i32
      %dma_wait3A_259 = tpu.memref_slice %arg3[%run_scoped3A_4, %add3A, %run_scoped3A_5, %dma_wait3A_257, %dma_wait3A_258] : memref<2x32x2x80x64xi32, #tpu.memory_space<hbm>> -> memref<1x1x1x80x64xi32, #tpu.memory_space<hbm>>
      %dma_wait3A_260 = tpu.memref_squeeze %dma_wait3A_259 : memref<1x1x1x80x64xi32, #tpu.memory_space<hbm>> -> memref<80x64xi32, #tpu.memory_space<hbm>>
      tpu.wait_dma2 semaphore(%run_scoped3A_244 : memref<!tpu.dma_semaphore, #tpu.memory_space<semaphore_mem>>) src(%dma_wait3A_260 : memref<80x64xi32, #tpu.memory_space<hbm>>) dst(%arg7 : memref<80x64xi32, #tpu.memory_space<vmem>>)
      tpu.yield
    }) : () -> ()
    %dma_start3A = arith.constant 0 : i32
    %dma_start3A_6 = arith.constant 0 : i32
    %dma_start3A_7 = tpu.memref_slice %arg6[%dma_start3A, %dma_start3A_6] : memref<80x64xi32, #tpu.memory_space<vmem>> -> memref<1x64xi32, #tpu.memory_space<vmem>>
    %dma_start3A_8 = tpu.memref_squeeze %dma_start3A_7 : memref<1x64xi32, #tpu.memory_space<vmem>> -> memref<64xi32, #tpu.memory_space<vmem>>
    %dma_start3A_9 = arith.constant 0 : i32
    %dma_start3A_10 = arith.constant 0 : i32
    %dma_start3A_11 = tpu.memref_slice %arg2[%dma_start3A_9, %dma_start3A_10] : memref<10240x128xf32, #tpu.memory_space<hbm>> -> memref<10240x128xf32, #tpu.memory_space<hbm>>
    tpu.enqueue_indirect_dma source(%dma_start3A_11 : memref<10240x128xf32, #tpu.memory_space<hbm>>) target(%arg8 : memref<64x128xf32, #tpu.memory_space<vmem>>) offsets(%dma_start3A_8 : memref<64xi32, #tpu.memory_space<vmem>>) semaphore(%arg13 : memref<!tpu.dma_semaphore, #tpu.memory_space<semaphore_mem>>)
    %dma_start3A_12 = arith.constant 1 : i32
    %dma_start3A_13 = arith.constant 0 : i32
    %dma_start3A_14 = tpu.memref_slice %arg6[%dma_start3A_12, %dma_start3A_13] : memref<80x64xi32, #tpu.memory_space<vmem>> -> memref<1x64xi32, #tpu.memory_space<vmem>>
    %dma_start3A_15 = tpu.memref_squeeze %dma_start3A_14 : memref<1x64xi32, #tpu.memory_space<vmem>> -> memref<64xi32, #tpu.memory_space<vmem>>
    %dma_start3A_16 = arith.constant 0 : i32
    %dma_start3A_17 = arith.constant 0 : i32
    %dma_start3A_18 = tpu.memref_slice %arg2[%dma_start3A_16, %dma_start3A_17] : memref<10240x128xf32, #tpu.memory_space<hbm>> -> memref<10240x128xf32, #tpu.memory_space<hbm>>
    tpu.enqueue_indirect_dma source(%dma_start3A_18 : memref<10240x128xf32, #tpu.memory_space<hbm>>) target(%arg9 : memref<64x128xf32, #tpu.memory_space<vmem>>) offsets(%dma_start3A_15 : memref<64xi32, #tpu.memory_space<vmem>>) semaphore(%arg14 : memref<!tpu.dma_semaphore, #tpu.memory_space<semaphore_mem>>)
    %dma_start3A_19 = arith.constant 2 : i32
    %dma_start3A_20 = arith.constant 0 : i32
    %dma_start3A_21 = tpu.memref_slice %arg6[%dma_start3A_19, %dma_start3A_20] : memref<80x64xi32, #tpu.memory_space<vmem>> -> memref<1x64xi32, #tpu.memory_space<vmem>>
    %dma_start3A_22 = tpu.memref_squeeze %dma_start3A_21 : memref<1x64xi32, #tpu.memory_space<vmem>> -> memref<64xi32, #tpu.memory_space<vmem>>
    %dma_start3A_23 = arith.constant 0 : i32
    %dma_start3A_24 = arith.constant 0 : i32
    %dma_start3A_25 = tpu.memref_slice %arg2[%dma_start3A_23, %dma_start3A_24] : memref<10240x128xf32, #tpu.memory_space<hbm>> -> memref<10240x128xf32, #tpu.memory_space<hbm>>
    tpu.enqueue_indirect_dma source(%dma_start3A_25 : memref<10240x128xf32, #tpu.memory_space<hbm>>) target(%arg10 : memref<64x128xf32, #tpu.memory_space<vmem>>) offsets(%dma_start3A_22 : memref<64xi32, #tpu.memory_space<vmem>>) semaphore(%arg15 : memref<!tpu.dma_semaphore, #tpu.memory_space<semaphore_mem>>)
    %dma_start3A_26 = arith.constant 3 : i32
    %dma_start3A_27 = arith.constant 0 : i32
    %dma_start3A_28 = tpu.memref_slice %arg6[%dma_start3A_26, %dma_start3A_27] : memref<80x64xi32, #tpu.memory_space<vmem>> -> memref<1x64xi32, #tpu.memory_space<vmem>>
    %dma_start3A_29 = tpu.memref_squeeze %dma_start3A_28 : memref<1x64xi32, #tpu.memory_space<vmem>> -> memref<64xi32, #tpu.memory_space<vmem>>
    %dma_start3A_30 = arith.constant 0 : i32
    %dma_start3A_31 = arith.constant 0 : i32
    %dma_start3A_32 = tpu.memref_slice %arg2[%dma_start3A_30, %dma_start3A_31] : memref<10240x128xf32, #tpu.memory_space<hbm>> -> memref<10240x128xf32, #tpu.memory_space<hbm>>
    tpu.enqueue_indirect_dma source(%dma_start3A_32 : memref<10240x128xf32, #tpu.memory_space<hbm>>) target(%arg11 : memref<64x128xf32, #tpu.memory_space<vmem>>) offsets(%dma_start3A_29 : memref<64xi32, #tpu.memory_space<vmem>>) semaphore(%arg16 : memref<!tpu.dma_semaphore, #tpu.memory_space<semaphore_mem>>)
    "tpu.region"() ({
      %run_scoped3A_244 = tpu.sem_alloc : memref<!tpu.dma_semaphore, #tpu.memory_space<semaphore_mem>>
      %dma_start3A_245 = arith.constant 0 : i32
      %dma_start3A_246 = tpu.memref_slice %arg12[%mul3A_2, %dma_start3A_245] : memref<10240x128xf32, #tpu.memory_space<vmem_shared>> -> memref<640x128xf32, #tpu.memory_space<vmem_shared>>
      %dma_start3A_247 = arith.constant 0 : i32
      %dma_start3A_248 = tpu.memref_slice %arg4[%mul3A_2, %dma_start3A_247] : memref<10240x128xf32, #tpu.memory_space<hbm>> -> memref<640x128xf32, #tpu.memory_space<hbm>>
      tpu.enqueue_dma source(%dma_start3A_248 : memref<640x128xf32, #tpu.memory_space<hbm>>) target(%dma_start3A_246 : memref<640x128xf32, #tpu.memory_space<vmem_shared>>) target_semaphore(%run_scoped3A_244 : memref<!tpu.dma_semaphore, #tpu.memory_space<semaphore_mem>>)
      %dma_wait3A_249 = arith.constant 0 : i32
      %dma_wait3A_250 = tpu.memref_slice %arg12[%mul3A_2, %dma_wait3A_249] : memref<10240x128xf32, #tpu.memory_space<vmem_shared>> -> memref<640x128xf32, #tpu.memory_space<vmem_shared>>
      %dma_wait3A_251 = arith.constant 0 : i32
      %dma_wait3A_252 = tpu.memref_slice %arg4[%mul3A_2, %dma_wait3A_251] : memref<10240x128xf32, #tpu.memory_space<hbm>> -> memref<640x128xf32, #tpu.memory_space<hbm>>
      tpu.wait_dma2 semaphore(%run_scoped3A_244 : memref<!tpu.dma_semaphore, #tpu.memory_space<semaphore_mem>>) src(%dma_wait3A_252 : memref<640x128xf32, #tpu.memory_space<hbm>>) dst(%dma_wait3A_250 : memref<640x128xf32, #tpu.memory_space<vmem_shared>>)
      tpu.yield
    }) : () -> ()
    %barrier3A = arith.constant 0 : index
    tpu.barrier barrier_id(%barrier3A)
    %scan3A = arith.constant 0 : i32
    %scan3A_33 = arith.constant 0 : i32
    %scan3A_34 = arith.constant 19 : i32
    %scan3A_35 = arith.addi %scan3A_33, %scan3A_34 : i32
    %scan3A_36 = arith.constant 1 : i32
    scf.for %scan3A_244 = %scan3A_33 to %scan3A_35 step %scan3A_36  : i32 {
      %mul3A_245 = arith.constant 4 : i32
      %mul3A_246 = arith.muli %mul3A_245, %scan3A_244 : i32
      %add3A_247 = arith.constant 0 : i32
      %add3A_248 = arith.addi %mul3A_246, %add3A_247 : i32
      %dma_wait3A_249 = arith.constant 0 : i32
      %dma_wait3A_250 = tpu.memref_slice %arg6[%add3A_248, %dma_wait3A_249] : memref<80x64xi32, #tpu.memory_space<vmem>> -> memref<1x64xi32, #tpu.memory_space<vmem>>
      %dma_wait3A_251 = tpu.memref_squeeze %dma_wait3A_250 : memref<1x64xi32, #tpu.memory_space<vmem>> -> memref<64xi32, #tpu.memory_space<vmem>>
      %dma_wait3A_252 = arith.constant 0 : i32
      %dma_wait3A_253 = arith.constant 0 : i32
      %dma_wait3A_254 = tpu.memref_slice %arg2[%dma_wait3A_252, %dma_wait3A_253] : memref<10240x128xf32, #tpu.memory_space<hbm>> -> memref<10240x128xf32, #tpu.memory_space<hbm>>
      tpu.wait_indirect_dma semaphore(%arg13 : memref<!tpu.dma_semaphore, #tpu.memory_space<semaphore_mem>>) src(%dma_wait3A_254 : memref<10240x128xf32, #tpu.memory_space<hbm>>) dst(%arg8 : memref<64x128xf32, #tpu.memory_space<vmem>>)
      %add3A_255 = arith.constant 0 : i32
      %add3A_256 = arith.addi %mul3A_246, %add3A_255 : i32
      %dma_start3A_257 = arith.constant 0 : i32
      %dma_start3A_258 = tpu.memref_slice %arg7[%add3A_256, %dma_start3A_257] : memref<80x64xi32, #tpu.memory_space<vmem>> -> memref<1x64xi32, #tpu.memory_space<vmem>>
      %dma_start3A_259 = tpu.memref_squeeze %dma_start3A_258 : memref<1x64xi32, #tpu.memory_space<vmem>> -> memref<64xi32, #tpu.memory_space<vmem>>
      %dma_start3A_260 = arith.constant 0 : i32
      %dma_start3A_261 = arith.constant 0 : i32
      %dma_start3A_262 = tpu.memref_slice %arg12[%dma_start3A_260, %dma_start3A_261] : memref<10240x128xf32, #tpu.memory_space<vmem_shared>> -> memref<10240x128xf32, #tpu.memory_space<vmem_shared>>
      tpu.enqueue_indirect_dma source(%arg8 : memref<64x128xf32, #tpu.memory_space<vmem>>) target(%dma_start3A_262 : memref<10240x128xf32, #tpu.memory_space<vmem_shared>>) offsets(%dma_start3A_259 : memref<64xi32, #tpu.memory_space<vmem>>) semaphore(%arg17 : memref<!tpu.dma_semaphore, #tpu.memory_space<semaphore_mem>>) {add = true}
      %add3A_263 = arith.constant 1 : i32
      %add3A_264 = arith.addi %mul3A_246, %add3A_263 : i32
      %dma_wait3A_265 = arith.constant 0 : i32
      %dma_wait3A_266 = tpu.memref_slice %arg6[%add3A_264, %dma_wait3A_265] : memref<80x64xi32, #tpu.memory_space<vmem>> -> memref<1x64xi32, #tpu.memory_space<vmem>>
      %dma_wait3A_267 = tpu.memref_squeeze %dma_wait3A_266 : memref<1x64xi32, #tpu.memory_space<vmem>> -> memref<64xi32, #tpu.memory_space<vmem>>
      %dma_wait3A_268 = arith.constant 0 : i32
      %dma_wait3A_269 = arith.constant 0 : i32
      %dma_wait3A_270 = tpu.memref_slice %arg2[%dma_wait3A_268, %dma_wait3A_269] : memref<10240x128xf32, #tpu.memory_space<hbm>> -> memref<10240x128xf32, #tpu.memory_space<hbm>>
      tpu.wait_indirect_dma semaphore(%arg14 : memref<!tpu.dma_semaphore, #tpu.memory_space<semaphore_mem>>) src(%dma_wait3A_270 : memref<10240x128xf32, #tpu.memory_space<hbm>>) dst(%arg9 : memref<64x128xf32, #tpu.memory_space<vmem>>)
      %add3A_271 = arith.constant 1 : i32
      %add3A_272 = arith.addi %mul3A_246, %add3A_271 : i32
      %dma_start3A_273 = arith.constant 0 : i32
      %dma_start3A_274 = tpu.memref_slice %arg7[%add3A_272, %dma_start3A_273] : memref<80x64xi32, #tpu.memory_space<vmem>> -> memref<1x64xi32, #tpu.memory_space<vmem>>
      %dma_start3A_275 = tpu.memref_squeeze %dma_start3A_274 : memref<1x64xi32, #tpu.memory_space<vmem>> -> memref<64xi32, #tpu.memory_space<vmem>>
      %dma_start3A_276 = arith.constant 0 : i32
      %dma_start3A_277 = arith.constant 0 : i32
      %dma_start3A_278 = tpu.memref_slice %arg12[%dma_start3A_276, %dma_start3A_277] : memref<10240x128xf32, #tpu.memory_space<vmem_shared>> -> memref<10240x128xf32, #tpu.memory_space<vmem_shared>>
      tpu.enqueue_indirect_dma source(%arg9 : memref<64x128xf32, #tpu.memory_space<vmem>>) target(%dma_start3A_278 : memref<10240x128xf32, #tpu.memory_space<vmem_shared>>) offsets(%dma_start3A_275 : memref<64xi32, #tpu.memory_space<vmem>>) semaphore(%arg18 : memref<!tpu.dma_semaphore, #tpu.memory_space<semaphore_mem>>) {add = true}
      %add3A_279 = arith.constant 2 : i32
      %add3A_280 = arith.addi %mul3A_246, %add3A_279 : i32
      %dma_wait3A_281 = arith.constant 0 : i32
      %dma_wait3A_282 = tpu.memref_slice %arg6[%add3A_280, %dma_wait3A_281] : memref<80x64xi32, #tpu.memory_space<vmem>> -> memref<1x64xi32, #tpu.memory_space<vmem>>
      %dma_wait3A_283 = tpu.memref_squeeze %dma_wait3A_282 : memref<1x64xi32, #tpu.memory_space<vmem>> -> memref<64xi32, #tpu.memory_space<vmem>>
      %dma_wait3A_284 = arith.constant 0 : i32
      %dma_wait3A_285 = arith.constant 0 : i32
      %dma_wait3A_286 = tpu.memref_slice %arg2[%dma_wait3A_284, %dma_wait3A_285] : memref<10240x128xf32, #tpu.memory_space<hbm>> -> memref<10240x128xf32, #tpu.memory_space<hbm>>
      tpu.wait_indirect_dma semaphore(%arg15 : memref<!tpu.dma_semaphore, #tpu.memory_space<semaphore_mem>>) src(%dma_wait3A_286 : memref<10240x128xf32, #tpu.memory_space<hbm>>) dst(%arg10 : memref<64x128xf32, #tpu.memory_space<vmem>>)
      %add3A_287 = arith.constant 2 : i32
      %add3A_288 = arith.addi %mul3A_246, %add3A_287 : i32
      %dma_start3A_289 = arith.constant 0 : i32
      %dma_start3A_290 = tpu.memref_slice %arg7[%add3A_288, %dma_start3A_289] : memref<80x64xi32, #tpu.memory_space<vmem>> -> memref<1x64xi32, #tpu.memory_space<vmem>>
      %dma_start3A_291 = tpu.memref_squeeze %dma_start3A_290 : memref<1x64xi32, #tpu.memory_space<vmem>> -> memref<64xi32, #tpu.memory_space<vmem>>
      %dma_start3A_292 = arith.constant 0 : i32
      %dma_start3A_293 = arith.constant 0 : i32
      %dma_start3A_294 = tpu.memref_slice %arg12[%dma_start3A_292, %dma_start3A_293] : memref<10240x128xf32, #tpu.memory_space<vmem_shared>> -> memref<10240x128xf32, #tpu.memory_space<vmem_shared>>
      tpu.enqueue_indirect_dma source(%arg10 : memref<64x128xf32, #tpu.memory_space<vmem>>) target(%dma_start3A_294 : memref<10240x128xf32, #tpu.memory_space<vmem_shared>>) offsets(%dma_start3A_291 : memref<64xi32, #tpu.memory_space<vmem>>) semaphore(%arg19 : memref<!tpu.dma_semaphore, #tpu.memory_space<semaphore_mem>>) {add = true}
      %add3A_295 = arith.constant 3 : i32
      %add3A_296 = arith.addi %mul3A_246, %add3A_295 : i32
      %dma_wait3A_297 = arith.constant 0 : i32
      %dma_wait3A_298 = tpu.memref_slice %arg6[%add3A_296, %dma_wait3A_297] : memref<80x64xi32, #tpu.memory_space<vmem>> -> memref<1x64xi32, #tpu.memory_space<vmem>>
      %dma_wait3A_299 = tpu.memref_squeeze %dma_wait3A_298 : memref<1x64xi32, #tpu.memory_space<vmem>> -> memref<64xi32, #tpu.memory_space<vmem>>
      %dma_wait3A_300 = arith.constant 0 : i32
      %dma_wait3A_301 = arith.constant 0 : i32
      %dma_wait3A_302 = tpu.memref_slice %arg2[%dma_wait3A_300, %dma_wait3A_301] : memref<10240x128xf32, #tpu.memory_space<hbm>> -> memref<10240x128xf32, #tpu.memory_space<hbm>>
      tpu.wait_indirect_dma semaphore(%arg16 : memref<!tpu.dma_semaphore, #tpu.memory_space<semaphore_mem>>) src(%dma_wait3A_302 : memref<10240x128xf32, #tpu.memory_space<hbm>>) dst(%arg11 : memref<64x128xf32, #tpu.memory_space<vmem>>)
      %add3A_303 = arith.constant 3 : i32
      %add3A_304 = arith.addi %mul3A_246, %add3A_303 : i32
      %dma_start3A_305 = arith.constant 0 : i32
      %dma_start3A_306 = tpu.memref_slice %arg7[%add3A_304, %dma_start3A_305] : memref<80x64xi32, #tpu.memory_space<vmem>> -> memref<1x64xi32, #tpu.memory_space<vmem>>
      %dma_start3A_307 = tpu.memref_squeeze %dma_start3A_306 : memref<1x64xi32, #tpu.memory_space<vmem>> -> memref<64xi32, #tpu.memory_space<vmem>>
      %dma_start3A_308 = arith.constant 0 : i32
      %dma_start3A_309 = arith.constant 0 : i32
      %dma_start3A_310 = tpu.memref_slice %arg12[%dma_start3A_308, %dma_start3A_309] : memref<10240x128xf32, #tpu.memory_space<vmem_shared>> -> memref<10240x128xf32, #tpu.memory_space<vmem_shared>>
      tpu.enqueue_indirect_dma source(%arg11 : memref<64x128xf32, #tpu.memory_space<vmem>>) target(%dma_start3A_310 : memref<10240x128xf32, #tpu.memory_space<vmem_shared>>) offsets(%dma_start3A_307 : memref<64xi32, #tpu.memory_space<vmem>>) semaphore(%arg20 : memref<!tpu.dma_semaphore, #tpu.memory_space<semaphore_mem>>) {add = true}
      %add3A_311 = arith.constant 0 : i32
      %add3A_312 = arith.addi %mul3A_246, %add3A_311 : i32
      %dma_wait3A_313 = arith.constant 0 : i32
      %dma_wait3A_314 = tpu.memref_slice %arg7[%add3A_312, %dma_wait3A_313] : memref<80x64xi32, #tpu.memory_space<vmem>> -> memref<1x64xi32, #tpu.memory_space<vmem>>
      %dma_wait3A_315 = tpu.memref_squeeze %dma_wait3A_314 : memref<1x64xi32, #tpu.memory_space<vmem>> -> memref<64xi32, #tpu.memory_space<vmem>>
      %dma_wait3A_316 = arith.constant 0 : i32
      %dma_wait3A_317 = arith.constant 0 : i32
      %dma_wait3A_318 = tpu.memref_slice %arg12[%dma_wait3A_316, %dma_wait3A_317] : memref<10240x128xf32, #tpu.memory_space<vmem_shared>> -> memref<10240x128xf32, #tpu.memory_space<vmem_shared>>
      tpu.wait_indirect_dma semaphore(%arg17 : memref<!tpu.dma_semaphore, #tpu.memory_space<semaphore_mem>>) src(%arg8 : memref<64x128xf32, #tpu.memory_space<vmem>>) dst(%dma_wait3A_318 : memref<10240x128xf32, #tpu.memory_space<vmem_shared>>)
      %add3A_319 = arith.constant 4 : i32
      %add3A_320 = arith.addi %mul3A_246, %add3A_319 : i32
      %add3A_321 = arith.constant 0 : i32
      %add3A_322 = arith.addi %add3A_320, %add3A_321 : i32
      %dma_start3A_323 = arith.constant 0 : i32
      %dma_start3A_324 = tpu.memref_slice %arg6[%add3A_322, %dma_start3A_323] : memref<80x64xi32, #tpu.memory_space<vmem>> -> memref<1x64xi32, #tpu.memory_space<vmem>>
      %dma_start3A_325 = tpu.memref_squeeze %dma_start3A_324 : memref<1x64xi32, #tpu.memory_space<vmem>> -> memref<64xi32, #tpu.memory_space<vmem>>
      %dma_start3A_326 = arith.constant 0 : i32
      %dma_start3A_327 = arith.constant 0 : i32
      %dma_start3A_328 = tpu.memref_slice %arg2[%dma_start3A_326, %dma_start3A_327] : memref<10240x128xf32, #tpu.memory_space<hbm>> -> memref<10240x128xf32, #tpu.memory_space<hbm>>
      tpu.enqueue_indirect_dma source(%dma_start3A_328 : memref<10240x128xf32, #tpu.memory_space<hbm>>) target(%arg8 : memref<64x128xf32, #tpu.memory_space<vmem>>) offsets(%dma_start3A_325 : memref<64xi32, #tpu.memory_space<vmem>>) semaphore(%arg13 : memref<!tpu.dma_semaphore, #tpu.memory_space<semaphore_mem>>)
      %add3A_329 = arith.constant 1 : i32
      %add3A_330 = arith.addi %mul3A_246, %add3A_329 : i32
      %dma_wait3A_331 = arith.constant 0 : i32
      %dma_wait3A_332 = tpu.memref_slice %arg7[%add3A_330, %dma_wait3A_331] : memref<80x64xi32, #tpu.memory_space<vmem>> -> memref<1x64xi32, #tpu.memory_space<vmem>>
      %dma_wait3A_333 = tpu.memref_squeeze %dma_wait3A_332 : memref<1x64xi32, #tpu.memory_space<vmem>> -> memref<64xi32, #tpu.memory_space<vmem>>
      %dma_wait3A_334 = arith.constant 0 : i32
      %dma_wait3A_335 = arith.constant 0 : i32
      %dma_wait3A_336 = tpu.memref_slice %arg12[%dma_wait3A_334, %dma_wait3A_335] : memref<10240x128xf32, #tpu.memory_space<vmem_shared>> -> memref<10240x128xf32, #tpu.memory_space<vmem_shared>>
      tpu.wait_indirect_dma semaphore(%arg18 : memref<!tpu.dma_semaphore, #tpu.memory_space<semaphore_mem>>) src(%arg9 : memref<64x128xf32, #tpu.memory_space<vmem>>) dst(%dma_wait3A_336 : memref<10240x128xf32, #tpu.memory_space<vmem_shared>>)
      %add3A_337 = arith.constant 4 : i32
      %add3A_338 = arith.addi %mul3A_246, %add3A_337 : i32
      %add3A_339 = arith.constant 1 : i32
      %add3A_340 = arith.addi %add3A_338, %add3A_339 : i32
      %dma_start3A_341 = arith.constant 0 : i32
      %dma_start3A_342 = tpu.memref_slice %arg6[%add3A_340, %dma_start3A_341] : memref<80x64xi32, #tpu.memory_space<vmem>> -> memref<1x64xi32, #tpu.memory_space<vmem>>
      %dma_start3A_343 = tpu.memref_squeeze %dma_start3A_342 : memref<1x64xi32, #tpu.memory_space<vmem>> -> memref<64xi32, #tpu.memory_space<vmem>>
      %dma_start3A_344 = arith.constant 0 : i32
      %dma_start3A_345 = arith.constant 0 : i32
      %dma_start3A_346 = tpu.memref_slice %arg2[%dma_start3A_344, %dma_start3A_345] : memref<10240x128xf32, #tpu.memory_space<hbm>> -> memref<10240x128xf32, #tpu.memory_space<hbm>>
      tpu.enqueue_indirect_dma source(%dma_start3A_346 : memref<10240x128xf32, #tpu.memory_space<hbm>>) target(%arg9 : memref<64x128xf32, #tpu.memory_space<vmem>>) offsets(%dma_start3A_343 : memref<64xi32, #tpu.memory_space<vmem>>) semaphore(%arg14 : memref<!tpu.dma_semaphore, #tpu.memory_space<semaphore_mem>>)
      %add3A_347 = arith.constant 2 : i32
      %add3A_348 = arith.addi %mul3A_246, %add3A_347 : i32
      %dma_wait3A_349 = arith.constant 0 : i32
      %dma_wait3A_350 = tpu.memref_slice %arg7[%add3A_348, %dma_wait3A_349] : memref<80x64xi32, #tpu.memory_space<vmem>> -> memref<1x64xi32, #tpu.memory_space<vmem>>
      %dma_wait3A_351 = tpu.memref_squeeze %dma_wait3A_350 : memref<1x64xi32, #tpu.memory_space<vmem>> -> memref<64xi32, #tpu.memory_space<vmem>>
      %dma_wait3A_352 = arith.constant 0 : i32
      %dma_wait3A_353 = arith.constant 0 : i32
      %dma_wait3A_354 = tpu.memref_slice %arg12[%dma_wait3A_352, %dma_wait3A_353] : memref<10240x128xf32, #tpu.memory_space<vmem_shared>> -> memref<10240x128xf32, #tpu.memory_space<vmem_shared>>
      tpu.wait_indirect_dma semaphore(%arg19 : memref<!tpu.dma_semaphore, #tpu.memory_space<semaphore_mem>>) src(%arg10 : memref<64x128xf32, #tpu.memory_space<vmem>>) dst(%dma_wait3A_354 : memref<10240x128xf32, #tpu.memory_space<vmem_shared>>)
      %add3A_355 = arith.constant 4 : i32
      %add3A_356 = arith.addi %mul3A_246, %add3A_355 : i32
      %add3A_357 = arith.constant 2 : i32
      %add3A_358 = arith.addi %add3A_356, %add3A_357 : i32
      %dma_start3A_359 = arith.constant 0 : i32
      %dma_start3A_360 = tpu.memref_slice %arg6[%add3A_358, %dma_start3A_359] : memref<80x64xi32, #tpu.memory_space<vmem>> -> memref<1x64xi32, #tpu.memory_space<vmem>>
      %dma_start3A_361 = tpu.memref_squeeze %dma_start3A_360 : memref<1x64xi32, #tpu.memory_space<vmem>> -> memref<64xi32, #tpu.memory_space<vmem>>
      %dma_start3A_362 = arith.constant 0 : i32
      %dma_start3A_363 = arith.constant 0 : i32
      %dma_start3A_364 = tpu.memref_slice %arg2[%dma_start3A_362, %dma_start3A_363] : memref<10240x128xf32, #tpu.memory_space<hbm>> -> memref<10240x128xf32, #tpu.memory_space<hbm>>
      tpu.enqueue_indirect_dma source(%dma_start3A_364 : memref<10240x128xf32, #tpu.memory_space<hbm>>) target(%arg10 : memref<64x128xf32, #tpu.memory_space<vmem>>) offsets(%dma_start3A_361 : memref<64xi32, #tpu.memory_space<vmem>>) semaphore(%arg15 : memref<!tpu.dma_semaphore, #tpu.memory_space<semaphore_mem>>)
      %add3A_365 = arith.constant 3 : i32
      %add3A_366 = arith.addi %mul3A_246, %add3A_365 : i32
      %dma_wait3A_367 = arith.constant 0 : i32
      %dma_wait3A_368 = tpu.memref_slice %arg7[%add3A_366, %dma_wait3A_367] : memref<80x64xi32, #tpu.memory_space<vmem>> -> memref<1x64xi32, #tpu.memory_space<vmem>>
      %dma_wait3A_369 = tpu.memref_squeeze %dma_wait3A_368 : memref<1x64xi32, #tpu.memory_space<vmem>> -> memref<64xi32, #tpu.memory_space<vmem>>
      %dma_wait3A_370 = arith.constant 0 : i32
      %dma_wait3A_371 = arith.constant 0 : i32
      %dma_wait3A_372 = tpu.memref_slice %arg12[%dma_wait3A_370, %dma_wait3A_371] : memref<10240x128xf32, #tpu.memory_space<vmem_shared>> -> memref<10240x128xf32, #tpu.memory_space<vmem_shared>>
      tpu.wait_indirect_dma semaphore(%arg20 : memref<!tpu.dma_semaphore, #tpu.memory_space<semaphore_mem>>) src(%arg11 : memref<64x128xf32, #tpu.memory_space<vmem>>) dst(%dma_wait3A_372 : memref<10240x128xf32, #tpu.memory_space<vmem_shared>>)
      %add3A_373 = arith.constant 4 : i32
      %add3A_374 = arith.addi %mul3A_246, %add3A_373 : i32
      %add3A_375 = arith.constant 3 : i32
      %add3A_376 = arith.addi %add3A_374, %add3A_375 : i32
      %dma_start3A_377 = arith.constant 0 : i32
      %dma_start3A_378 = tpu.memref_slice %arg6[%add3A_376, %dma_start3A_377] : memref<80x64xi32, #tpu.memory_space<vmem>> -> memref<1x64xi32, #tpu.memory_space<vmem>>
      %dma_start3A_379 = tpu.memref_squeeze %dma_start3A_378 : memref<1x64xi32, #tpu.memory_space<vmem>> -> memref<64xi32, #tpu.memory_space<vmem>>
      %dma_start3A_380 = arith.constant 0 : i32
      %dma_start3A_381 = arith.constant 0 : i32
      %dma_start3A_382 = tpu.memref_slice %arg2[%dma_start3A_380, %dma_start3A_381] : memref<10240x128xf32, #tpu.memory_space<hbm>> -> memref<10240x128xf32, #tpu.memory_space<hbm>>
      tpu.enqueue_indirect_dma source(%dma_start3A_382 : memref<10240x128xf32, #tpu.memory_space<hbm>>) target(%arg11 : memref<64x128xf32, #tpu.memory_space<vmem>>) offsets(%dma_start3A_379 : memref<64xi32, #tpu.memory_space<vmem>>) semaphore(%arg16 : memref<!tpu.dma_semaphore, #tpu.memory_space<semaphore_mem>>)
    }
    %scan3A_37 = arith.constant 19 : i32
    %dma_wait3A = arith.constant 76 : i32
    %dma_wait3A_38 = arith.constant 0 : i32
    %dma_wait3A_39 = tpu.memref_slice %arg6[%dma_wait3A, %dma_wait3A_38] : memref<80x64xi32, #tpu.memory_space<vmem>> -> memref<1x64xi32, #tpu.memory_space<vmem>>
    %dma_wait3A_40 = tpu.memref_squeeze %dma_wait3A_39 : memref<1x64xi32, #tpu.memory_space<vmem>> -> memref<64xi32, #tpu.memory_space<vmem>>
    %dma_wait3A_41 = arith.constant 0 : i32
    %dma_wait3A_42 = arith.constant 0 : i32
    %dma_wait3A_43 = tpu.memref_slice %arg2[%dma_wait3A_41, %dma_wait3A_42] : memref<10240x128xf32, #tpu.memory_space<hbm>> -> memref<10240x128xf32, #tpu.memory_space<hbm>>
    tpu.wait_indirect_dma semaphore(%arg13 : memref<!tpu.dma_semaphore, #tpu.memory_space<semaphore_mem>>) src(%dma_wait3A_43 : memref<10240x128xf32, #tpu.memory_space<hbm>>) dst(%arg8 : memref<64x128xf32, #tpu.memory_space<vmem>>)
    %dma_start3A_44 = arith.constant 76 : i32
    %dma_start3A_45 = arith.constant 0 : i32
    %dma_start3A_46 = tpu.memref_slice %arg7[%dma_start3A_44, %dma_start3A_45] : memref<80x64xi32, #tpu.memory_space<vmem>> -> memref<1x64xi32, #tpu.memory_space<vmem>>
    %dma_start3A_47 = tpu.memref_squeeze %dma_start3A_46 : memref<1x64xi32, #tpu.memory_space<vmem>> -> memref<64xi32, #tpu.memory_space<vmem>>
    %dma_start3A_48 = arith.constant 0 : i32
    %dma_start3A_49 = arith.constant 0 : i32
    %dma_start3A_50 = tpu.memref_slice %arg12[%dma_start3A_48, %dma_start3A_49] : memref<10240x128xf32, #tpu.memory_space<vmem_shared>> -> memref<10240x128xf32, #tpu.memory_space<vmem_shared>>
    tpu.enqueue_indirect_dma source(%arg8 : memref<64x128xf32, #tpu.memory_space<vmem>>) target(%dma_start3A_50 : memref<10240x128xf32, #tpu.memory_space<vmem_shared>>) offsets(%dma_start3A_47 : memref<64xi32, #tpu.memory_space<vmem>>) semaphore(%arg17 : memref<!tpu.dma_semaphore, #tpu.memory_space<semaphore_mem>>) {add = true}
    %dma_wait3A_51 = arith.constant 77 : i32
    %dma_wait3A_52 = arith.constant 0 : i32
    %dma_wait3A_53 = tpu.memref_slice %arg6[%dma_wait3A_51, %dma_wait3A_52] : memref<80x64xi32, #tpu.memory_space<vmem>> -> memref<1x64xi32, #tpu.memory_space<vmem>>
    %dma_wait3A_54 = tpu.memref_squeeze %dma_wait3A_53 : memref<1x64xi32, #tpu.memory_space<vmem>> -> memref<64xi32, #tpu.memory_space<vmem>>
    %dma_wait3A_55 = arith.constant 0 : i32
    %dma_wait3A_56 = arith.constant 0 : i32
    %dma_wait3A_57 = tpu.memref_slice %arg2[%dma_wait3A_55, %dma_wait3A_56] : memref<10240x128xf32, #tpu.memory_space<hbm>> -> memref<10240x128xf32, #tpu.memory_space<hbm>>
    tpu.wait_indirect_dma semaphore(%arg14 : memref<!tpu.dma_semaphore, #tpu.memory_space<semaphore_mem>>) src(%dma_wait3A_57 : memref<10240x128xf32, #tpu.memory_space<hbm>>) dst(%arg9 : memref<64x128xf32, #tpu.memory_space<vmem>>)
    %dma_start3A_58 = arith.constant 77 : i32
    %dma_start3A_59 = arith.constant 0 : i32
    %dma_start3A_60 = tpu.memref_slice %arg7[%dma_start3A_58, %dma_start3A_59] : memref<80x64xi32, #tpu.memory_space<vmem>> -> memref<1x64xi32, #tpu.memory_space<vmem>>
    %dma_start3A_61 = tpu.memref_squeeze %dma_start3A_60 : memref<1x64xi32, #tpu.memory_space<vmem>> -> memref<64xi32, #tpu.memory_space<vmem>>
    %dma_start3A_62 = arith.constant 0 : i32
    %dma_start3A_63 = arith.constant 0 : i32
    %dma_start3A_64 = tpu.memref_slice %arg12[%dma_start3A_62, %dma_start3A_63] : memref<10240x128xf32, #tpu.memory_space<vmem_shared>> -> memref<10240x128xf32, #tpu.memory_space<vmem_shared>>
    tpu.enqueue_indirect_dma source(%arg9 : memref<64x128xf32, #tpu.memory_space<vmem>>) target(%dma_start3A_64 : memref<10240x128xf32, #tpu.memory_space<vmem_shared>>) offsets(%dma_start3A_61 : memref<64xi32, #tpu.memory_space<vmem>>) semaphore(%arg18 : memref<!tpu.dma_semaphore, #tpu.memory_space<semaphore_mem>>) {add = true}
    %dma_wait3A_65 = arith.constant 78 : i32
    %dma_wait3A_66 = arith.constant 0 : i32
    %dma_wait3A_67 = tpu.memref_slice %arg6[%dma_wait3A_65, %dma_wait3A_66] : memref<80x64xi32, #tpu.memory_space<vmem>> -> memref<1x64xi32, #tpu.memory_space<vmem>>
    %dma_wait3A_68 = tpu.memref_squeeze %dma_wait3A_67 : memref<1x64xi32, #tpu.memory_space<vmem>> -> memref<64xi32, #tpu.memory_space<vmem>>
    %dma_wait3A_69 = arith.constant 0 : i32
    %dma_wait3A_70 = arith.constant 0 : i32
    %dma_wait3A_71 = tpu.memref_slice %arg2[%dma_wait3A_69, %dma_wait3A_70] : memref<10240x128xf32, #tpu.memory_space<hbm>> -> memref<10240x128xf32, #tpu.memory_space<hbm>>
    tpu.wait_indirect_dma semaphore(%arg15 : memref<!tpu.dma_semaphore, #tpu.memory_space<semaphore_mem>>) src(%dma_wait3A_71 : memref<10240x128xf32, #tpu.memory_space<hbm>>) dst(%arg10 : memref<64x128xf32, #tpu.memory_space<vmem>>)
    %dma_start3A_72 = arith.constant 78 : i32
    %dma_start3A_73 = arith.constant 0 : i32
    %dma_start3A_74 = tpu.memref_slice %arg7[%dma_start3A_72, %dma_start3A_73] : memref<80x64xi32, #tpu.memory_space<vmem>> -> memref<1x64xi32, #tpu.memory_space<vmem>>
    %dma_start3A_75 = tpu.memref_squeeze %dma_start3A_74 : memref<1x64xi32, #tpu.memory_space<vmem>> -> memref<64xi32, #tpu.memory_space<vmem>>
    %dma_start3A_76 = arith.constant 0 : i32
    %dma_start3A_77 = arith.constant 0 : i32
    %dma_start3A_78 = tpu.memref_slice %arg12[%dma_start3A_76, %dma_start3A_77] : memref<10240x128xf32, #tpu.memory_space<vmem_shared>> -> memref<10240x128xf32, #tpu.memory_space<vmem_shared>>
    tpu.enqueue_indirect_dma source(%arg10 : memref<64x128xf32, #tpu.memory_space<vmem>>) target(%dma_start3A_78 : memref<10240x128xf32, #tpu.memory_space<vmem_shared>>) offsets(%dma_start3A_75 : memref<64xi32, #tpu.memory_space<vmem>>) semaphore(%arg19 : memref<!tpu.dma_semaphore, #tpu.memory_space<semaphore_mem>>) {add = true}
    %dma_wait3A_79 = arith.constant 79 : i32
    %dma_wait3A_80 = arith.constant 0 : i32
    %dma_wait3A_81 = tpu.memref_slice %arg6[%dma_wait3A_79, %dma_wait3A_80] : memref<80x64xi32, #tpu.memory_space<vmem>> -> memref<1x64xi32, #tpu.memory_space<vmem>>
    %dma_wait3A_82 = tpu.memref_squeeze %dma_wait3A_81 : memref<1x64xi32, #tpu.memory_space<vmem>> -> memref<64xi32, #tpu.memory_space<vmem>>
    %dma_wait3A_83 = arith.constant 0 : i32
    %dma_wait3A_84 = arith.constant 0 : i32
    %dma_wait3A_85 = tpu.memref_slice %arg2[%dma_wait3A_83, %dma_wait3A_84] : memref<10240x128xf32, #tpu.memory_space<hbm>> -> memref<10240x128xf32, #tpu.memory_space<hbm>>
    tpu.wait_indirect_dma semaphore(%arg16 : memref<!tpu.dma_semaphore, #tpu.memory_space<semaphore_mem>>) src(%dma_wait3A_85 : memref<10240x128xf32, #tpu.memory_space<hbm>>) dst(%arg11 : memref<64x128xf32, #tpu.memory_space<vmem>>)
    %dma_start3A_86 = arith.constant 79 : i32
    %dma_start3A_87 = arith.constant 0 : i32
    %dma_start3A_88 = tpu.memref_slice %arg7[%dma_start3A_86, %dma_start3A_87] : memref<80x64xi32, #tpu.memory_space<vmem>> -> memref<1x64xi32, #tpu.memory_space<vmem>>
    %dma_start3A_89 = tpu.memref_squeeze %dma_start3A_88 : memref<1x64xi32, #tpu.memory_space<vmem>> -> memref<64xi32, #tpu.memory_space<vmem>>
    %dma_start3A_90 = arith.constant 0 : i32
    %dma_start3A_91 = arith.constant 0 : i32
    %dma_start3A_92 = tpu.memref_slice %arg12[%dma_start3A_90, %dma_start3A_91] : memref<10240x128xf32, #tpu.memory_space<vmem_shared>> -> memref<10240x128xf32, #tpu.memory_space<vmem_shared>>
    tpu.enqueue_indirect_dma source(%arg11 : memref<64x128xf32, #tpu.memory_space<vmem>>) target(%dma_start3A_92 : memref<10240x128xf32, #tpu.memory_space<vmem_shared>>) offsets(%dma_start3A_89 : memref<64xi32, #tpu.memory_space<vmem>>) semaphore(%arg20 : memref<!tpu.dma_semaphore, #tpu.memory_space<semaphore_mem>>) {add = true}
    %dma_wait3A_93 = arith.constant 76 : i32
    %dma_wait3A_94 = arith.constant 0 : i32
    %dma_wait3A_95 = tpu.memref_slice %arg7[%dma_wait3A_93, %dma_wait3A_94] : memref<80x64xi32, #tpu.memory_space<vmem>> -> memref<1x64xi32, #tpu.memory_space<vmem>>
    %dma_wait3A_96 = tpu.memref_squeeze %dma_wait3A_95 : memref<1x64xi32, #tpu.memory_space<vmem>> -> memref<64xi32, #tpu.memory_space<vmem>>
    %dma_wait3A_97 = arith.constant 0 : i32
    %dma_wait3A_98 = arith.constant 0 : i32
    %dma_wait3A_99 = tpu.memref_slice %arg12[%dma_wait3A_97, %dma_wait3A_98] : memref<10240x128xf32, #tpu.memory_space<vmem_shared>> -> memref<10240x128xf32, #tpu.memory_space<vmem_shared>>
    tpu.wait_indirect_dma semaphore(%arg17 : memref<!tpu.dma_semaphore, #tpu.memory_space<semaphore_mem>>) src(%arg8 : memref<64x128xf32, #tpu.memory_space<vmem>>) dst(%dma_wait3A_99 : memref<10240x128xf32, #tpu.memory_space<vmem_shared>>)
    %dma_wait3A_100 = arith.constant 77 : i32
    %dma_wait3A_101 = arith.constant 0 : i32
    %dma_wait3A_102 = tpu.memref_slice %arg7[%dma_wait3A_100, %dma_wait3A_101] : memref<80x64xi32, #tpu.memory_space<vmem>> -> memref<1x64xi32, #tpu.memory_space<vmem>>
    %dma_wait3A_103 = tpu.memref_squeeze %dma_wait3A_102 : memref<1x64xi32, #tpu.memory_space<vmem>> -> memref<64xi32, #tpu.memory_space<vmem>>
    %dma_wait3A_104 = arith.constant 0 : i32
    %dma_wait3A_105 = arith.constant 0 : i32
    %dma_wait3A_106 = tpu.memref_slice %arg12[%dma_wait3A_104, %dma_wait3A_105] : memref<10240x128xf32, #tpu.memory_space<vmem_shared>> -> memref<10240x128xf32, #tpu.memory_space<vmem_shared>>
    tpu.wait_indirect_dma semaphore(%arg18 : memref<!tpu.dma_semaphore, #tpu.memory_space<semaphore_mem>>) src(%arg9 : memref<64x128xf32, #tpu.memory_space<vmem>>) dst(%dma_wait3A_106 : memref<10240x128xf32, #tpu.memory_space<vmem_shared>>)
    %dma_wait3A_107 = arith.constant 78 : i32
    %dma_wait3A_108 = arith.constant 0 : i32
    %dma_wait3A_109 = tpu.memref_slice %arg7[%dma_wait3A_107, %dma_wait3A_108] : memref<80x64xi32, #tpu.memory_space<vmem>> -> memref<1x64xi32, #tpu.memory_space<vmem>>
    %dma_wait3A_110 = tpu.memref_squeeze %dma_wait3A_109 : memref<1x64xi32, #tpu.memory_space<vmem>> -> memref<64xi32, #tpu.memory_space<vmem>>
    %dma_wait3A_111 = arith.constant 0 : i32
    %dma_wait3A_112 = arith.constant 0 : i32
    %dma_wait3A_113 = tpu.memref_slice %arg12[%dma_wait3A_111, %dma_wait3A_112] : memref<10240x128xf32, #tpu.memory_space<vmem_shared>> -> memref<10240x128xf32, #tpu.memory_space<vmem_shared>>
    tpu.wait_indirect_dma semaphore(%arg19 : memref<!tpu.dma_semaphore, #tpu.memory_space<semaphore_mem>>) src(%arg10 : memref<64x128xf32, #tpu.memory_space<vmem>>) dst(%dma_wait3A_113 : memref<10240x128xf32, #tpu.memory_space<vmem_shared>>)
    %dma_wait3A_114 = arith.constant 79 : i32
    %dma_wait3A_115 = arith.constant 0 : i32
    %dma_wait3A_116 = tpu.memref_slice %arg7[%dma_wait3A_114, %dma_wait3A_115] : memref<80x64xi32, #tpu.memory_space<vmem>> -> memref<1x64xi32, #tpu.memory_space<vmem>>
    %dma_wait3A_117 = tpu.memref_squeeze %dma_wait3A_116 : memref<1x64xi32, #tpu.memory_space<vmem>> -> memref<64xi32, #tpu.memory_space<vmem>>
    %dma_wait3A_118 = arith.constant 0 : i32
    %dma_wait3A_119 = arith.constant 0 : i32
    %dma_wait3A_120 = tpu.memref_slice %arg12[%dma_wait3A_118, %dma_wait3A_119] : memref<10240x128xf32, #tpu.memory_space<vmem_shared>> -> memref<10240x128xf32, #tpu.memory_space<vmem_shared>>
    tpu.wait_indirect_dma semaphore(%arg20 : memref<!tpu.dma_semaphore, #tpu.memory_space<semaphore_mem>>) src(%arg11 : memref<64x128xf32, #tpu.memory_space<vmem>>) dst(%dma_wait3A_120 : memref<10240x128xf32, #tpu.memory_space<vmem_shared>>)
    %run_scoped3A_121 = arith.constant 0 : i32
    %run_scoped3A_122 = arith.constant 1 : i32
    "tpu.region"() ({
      %run_scoped3A_244 = tpu.sem_alloc : memref<!tpu.dma_semaphore, #tpu.memory_space<semaphore_mem>>
      %dma_start3A_245 = arith.constant 0 : i32
      %dma_start3A_246 = arith.constant 0 : i32
      %dma_start3A_247 = tpu.memref_slice %arg3[%run_scoped3A_121, %add3A, %run_scoped3A_122, %dma_start3A_245, %dma_start3A_246] : memref<2x32x2x80x64xi32, #tpu.memory_space<hbm>> -> memref<1x1x1x80x64xi32, #tpu.memory_space<hbm>>
      %dma_start3A_248 = tpu.memref_squeeze %dma_start3A_247 : memref<1x1x1x80x64xi32, #tpu.memory_space<hbm>> -> memref<80x64xi32, #tpu.memory_space<hbm>>
      %dma_start3A_249 = arith.constant 0 : i32
      %dma_start3A_250 = arith.constant 0 : i32
      %dma_start3A_251 = tpu.memref_slice %arg3[%run_scoped3A_121, %add3A, %run_scoped3A_122, %dma_start3A_249, %dma_start3A_250] : memref<2x32x2x80x64xi32, #tpu.memory_space<hbm>> -> memref<1x1x1x80x64xi32, #tpu.memory_space<hbm>>
      %dma_start3A_252 = tpu.memref_squeeze %dma_start3A_251 : memref<1x1x1x80x64xi32, #tpu.memory_space<hbm>> -> memref<80x64xi32, #tpu.memory_space<hbm>>
      tpu.enqueue_dma source(%dma_start3A_252 : memref<80x64xi32, #tpu.memory_space<hbm>>) target(%arg6 : memref<80x64xi32, #tpu.memory_space<vmem>>) target_semaphore(%run_scoped3A_244 : memref<!tpu.dma_semaphore, #tpu.memory_space<semaphore_mem>>)
      %dma_wait3A_253 = arith.constant 0 : i32
      %dma_wait3A_254 = arith.constant 0 : i32
      %dma_wait3A_255 = tpu.memref_slice %arg3[%run_scoped3A_121, %add3A, %run_scoped3A_122, %dma_wait3A_253, %dma_wait3A_254] : memref<2x32x2x80x64xi32, #tpu.memory_space<hbm>> -> memref<1x1x1x80x64xi32, #tpu.memory_space<hbm>>
      %dma_wait3A_256 = tpu.memref_squeeze %dma_wait3A_255 : memref<1x1x1x80x64xi32, #tpu.memory_space<hbm>> -> memref<80x64xi32, #tpu.memory_space<hbm>>
      %dma_wait3A_257 = arith.constant 0 : i32
      %dma_wait3A_258 = arith.constant 0 : i32
      %dma_wait3A_259 = tpu.memref_slice %arg3[%run_scoped3A_121, %add3A, %run_scoped3A_122, %dma_wait3A_257, %dma_wait3A_258] : memref<2x32x2x80x64xi32, #tpu.memory_space<hbm>> -> memref<1x1x1x80x64xi32, #tpu.memory_space<hbm>>
      %dma_wait3A_260 = tpu.memref_squeeze %dma_wait3A_259 : memref<1x1x1x80x64xi32, #tpu.memory_space<hbm>> -> memref<80x64xi32, #tpu.memory_space<hbm>>
      tpu.wait_dma2 semaphore(%run_scoped3A_244 : memref<!tpu.dma_semaphore, #tpu.memory_space<semaphore_mem>>) src(%dma_wait3A_260 : memref<80x64xi32, #tpu.memory_space<hbm>>) dst(%arg6 : memref<80x64xi32, #tpu.memory_space<vmem>>)
      tpu.yield
    }) : () -> ()
    %run_scoped3A_123 = arith.constant 1 : i32
    %run_scoped3A_124 = arith.constant 1 : i32
    "tpu.region"() ({
      %run_scoped3A_244 = tpu.sem_alloc : memref<!tpu.dma_semaphore, #tpu.memory_space<semaphore_mem>>
      %dma_start3A_245 = arith.constant 0 : i32
      %dma_start3A_246 = arith.constant 0 : i32
      %dma_start3A_247 = tpu.memref_slice %arg3[%run_scoped3A_123, %add3A, %run_scoped3A_124, %dma_start3A_245, %dma_start3A_246] : memref<2x32x2x80x64xi32, #tpu.memory_space<hbm>> -> memref<1x1x1x80x64xi32, #tpu.memory_space<hbm>>
      %dma_start3A_248 = tpu.memref_squeeze %dma_start3A_247 : memref<1x1x1x80x64xi32, #tpu.memory_space<hbm>> -> memref<80x64xi32, #tpu.memory_space<hbm>>
      %dma_start3A_249 = arith.constant 0 : i32
      %dma_start3A_250 = arith.constant 0 : i32
      %dma_start3A_251 = tpu.memref_slice %arg3[%run_scoped3A_123, %add3A, %run_scoped3A_124, %dma_start3A_249, %dma_start3A_250] : memref<2x32x2x80x64xi32, #tpu.memory_space<hbm>> -> memref<1x1x1x80x64xi32, #tpu.memory_space<hbm>>
      %dma_start3A_252 = tpu.memref_squeeze %dma_start3A_251 : memref<1x1x1x80x64xi32, #tpu.memory_space<hbm>> -> memref<80x64xi32, #tpu.memory_space<hbm>>
      tpu.enqueue_dma source(%dma_start3A_252 : memref<80x64xi32, #tpu.memory_space<hbm>>) target(%arg7 : memref<80x64xi32, #tpu.memory_space<vmem>>) target_semaphore(%run_scoped3A_244 : memref<!tpu.dma_semaphore, #tpu.memory_space<semaphore_mem>>)
      %dma_wait3A_253 = arith.constant 0 : i32
      %dma_wait3A_254 = arith.constant 0 : i32
      %dma_wait3A_255 = tpu.memref_slice %arg3[%run_scoped3A_123, %add3A, %run_scoped3A_124, %dma_wait3A_253, %dma_wait3A_254] : memref<2x32x2x80x64xi32, #tpu.memory_space<hbm>> -> memref<1x1x1x80x64xi32, #tpu.memory_space<hbm>>
      %dma_wait3A_256 = tpu.memref_squeeze %dma_wait3A_255 : memref<1x1x1x80x64xi32, #tpu.memory_space<hbm>> -> memref<80x64xi32, #tpu.memory_space<hbm>>
      %dma_wait3A_257 = arith.constant 0 : i32
      %dma_wait3A_258 = arith.constant 0 : i32
      %dma_wait3A_259 = tpu.memref_slice %arg3[%run_scoped3A_123, %add3A, %run_scoped3A_124, %dma_wait3A_257, %dma_wait3A_258] : memref<2x32x2x80x64xi32, #tpu.memory_space<hbm>> -> memref<1x1x1x80x64xi32, #tpu.memory_space<hbm>>
      %dma_wait3A_260 = tpu.memref_squeeze %dma_wait3A_259 : memref<1x1x1x80x64xi32, #tpu.memory_space<hbm>> -> memref<80x64xi32, #tpu.memory_space<hbm>>
      tpu.wait_dma2 semaphore(%run_scoped3A_244 : memref<!tpu.dma_semaphore, #tpu.memory_space<semaphore_mem>>) src(%dma_wait3A_260 : memref<80x64xi32, #tpu.memory_space<hbm>>) dst(%arg7 : memref<80x64xi32, #tpu.memory_space<vmem>>)
      tpu.yield
    }) : () -> ()
    %dma_start3A_125 = arith.constant 0 : i32
    %dma_start3A_126 = arith.constant 0 : i32
    %dma_start3A_127 = tpu.memref_slice %arg6[%dma_start3A_125, %dma_start3A_126] : memref<80x64xi32, #tpu.memory_space<vmem>> -> memref<1x64xi32, #tpu.memory_space<vmem>>
    %dma_start3A_128 = tpu.memref_squeeze %dma_start3A_127 : memref<1x64xi32, #tpu.memory_space<vmem>> -> memref<64xi32, #tpu.memory_space<vmem>>
    %dma_start3A_129 = arith.constant 0 : i32
    %dma_start3A_130 = arith.constant 0 : i32
    %dma_start3A_131 = tpu.memref_slice %arg2[%dma_start3A_129, %dma_start3A_130] : memref<10240x128xf32, #tpu.memory_space<hbm>> -> memref<10240x128xf32, #tpu.memory_space<hbm>>
    tpu.enqueue_indirect_dma source(%dma_start3A_131 : memref<10240x128xf32, #tpu.memory_space<hbm>>) target(%arg8 : memref<64x128xf32, #tpu.memory_space<vmem>>) offsets(%dma_start3A_128 : memref<64xi32, #tpu.memory_space<vmem>>) semaphore(%arg13 : memref<!tpu.dma_semaphore, #tpu.memory_space<semaphore_mem>>)
    %dma_start3A_132 = arith.constant 1 : i32
    %dma_start3A_133 = arith.constant 0 : i32
    %dma_start3A_134 = tpu.memref_slice %arg6[%dma_start3A_132, %dma_start3A_133] : memref<80x64xi32, #tpu.memory_space<vmem>> -> memref<1x64xi32, #tpu.memory_space<vmem>>
    %dma_start3A_135 = tpu.memref_squeeze %dma_start3A_134 : memref<1x64xi32, #tpu.memory_space<vmem>> -> memref<64xi32, #tpu.memory_space<vmem>>
    %dma_start3A_136 = arith.constant 0 : i32
    %dma_start3A_137 = arith.constant 0 : i32
    %dma_start3A_138 = tpu.memref_slice %arg2[%dma_start3A_136, %dma_start3A_137] : memref<10240x128xf32, #tpu.memory_space<hbm>> -> memref<10240x128xf32, #tpu.memory_space<hbm>>
    tpu.enqueue_indirect_dma source(%dma_start3A_138 : memref<10240x128xf32, #tpu.memory_space<hbm>>) target(%arg9 : memref<64x128xf32, #tpu.memory_space<vmem>>) offsets(%dma_start3A_135 : memref<64xi32, #tpu.memory_space<vmem>>) semaphore(%arg14 : memref<!tpu.dma_semaphore, #tpu.memory_space<semaphore_mem>>)
    %dma_start3A_139 = arith.constant 2 : i32
    %dma_start3A_140 = arith.constant 0 : i32
    %dma_start3A_141 = tpu.memref_slice %arg6[%dma_start3A_139, %dma_start3A_140] : memref<80x64xi32, #tpu.memory_space<vmem>> -> memref<1x64xi32, #tpu.memory_space<vmem>>
    %dma_start3A_142 = tpu.memref_squeeze %dma_start3A_141 : memref<1x64xi32, #tpu.memory_space<vmem>> -> memref<64xi32, #tpu.memory_space<vmem>>
    %dma_start3A_143 = arith.constant 0 : i32
    %dma_start3A_144 = arith.constant 0 : i32
    %dma_start3A_145 = tpu.memref_slice %arg2[%dma_start3A_143, %dma_start3A_144] : memref<10240x128xf32, #tpu.memory_space<hbm>> -> memref<10240x128xf32, #tpu.memory_space<hbm>>
    tpu.enqueue_indirect_dma source(%dma_start3A_145 : memref<10240x128xf32, #tpu.memory_space<hbm>>) target(%arg10 : memref<64x128xf32, #tpu.memory_space<vmem>>) offsets(%dma_start3A_142 : memref<64xi32, #tpu.memory_space<vmem>>) semaphore(%arg15 : memref<!tpu.dma_semaphore, #tpu.memory_space<semaphore_mem>>)
    %dma_start3A_146 = arith.constant 3 : i32
    %dma_start3A_147 = arith.constant 0 : i32
    %dma_start3A_148 = tpu.memref_slice %arg6[%dma_start3A_146, %dma_start3A_147] : memref<80x64xi32, #tpu.memory_space<vmem>> -> memref<1x64xi32, #tpu.memory_space<vmem>>
    %dma_start3A_149 = tpu.memref_squeeze %dma_start3A_148 : memref<1x64xi32, #tpu.memory_space<vmem>> -> memref<64xi32, #tpu.memory_space<vmem>>
    %dma_start3A_150 = arith.constant 0 : i32
    %dma_start3A_151 = arith.constant 0 : i32
    %dma_start3A_152 = tpu.memref_slice %arg2[%dma_start3A_150, %dma_start3A_151] : memref<10240x128xf32, #tpu.memory_space<hbm>> -> memref<10240x128xf32, #tpu.memory_space<hbm>>
    tpu.enqueue_indirect_dma source(%dma_start3A_152 : memref<10240x128xf32, #tpu.memory_space<hbm>>) target(%arg11 : memref<64x128xf32, #tpu.memory_space<vmem>>) offsets(%dma_start3A_149 : memref<64xi32, #tpu.memory_space<vmem>>) semaphore(%arg16 : memref<!tpu.dma_semaphore, #tpu.memory_space<semaphore_mem>>)
    %scan3A_153 = arith.constant 0 : i32
    %scan3A_154 = arith.constant 0 : i32
    %scan3A_155 = arith.constant 19 : i32
    %scan3A_156 = arith.addi %scan3A_154, %scan3A_155 : i32
    %scan3A_157 = arith.constant 1 : i32
    scf.for %scan3A_244 = %scan3A_154 to %scan3A_156 step %scan3A_157  : i32 {
      %mul3A_245 = arith.constant 4 : i32
      %mul3A_246 = arith.muli %mul3A_245, %scan3A_244 : i32
      %add3A_247 = arith.constant 0 : i32
      %add3A_248 = arith.addi %mul3A_246, %add3A_247 : i32
      %dma_wait3A_249 = arith.constant 0 : i32
      %dma_wait3A_250 = tpu.memref_slice %arg6[%add3A_248, %dma_wait3A_249] : memref<80x64xi32, #tpu.memory_space<vmem>> -> memref<1x64xi32, #tpu.memory_space<vmem>>
      %dma_wait3A_251 = tpu.memref_squeeze %dma_wait3A_250 : memref<1x64xi32, #tpu.memory_space<vmem>> -> memref<64xi32, #tpu.memory_space<vmem>>
      %dma_wait3A_252 = arith.constant 0 : i32
      %dma_wait3A_253 = arith.constant 0 : i32
      %dma_wait3A_254 = tpu.memref_slice %arg2[%dma_wait3A_252, %dma_wait3A_253] : memref<10240x128xf32, #tpu.memory_space<hbm>> -> memref<10240x128xf32, #tpu.memory_space<hbm>>
      tpu.wait_indirect_dma semaphore(%arg13 : memref<!tpu.dma_semaphore, #tpu.memory_space<semaphore_mem>>) src(%dma_wait3A_254 : memref<10240x128xf32, #tpu.memory_space<hbm>>) dst(%arg8 : memref<64x128xf32, #tpu.memory_space<vmem>>)
      %add3A_255 = arith.constant 0 : i32
      %add3A_256 = arith.addi %mul3A_246, %add3A_255 : i32
      %dma_start3A_257 = arith.constant 0 : i32
      %dma_start3A_258 = tpu.memref_slice %arg7[%add3A_256, %dma_start3A_257] : memref<80x64xi32, #tpu.memory_space<vmem>> -> memref<1x64xi32, #tpu.memory_space<vmem>>
      %dma_start3A_259 = tpu.memref_squeeze %dma_start3A_258 : memref<1x64xi32, #tpu.memory_space<vmem>> -> memref<64xi32, #tpu.memory_space<vmem>>
      %dma_start3A_260 = arith.constant 0 : i32
      %dma_start3A_261 = arith.constant 0 : i32
      %dma_start3A_262 = tpu.memref_slice %arg12[%dma_start3A_260, %dma_start3A_261] : memref<10240x128xf32, #tpu.memory_space<vmem_shared>> -> memref<10240x128xf32, #tpu.memory_space<vmem_shared>>
      tpu.enqueue_indirect_dma source(%arg8 : memref<64x128xf32, #tpu.memory_space<vmem>>) target(%dma_start3A_262 : memref<10240x128xf32, #tpu.memory_space<vmem_shared>>) offsets(%dma_start3A_259 : memref<64xi32, #tpu.memory_space<vmem>>) semaphore(%arg17 : memref<!tpu.dma_semaphore, #tpu.memory_space<semaphore_mem>>) {add = true}
      %add3A_263 = arith.constant 1 : i32
      %add3A_264 = arith.addi %mul3A_246, %add3A_263 : i32
      %dma_wait3A_265 = arith.constant 0 : i32
      %dma_wait3A_266 = tpu.memref_slice %arg6[%add3A_264, %dma_wait3A_265] : memref<80x64xi32, #tpu.memory_space<vmem>> -> memref<1x64xi32, #tpu.memory_space<vmem>>
      %dma_wait3A_267 = tpu.memref_squeeze %dma_wait3A_266 : memref<1x64xi32, #tpu.memory_space<vmem>> -> memref<64xi32, #tpu.memory_space<vmem>>
      %dma_wait3A_268 = arith.constant 0 : i32
      %dma_wait3A_269 = arith.constant 0 : i32
      %dma_wait3A_270 = tpu.memref_slice %arg2[%dma_wait3A_268, %dma_wait3A_269] : memref<10240x128xf32, #tpu.memory_space<hbm>> -> memref<10240x128xf32, #tpu.memory_space<hbm>>
      tpu.wait_indirect_dma semaphore(%arg14 : memref<!tpu.dma_semaphore, #tpu.memory_space<semaphore_mem>>) src(%dma_wait3A_270 : memref<10240x128xf32, #tpu.memory_space<hbm>>) dst(%arg9 : memref<64x128xf32, #tpu.memory_space<vmem>>)
      %add3A_271 = arith.constant 1 : i32
      %add3A_272 = arith.addi %mul3A_246, %add3A_271 : i32
      %dma_start3A_273 = arith.constant 0 : i32
      %dma_start3A_274 = tpu.memref_slice %arg7[%add3A_272, %dma_start3A_273] : memref<80x64xi32, #tpu.memory_space<vmem>> -> memref<1x64xi32, #tpu.memory_space<vmem>>
      %dma_start3A_275 = tpu.memref_squeeze %dma_start3A_274 : memref<1x64xi32, #tpu.memory_space<vmem>> -> memref<64xi32, #tpu.memory_space<vmem>>
      %dma_start3A_276 = arith.constant 0 : i32
      %dma_start3A_277 = arith.constant 0 : i32
      %dma_start3A_278 = tpu.memref_slice %arg12[%dma_start3A_276, %dma_start3A_277] : memref<10240x128xf32, #tpu.memory_space<vmem_shared>> -> memref<10240x128xf32, #tpu.memory_space<vmem_shared>>
      tpu.enqueue_indirect_dma source(%arg9 : memref<64x128xf32, #tpu.memory_space<vmem>>) target(%dma_start3A_278 : memref<10240x128xf32, #tpu.memory_space<vmem_shared>>) offsets(%dma_start3A_275 : memref<64xi32, #tpu.memory_space<vmem>>) semaphore(%arg18 : memref<!tpu.dma_semaphore, #tpu.memory_space<semaphore_mem>>) {add = true}
      %add3A_279 = arith.constant 2 : i32
      %add3A_280 = arith.addi %mul3A_246, %add3A_279 : i32
      %dma_wait3A_281 = arith.constant 0 : i32
      %dma_wait3A_282 = tpu.memref_slice %arg6[%add3A_280, %dma_wait3A_281] : memref<80x64xi32, #tpu.memory_space<vmem>> -> memref<1x64xi32, #tpu.memory_space<vmem>>
      %dma_wait3A_283 = tpu.memref_squeeze %dma_wait3A_282 : memref<1x64xi32, #tpu.memory_space<vmem>> -> memref<64xi32, #tpu.memory_space<vmem>>
      %dma_wait3A_284 = arith.constant 0 : i32
      %dma_wait3A_285 = arith.constant 0 : i32
      %dma_wait3A_286 = tpu.memref_slice %arg2[%dma_wait3A_284, %dma_wait3A_285] : memref<10240x128xf32, #tpu.memory_space<hbm>> -> memref<10240x128xf32, #tpu.memory_space<hbm>>
      tpu.wait_indirect_dma semaphore(%arg15 : memref<!tpu.dma_semaphore, #tpu.memory_space<semaphore_mem>>) src(%dma_wait3A_286 : memref<10240x128xf32, #tpu.memory_space<hbm>>) dst(%arg10 : memref<64x128xf32, #tpu.memory_space<vmem>>)
      %add3A_287 = arith.constant 2 : i32
      %add3A_288 = arith.addi %mul3A_246, %add3A_287 : i32
      %dma_start3A_289 = arith.constant 0 : i32
      %dma_start3A_290 = tpu.memref_slice %arg7[%add3A_288, %dma_start3A_289] : memref<80x64xi32, #tpu.memory_space<vmem>> -> memref<1x64xi32, #tpu.memory_space<vmem>>
      %dma_start3A_291 = tpu.memref_squeeze %dma_start3A_290 : memref<1x64xi32, #tpu.memory_space<vmem>> -> memref<64xi32, #tpu.memory_space<vmem>>
      %dma_start3A_292 = arith.constant 0 : i32
      %dma_start3A_293 = arith.constant 0 : i32
      %dma_start3A_294 = tpu.memref_slice %arg12[%dma_start3A_292, %dma_start3A_293] : memref<10240x128xf32, #tpu.memory_space<vmem_shared>> -> memref<10240x128xf32, #tpu.memory_space<vmem_shared>>
      tpu.enqueue_indirect_dma source(%arg10 : memref<64x128xf32, #tpu.memory_space<vmem>>) target(%dma_start3A_294 : memref<10240x128xf32, #tpu.memory_space<vmem_shared>>) offsets(%dma_start3A_291 : memref<64xi32, #tpu.memory_space<vmem>>) semaphore(%arg19 : memref<!tpu.dma_semaphore, #tpu.memory_space<semaphore_mem>>) {add = true}
      %add3A_295 = arith.constant 3 : i32
      %add3A_296 = arith.addi %mul3A_246, %add3A_295 : i32
      %dma_wait3A_297 = arith.constant 0 : i32
      %dma_wait3A_298 = tpu.memref_slice %arg6[%add3A_296, %dma_wait3A_297] : memref<80x64xi32, #tpu.memory_space<vmem>> -> memref<1x64xi32, #tpu.memory_space<vmem>>
      %dma_wait3A_299 = tpu.memref_squeeze %dma_wait3A_298 : memref<1x64xi32, #tpu.memory_space<vmem>> -> memref<64xi32, #tpu.memory_space<vmem>>
      %dma_wait3A_300 = arith.constant 0 : i32
      %dma_wait3A_301 = arith.constant 0 : i32
      %dma_wait3A_302 = tpu.memref_slice %arg2[%dma_wait3A_300, %dma_wait3A_301] : memref<10240x128xf32, #tpu.memory_space<hbm>> -> memref<10240x128xf32, #tpu.memory_space<hbm>>
      tpu.wait_indirect_dma semaphore(%arg16 : memref<!tpu.dma_semaphore, #tpu.memory_space<semaphore_mem>>) src(%dma_wait3A_302 : memref<10240x128xf32, #tpu.memory_space<hbm>>) dst(%arg11 : memref<64x128xf32, #tpu.memory_space<vmem>>)
      %add3A_303 = arith.constant 3 : i32
      %add3A_304 = arith.addi %mul3A_246, %add3A_303 : i32
      %dma_start3A_305 = arith.constant 0 : i32
      %dma_start3A_306 = tpu.memref_slice %arg7[%add3A_304, %dma_start3A_305] : memref<80x64xi32, #tpu.memory_space<vmem>> -> memref<1x64xi32, #tpu.memory_space<vmem>>
      %dma_start3A_307 = tpu.memref_squeeze %dma_start3A_306 : memref<1x64xi32, #tpu.memory_space<vmem>> -> memref<64xi32, #tpu.memory_space<vmem>>
      %dma_start3A_308 = arith.constant 0 : i32
      %dma_start3A_309 = arith.constant 0 : i32
      %dma_start3A_310 = tpu.memref_slice %arg12[%dma_start3A_308, %dma_start3A_309] : memref<10240x128xf32, #tpu.memory_space<vmem_shared>> -> memref<10240x128xf32, #tpu.memory_space<vmem_shared>>
      tpu.enqueue_indirect_dma source(%arg11 : memref<64x128xf32, #tpu.memory_space<vmem>>) target(%dma_start3A_310 : memref<10240x128xf32, #tpu.memory_space<vmem_shared>>) offsets(%dma_start3A_307 : memref<64xi32, #tpu.memory_space<vmem>>) semaphore(%arg20 : memref<!tpu.dma_semaphore, #tpu.memory_space<semaphore_mem>>) {add = true}
      %add3A_311 = arith.constant 0 : i32
      %add3A_312 = arith.addi %mul3A_246, %add3A_311 : i32
      %dma_wait3A_313 = arith.constant 0 : i32
      %dma_wait3A_314 = tpu.memref_slice %arg7[%add3A_312, %dma_wait3A_313] : memref<80x64xi32, #tpu.memory_space<vmem>> -> memref<1x64xi32, #tpu.memory_space<vmem>>
      %dma_wait3A_315 = tpu.memref_squeeze %dma_wait3A_314 : memref<1x64xi32, #tpu.memory_space<vmem>> -> memref<64xi32, #tpu.memory_space<vmem>>
      %dma_wait3A_316 = arith.constant 0 : i32
      %dma_wait3A_317 = arith.constant 0 : i32
      %dma_wait3A_318 = tpu.memref_slice %arg12[%dma_wait3A_316, %dma_wait3A_317] : memref<10240x128xf32, #tpu.memory_space<vmem_shared>> -> memref<10240x128xf32, #tpu.memory_space<vmem_shared>>
      tpu.wait_indirect_dma semaphore(%arg17 : memref<!tpu.dma_semaphore, #tpu.memory_space<semaphore_mem>>) src(%arg8 : memref<64x128xf32, #tpu.memory_space<vmem>>) dst(%dma_wait3A_318 : memref<10240x128xf32, #tpu.memory_space<vmem_shared>>)
      %add3A_319 = arith.constant 4 : i32
      %add3A_320 = arith.addi %mul3A_246, %add3A_319 : i32
      %add3A_321 = arith.constant 0 : i32
      %add3A_322 = arith.addi %add3A_320, %add3A_321 : i32
      %dma_start3A_323 = arith.constant 0 : i32
      %dma_start3A_324 = tpu.memref_slice %arg6[%add3A_322, %dma_start3A_323] : memref<80x64xi32, #tpu.memory_space<vmem>> -> memref<1x64xi32, #tpu.memory_space<vmem>>
      %dma_start3A_325 = tpu.memref_squeeze %dma_start3A_324 : memref<1x64xi32, #tpu.memory_space<vmem>> -> memref<64xi32, #tpu.memory_space<vmem>>
      %dma_start3A_326 = arith.constant 0 : i32
      %dma_start3A_327 = arith.constant 0 : i32
      %dma_start3A_328 = tpu.memref_slice %arg2[%dma_start3A_326, %dma_start3A_327] : memref<10240x128xf32, #tpu.memory_space<hbm>> -> memref<10240x128xf32, #tpu.memory_space<hbm>>
      tpu.enqueue_indirect_dma source(%dma_start3A_328 : memref<10240x128xf32, #tpu.memory_space<hbm>>) target(%arg8 : memref<64x128xf32, #tpu.memory_space<vmem>>) offsets(%dma_start3A_325 : memref<64xi32, #tpu.memory_space<vmem>>) semaphore(%arg13 : memref<!tpu.dma_semaphore, #tpu.memory_space<semaphore_mem>>)
      %add3A_329 = arith.constant 1 : i32
      %add3A_330 = arith.addi %mul3A_246, %add3A_329 : i32
      %dma_wait3A_331 = arith.constant 0 : i32
      %dma_wait3A_332 = tpu.memref_slice %arg7[%add3A_330, %dma_wait3A_331] : memref<80x64xi32, #tpu.memory_space<vmem>> -> memref<1x64xi32, #tpu.memory_space<vmem>>
      %dma_wait3A_333 = tpu.memref_squeeze %dma_wait3A_332 : memref<1x64xi32, #tpu.memory_space<vmem>> -> memref<64xi32, #tpu.memory_space<vmem>>
      %dma_wait3A_334 = arith.constant 0 : i32
      %dma_wait3A_335 = arith.constant 0 : i32
      %dma_wait3A_336 = tpu.memref_slice %arg12[%dma_wait3A_334, %dma_wait3A_335] : memref<10240x128xf32, #tpu.memory_space<vmem_shared>> -> memref<10240x128xf32, #tpu.memory_space<vmem_shared>>
      tpu.wait_indirect_dma semaphore(%arg18 : memref<!tpu.dma_semaphore, #tpu.memory_space<semaphore_mem>>) src(%arg9 : memref<64x128xf32, #tpu.memory_space<vmem>>) dst(%dma_wait3A_336 : memref<10240x128xf32, #tpu.memory_space<vmem_shared>>)
      %add3A_337 = arith.constant 4 : i32
      %add3A_338 = arith.addi %mul3A_246, %add3A_337 : i32
      %add3A_339 = arith.constant 1 : i32
      %add3A_340 = arith.addi %add3A_338, %add3A_339 : i32
      %dma_start3A_341 = arith.constant 0 : i32
      %dma_start3A_342 = tpu.memref_slice %arg6[%add3A_340, %dma_start3A_341] : memref<80x64xi32, #tpu.memory_space<vmem>> -> memref<1x64xi32, #tpu.memory_space<vmem>>
      %dma_start3A_343 = tpu.memref_squeeze %dma_start3A_342 : memref<1x64xi32, #tpu.memory_space<vmem>> -> memref<64xi32, #tpu.memory_space<vmem>>
      %dma_start3A_344 = arith.constant 0 : i32
      %dma_start3A_345 = arith.constant 0 : i32
      %dma_start3A_346 = tpu.memref_slice %arg2[%dma_start3A_344, %dma_start3A_345] : memref<10240x128xf32, #tpu.memory_space<hbm>> -> memref<10240x128xf32, #tpu.memory_space<hbm>>
      tpu.enqueue_indirect_dma source(%dma_start3A_346 : memref<10240x128xf32, #tpu.memory_space<hbm>>) target(%arg9 : memref<64x128xf32, #tpu.memory_space<vmem>>) offsets(%dma_start3A_343 : memref<64xi32, #tpu.memory_space<vmem>>) semaphore(%arg14 : memref<!tpu.dma_semaphore, #tpu.memory_space<semaphore_mem>>)
      %add3A_347 = arith.constant 2 : i32
      %add3A_348 = arith.addi %mul3A_246, %add3A_347 : i32
      %dma_wait3A_349 = arith.constant 0 : i32
      %dma_wait3A_350 = tpu.memref_slice %arg7[%add3A_348, %dma_wait3A_349] : memref<80x64xi32, #tpu.memory_space<vmem>> -> memref<1x64xi32, #tpu.memory_space<vmem>>
      %dma_wait3A_351 = tpu.memref_squeeze %dma_wait3A_350 : memref<1x64xi32, #tpu.memory_space<vmem>> -> memref<64xi32, #tpu.memory_space<vmem>>
      %dma_wait3A_352 = arith.constant 0 : i32
      %dma_wait3A_353 = arith.constant 0 : i32
      %dma_wait3A_354 = tpu.memref_slice %arg12[%dma_wait3A_352, %dma_wait3A_353] : memref<10240x128xf32, #tpu.memory_space<vmem_shared>> -> memref<10240x128xf32, #tpu.memory_space<vmem_shared>>
      tpu.wait_indirect_dma semaphore(%arg19 : memref<!tpu.dma_semaphore, #tpu.memory_space<semaphore_mem>>) src(%arg10 : memref<64x128xf32, #tpu.memory_space<vmem>>) dst(%dma_wait3A_354 : memref<10240x128xf32, #tpu.memory_space<vmem_shared>>)
      %add3A_355 = arith.constant 4 : i32
      %add3A_356 = arith.addi %mul3A_246, %add3A_355 : i32
      %add3A_357 = arith.constant 2 : i32
      %add3A_358 = arith.addi %add3A_356, %add3A_357 : i32
      %dma_start3A_359 = arith.constant 0 : i32
      %dma_start3A_360 = tpu.memref_slice %arg6[%add3A_358, %dma_start3A_359] : memref<80x64xi32, #tpu.memory_space<vmem>> -> memref<1x64xi32, #tpu.memory_space<vmem>>
      %dma_start3A_361 = tpu.memref_squeeze %dma_start3A_360 : memref<1x64xi32, #tpu.memory_space<vmem>> -> memref<64xi32, #tpu.memory_space<vmem>>
      %dma_start3A_362 = arith.constant 0 : i32
      %dma_start3A_363 = arith.constant 0 : i32
      %dma_start3A_364 = tpu.memref_slice %arg2[%dma_start3A_362, %dma_start3A_363] : memref<10240x128xf32, #tpu.memory_space<hbm>> -> memref<10240x128xf32, #tpu.memory_space<hbm>>
      tpu.enqueue_indirect_dma source(%dma_start3A_364 : memref<10240x128xf32, #tpu.memory_space<hbm>>) target(%arg10 : memref<64x128xf32, #tpu.memory_space<vmem>>) offsets(%dma_start3A_361 : memref<64xi32, #tpu.memory_space<vmem>>) semaphore(%arg15 : memref<!tpu.dma_semaphore, #tpu.memory_space<semaphore_mem>>)
      %add3A_365 = arith.constant 3 : i32
      %add3A_366 = arith.addi %mul3A_246, %add3A_365 : i32
      %dma_wait3A_367 = arith.constant 0 : i32
      %dma_wait3A_368 = tpu.memref_slice %arg7[%add3A_366, %dma_wait3A_367] : memref<80x64xi32, #tpu.memory_space<vmem>> -> memref<1x64xi32, #tpu.memory_space<vmem>>
      %dma_wait3A_369 = tpu.memref_squeeze %dma_wait3A_368 : memref<1x64xi32, #tpu.memory_space<vmem>> -> memref<64xi32, #tpu.memory_space<vmem>>
      %dma_wait3A_370 = arith.constant 0 : i32
      %dma_wait3A_371 = arith.constant 0 : i32
      %dma_wait3A_372 = tpu.memref_slice %arg12[%dma_wait3A_370, %dma_wait3A_371] : memref<10240x128xf32, #tpu.memory_space<vmem_shared>> -> memref<10240x128xf32, #tpu.memory_space<vmem_shared>>
      tpu.wait_indirect_dma semaphore(%arg20 : memref<!tpu.dma_semaphore, #tpu.memory_space<semaphore_mem>>) src(%arg11 : memref<64x128xf32, #tpu.memory_space<vmem>>) dst(%dma_wait3A_372 : memref<10240x128xf32, #tpu.memory_space<vmem_shared>>)
      %add3A_373 = arith.constant 4 : i32
      %add3A_374 = arith.addi %mul3A_246, %add3A_373 : i32
      %add3A_375 = arith.constant 3 : i32
      %add3A_376 = arith.addi %add3A_374, %add3A_375 : i32
      %dma_start3A_377 = arith.constant 0 : i32
      %dma_start3A_378 = tpu.memref_slice %arg6[%add3A_376, %dma_start3A_377] : memref<80x64xi32, #tpu.memory_space<vmem>> -> memref<1x64xi32, #tpu.memory_space<vmem>>
      %dma_start3A_379 = tpu.memref_squeeze %dma_start3A_378 : memref<1x64xi32, #tpu.memory_space<vmem>> -> memref<64xi32, #tpu.memory_space<vmem>>
      %dma_start3A_380 = arith.constant 0 : i32
      %dma_start3A_381 = arith.constant 0 : i32
      %dma_start3A_382 = tpu.memref_slice %arg2[%dma_start3A_380, %dma_start3A_381] : memref<10240x128xf32, #tpu.memory_space<hbm>> -> memref<10240x128xf32, #tpu.memory_space<hbm>>
      tpu.enqueue_indirect_dma source(%dma_start3A_382 : memref<10240x128xf32, #tpu.memory_space<hbm>>) target(%arg11 : memref<64x128xf32, #tpu.memory_space<vmem>>) offsets(%dma_start3A_379 : memref<64xi32, #tpu.memory_space<vmem>>) semaphore(%arg16 : memref<!tpu.dma_semaphore, #tpu.memory_space<semaphore_mem>>)
    }
    %scan3A_158 = arith.constant 19 : i32
    %dma_wait3A_159 = arith.constant 76 : i32
    %dma_wait3A_160 = arith.constant 0 : i32
    %dma_wait3A_161 = tpu.memref_slice %arg6[%dma_wait3A_159, %dma_wait3A_160] : memref<80x64xi32, #tpu.memory_space<vmem>> -> memref<1x64xi32, #tpu.memory_space<vmem>>
    %dma_wait3A_162 = tpu.memref_squeeze %dma_wait3A_161 : memref<1x64xi32, #tpu.memory_space<vmem>> -> memref<64xi32, #tpu.memory_space<vmem>>
    %dma_wait3A_163 = arith.constant 0 : i32
    %dma_wait3A_164 = arith.constant 0 : i32
    %dma_wait3A_165 = tpu.memref_slice %arg2[%dma_wait3A_163, %dma_wait3A_164] : memref<10240x128xf32, #tpu.memory_space<hbm>> -> memref<10240x128xf32, #tpu.memory_space<hbm>>
    tpu.wait_indirect_dma semaphore(%arg13 : memref<!tpu.dma_semaphore, #tpu.memory_space<semaphore_mem>>) src(%dma_wait3A_165 : memref<10240x128xf32, #tpu.memory_space<hbm>>) dst(%arg8 : memref<64x128xf32, #tpu.memory_space<vmem>>)
    %dma_start3A_166 = arith.constant 76 : i32
    %dma_start3A_167 = arith.constant 0 : i32
    %dma_start3A_168 = tpu.memref_slice %arg7[%dma_start3A_166, %dma_start3A_167] : memref<80x64xi32, #tpu.memory_space<vmem>> -> memref<1x64xi32, #tpu.memory_space<vmem>>
    %dma_start3A_169 = tpu.memref_squeeze %dma_start3A_168 : memref<1x64xi32, #tpu.memory_space<vmem>> -> memref<64xi32, #tpu.memory_space<vmem>>
    %dma_start3A_170 = arith.constant 0 : i32
    %dma_start3A_171 = arith.constant 0 : i32
    %dma_start3A_172 = tpu.memref_slice %arg12[%dma_start3A_170, %dma_start3A_171] : memref<10240x128xf32, #tpu.memory_space<vmem_shared>> -> memref<10240x128xf32, #tpu.memory_space<vmem_shared>>
    tpu.enqueue_indirect_dma source(%arg8 : memref<64x128xf32, #tpu.memory_space<vmem>>) target(%dma_start3A_172 : memref<10240x128xf32, #tpu.memory_space<vmem_shared>>) offsets(%dma_start3A_169 : memref<64xi32, #tpu.memory_space<vmem>>) semaphore(%arg17 : memref<!tpu.dma_semaphore, #tpu.memory_space<semaphore_mem>>) {add = true}
    %dma_wait3A_173 = arith.constant 77 : i32
    %dma_wait3A_174 = arith.constant 0 : i32
    %dma_wait3A_175 = tpu.memref_slice %arg6[%dma_wait3A_173, %dma_wait3A_174] : memref<80x64xi32, #tpu.memory_space<vmem>> -> memref<1x64xi32, #tpu.memory_space<vmem>>
    %dma_wait3A_176 = tpu.memref_squeeze %dma_wait3A_175 : memref<1x64xi32, #tpu.memory_space<vmem>> -> memref<64xi32, #tpu.memory_space<vmem>>
    %dma_wait3A_177 = arith.constant 0 : i32
    %dma_wait3A_178 = arith.constant 0 : i32
    %dma_wait3A_179 = tpu.memref_slice %arg2[%dma_wait3A_177, %dma_wait3A_178] : memref<10240x128xf32, #tpu.memory_space<hbm>> -> memref<10240x128xf32, #tpu.memory_space<hbm>>
    tpu.wait_indirect_dma semaphore(%arg14 : memref<!tpu.dma_semaphore, #tpu.memory_space<semaphore_mem>>) src(%dma_wait3A_179 : memref<10240x128xf32, #tpu.memory_space<hbm>>) dst(%arg9 : memref<64x128xf32, #tpu.memory_space<vmem>>)
    %dma_start3A_180 = arith.constant 77 : i32
    %dma_start3A_181 = arith.constant 0 : i32
    %dma_start3A_182 = tpu.memref_slice %arg7[%dma_start3A_180, %dma_start3A_181] : memref<80x64xi32, #tpu.memory_space<vmem>> -> memref<1x64xi32, #tpu.memory_space<vmem>>
    %dma_start3A_183 = tpu.memref_squeeze %dma_start3A_182 : memref<1x64xi32, #tpu.memory_space<vmem>> -> memref<64xi32, #tpu.memory_space<vmem>>
    %dma_start3A_184 = arith.constant 0 : i32
    %dma_start3A_185 = arith.constant 0 : i32
    %dma_start3A_186 = tpu.memref_slice %arg12[%dma_start3A_184, %dma_start3A_185] : memref<10240x128xf32, #tpu.memory_space<vmem_shared>> -> memref<10240x128xf32, #tpu.memory_space<vmem_shared>>
    tpu.enqueue_indirect_dma source(%arg9 : memref<64x128xf32, #tpu.memory_space<vmem>>) target(%dma_start3A_186 : memref<10240x128xf32, #tpu.memory_space<vmem_shared>>) offsets(%dma_start3A_183 : memref<64xi32, #tpu.memory_space<vmem>>) semaphore(%arg18 : memref<!tpu.dma_semaphore, #tpu.memory_space<semaphore_mem>>) {add = true}
    %dma_wait3A_187 = arith.constant 78 : i32
    %dma_wait3A_188 = arith.constant 0 : i32
    %dma_wait3A_189 = tpu.memref_slice %arg6[%dma_wait3A_187, %dma_wait3A_188] : memref<80x64xi32, #tpu.memory_space<vmem>> -> memref<1x64xi32, #tpu.memory_space<vmem>>
    %dma_wait3A_190 = tpu.memref_squeeze %dma_wait3A_189 : memref<1x64xi32, #tpu.memory_space<vmem>> -> memref<64xi32, #tpu.memory_space<vmem>>
    %dma_wait3A_191 = arith.constant 0 : i32
    %dma_wait3A_192 = arith.constant 0 : i32
    %dma_wait3A_193 = tpu.memref_slice %arg2[%dma_wait3A_191, %dma_wait3A_192] : memref<10240x128xf32, #tpu.memory_space<hbm>> -> memref<10240x128xf32, #tpu.memory_space<hbm>>
    tpu.wait_indirect_dma semaphore(%arg15 : memref<!tpu.dma_semaphore, #tpu.memory_space<semaphore_mem>>) src(%dma_wait3A_193 : memref<10240x128xf32, #tpu.memory_space<hbm>>) dst(%arg10 : memref<64x128xf32, #tpu.memory_space<vmem>>)
    %dma_start3A_194 = arith.constant 78 : i32
    %dma_start3A_195 = arith.constant 0 : i32
    %dma_start3A_196 = tpu.memref_slice %arg7[%dma_start3A_194, %dma_start3A_195] : memref<80x64xi32, #tpu.memory_space<vmem>> -> memref<1x64xi32, #tpu.memory_space<vmem>>
    %dma_start3A_197 = tpu.memref_squeeze %dma_start3A_196 : memref<1x64xi32, #tpu.memory_space<vmem>> -> memref<64xi32, #tpu.memory_space<vmem>>
    %dma_start3A_198 = arith.constant 0 : i32
    %dma_start3A_199 = arith.constant 0 : i32
    %dma_start3A_200 = tpu.memref_slice %arg12[%dma_start3A_198, %dma_start3A_199] : memref<10240x128xf32, #tpu.memory_space<vmem_shared>> -> memref<10240x128xf32, #tpu.memory_space<vmem_shared>>
    tpu.enqueue_indirect_dma source(%arg10 : memref<64x128xf32, #tpu.memory_space<vmem>>) target(%dma_start3A_200 : memref<10240x128xf32, #tpu.memory_space<vmem_shared>>) offsets(%dma_start3A_197 : memref<64xi32, #tpu.memory_space<vmem>>) semaphore(%arg19 : memref<!tpu.dma_semaphore, #tpu.memory_space<semaphore_mem>>) {add = true}
    %dma_wait3A_201 = arith.constant 79 : i32
    %dma_wait3A_202 = arith.constant 0 : i32
    %dma_wait3A_203 = tpu.memref_slice %arg6[%dma_wait3A_201, %dma_wait3A_202] : memref<80x64xi32, #tpu.memory_space<vmem>> -> memref<1x64xi32, #tpu.memory_space<vmem>>
    %dma_wait3A_204 = tpu.memref_squeeze %dma_wait3A_203 : memref<1x64xi32, #tpu.memory_space<vmem>> -> memref<64xi32, #tpu.memory_space<vmem>>
    %dma_wait3A_205 = arith.constant 0 : i32
    %dma_wait3A_206 = arith.constant 0 : i32
    %dma_wait3A_207 = tpu.memref_slice %arg2[%dma_wait3A_205, %dma_wait3A_206] : memref<10240x128xf32, #tpu.memory_space<hbm>> -> memref<10240x128xf32, #tpu.memory_space<hbm>>
    tpu.wait_indirect_dma semaphore(%arg16 : memref<!tpu.dma_semaphore, #tpu.memory_space<semaphore_mem>>) src(%dma_wait3A_207 : memref<10240x128xf32, #tpu.memory_space<hbm>>) dst(%arg11 : memref<64x128xf32, #tpu.memory_space<vmem>>)
    %dma_start3A_208 = arith.constant 79 : i32
    %dma_start3A_209 = arith.constant 0 : i32
    %dma_start3A_210 = tpu.memref_slice %arg7[%dma_start3A_208, %dma_start3A_209] : memref<80x64xi32, #tpu.memory_space<vmem>> -> memref<1x64xi32, #tpu.memory_space<vmem>>
    %dma_start3A_211 = tpu.memref_squeeze %dma_start3A_210 : memref<1x64xi32, #tpu.memory_space<vmem>> -> memref<64xi32, #tpu.memory_space<vmem>>
    %dma_start3A_212 = arith.constant 0 : i32
    %dma_start3A_213 = arith.constant 0 : i32
    %dma_start3A_214 = tpu.memref_slice %arg12[%dma_start3A_212, %dma_start3A_213] : memref<10240x128xf32, #tpu.memory_space<vmem_shared>> -> memref<10240x128xf32, #tpu.memory_space<vmem_shared>>
    tpu.enqueue_indirect_dma source(%arg11 : memref<64x128xf32, #tpu.memory_space<vmem>>) target(%dma_start3A_214 : memref<10240x128xf32, #tpu.memory_space<vmem_shared>>) offsets(%dma_start3A_211 : memref<64xi32, #tpu.memory_space<vmem>>) semaphore(%arg20 : memref<!tpu.dma_semaphore, #tpu.memory_space<semaphore_mem>>) {add = true}
    %dma_wait3A_215 = arith.constant 76 : i32
    %dma_wait3A_216 = arith.constant 0 : i32
    %dma_wait3A_217 = tpu.memref_slice %arg7[%dma_wait3A_215, %dma_wait3A_216] : memref<80x64xi32, #tpu.memory_space<vmem>> -> memref<1x64xi32, #tpu.memory_space<vmem>>
    %dma_wait3A_218 = tpu.memref_squeeze %dma_wait3A_217 : memref<1x64xi32, #tpu.memory_space<vmem>> -> memref<64xi32, #tpu.memory_space<vmem>>
    %dma_wait3A_219 = arith.constant 0 : i32
    %dma_wait3A_220 = arith.constant 0 : i32
    %dma_wait3A_221 = tpu.memref_slice %arg12[%dma_wait3A_219, %dma_wait3A_220] : memref<10240x128xf32, #tpu.memory_space<vmem_shared>> -> memref<10240x128xf32, #tpu.memory_space<vmem_shared>>
    tpu.wait_indirect_dma semaphore(%arg17 : memref<!tpu.dma_semaphore, #tpu.memory_space<semaphore_mem>>) src(%arg8 : memref<64x128xf32, #tpu.memory_space<vmem>>) dst(%dma_wait3A_221 : memref<10240x128xf32, #tpu.memory_space<vmem_shared>>)
    %dma_wait3A_222 = arith.constant 77 : i32
    %dma_wait3A_223 = arith.constant 0 : i32
    %dma_wait3A_224 = tpu.memref_slice %arg7[%dma_wait3A_222, %dma_wait3A_223] : memref<80x64xi32, #tpu.memory_space<vmem>> -> memref<1x64xi32, #tpu.memory_space<vmem>>
    %dma_wait3A_225 = tpu.memref_squeeze %dma_wait3A_224 : memref<1x64xi32, #tpu.memory_space<vmem>> -> memref<64xi32, #tpu.memory_space<vmem>>
    %dma_wait3A_226 = arith.constant 0 : i32
    %dma_wait3A_227 = arith.constant 0 : i32
    %dma_wait3A_228 = tpu.memref_slice %arg12[%dma_wait3A_226, %dma_wait3A_227] : memref<10240x128xf32, #tpu.memory_space<vmem_shared>> -> memref<10240x128xf32, #tpu.memory_space<vmem_shared>>
    tpu.wait_indirect_dma semaphore(%arg18 : memref<!tpu.dma_semaphore, #tpu.memory_space<semaphore_mem>>) src(%arg9 : memref<64x128xf32, #tpu.memory_space<vmem>>) dst(%dma_wait3A_228 : memref<10240x128xf32, #tpu.memory_space<vmem_shared>>)
    %dma_wait3A_229 = arith.constant 78 : i32
    %dma_wait3A_230 = arith.constant 0 : i32
    %dma_wait3A_231 = tpu.memref_slice %arg7[%dma_wait3A_229, %dma_wait3A_230] : memref<80x64xi32, #tpu.memory_space<vmem>> -> memref<1x64xi32, #tpu.memory_space<vmem>>
    %dma_wait3A_232 = tpu.memref_squeeze %dma_wait3A_231 : memref<1x64xi32, #tpu.memory_space<vmem>> -> memref<64xi32, #tpu.memory_space<vmem>>
    %dma_wait3A_233 = arith.constant 0 : i32
    %dma_wait3A_234 = arith.constant 0 : i32
    %dma_wait3A_235 = tpu.memref_slice %arg12[%dma_wait3A_233, %dma_wait3A_234] : memref<10240x128xf32, #tpu.memory_space<vmem_shared>> -> memref<10240x128xf32, #tpu.memory_space<vmem_shared>>
    tpu.wait_indirect_dma semaphore(%arg19 : memref<!tpu.dma_semaphore, #tpu.memory_space<semaphore_mem>>) src(%arg10 : memref<64x128xf32, #tpu.memory_space<vmem>>) dst(%dma_wait3A_235 : memref<10240x128xf32, #tpu.memory_space<vmem_shared>>)
    %dma_wait3A_236 = arith.constant 79 : i32
    %dma_wait3A_237 = arith.constant 0 : i32
    %dma_wait3A_238 = tpu.memref_slice %arg7[%dma_wait3A_236, %dma_wait3A_237] : memref<80x64xi32, #tpu.memory_space<vmem>> -> memref<1x64xi32, #tpu.memory_space<vmem>>
    %dma_wait3A_239 = tpu.memref_squeeze %dma_wait3A_238 : memref<1x64xi32, #tpu.memory_space<vmem>> -> memref<64xi32, #tpu.memory_space<vmem>>
    %dma_wait3A_240 = arith.constant 0 : i32
    %dma_wait3A_241 = arith.constant 0 : i32
    %dma_wait3A_242 = tpu.memref_slice %arg12[%dma_wait3A_240, %dma_wait3A_241] : memref<10240x128xf32, #tpu.memory_space<vmem_shared>> -> memref<10240x128xf32, #tpu.memory_space<vmem_shared>>
    tpu.wait_indirect_dma semaphore(%arg20 : memref<!tpu.dma_semaphore, #tpu.memory_space<semaphore_mem>>) src(%arg11 : memref<64x128xf32, #tpu.memory_space<vmem>>) dst(%dma_wait3A_242 : memref<10240x128xf32, #tpu.memory_space<vmem_shared>>)
    %barrier3A_243 = arith.constant 0 : index
    tpu.barrier barrier_id(%barrier3A_243)
    "tpu.region"() ({
      %run_scoped3A_244 = tpu.sem_alloc : memref<!tpu.dma_semaphore, #tpu.memory_space<semaphore_mem>>
      %dma_start3A_245 = arith.constant 0 : i32
      %dma_start3A_246 = tpu.memref_slice %arg5[%arg0, %mul3A_2, %dma_start3A_245] : memref<2x10240x128xf32, #tpu.memory_space<hbm>> -> memref<1x640x128xf32, #tpu.memory_space<hbm>>
      %dma_start3A_247 = tpu.memref_squeeze %dma_start3A_246 : memref<1x640x128xf32, #tpu.memory_space<hbm>> -> memref<640x128xf32, #tpu.memory_space<hbm>>
      %dma_start3A_248 = arith.constant 0 : i32
      %dma_start3A_249 = tpu.memref_slice %arg12[%mul3A_2, %dma_start3A_248] : memref<10240x128xf32, #tpu.memory_space<vmem_shared>> -> memref<640x128xf32, #tpu.memory_space<vmem_shared>>
      tpu.enqueue_dma source(%dma_start3A_249 : memref<640x128xf32, #tpu.memory_space<vmem_shared>>) target(%dma_start3A_247 : memref<640x128xf32, #tpu.memory_space<hbm>>) target_semaphore(%run_scoped3A_244 : memref<!tpu.dma_semaphore, #tpu.memory_space<semaphore_mem>>)
      %dma_wait3A_250 = arith.constant 0 : i32
      %dma_wait3A_251 = tpu.memref_slice %arg5[%arg0, %mul3A_2, %dma_wait3A_250] : memref<2x10240x128xf32, #tpu.memory_space<hbm>> -> memref<1x640x128xf32, #tpu.memory_space<hbm>>
      %dma_wait3A_252 = tpu.memref_squeeze %dma_wait3A_251 : memref<1x640x128xf32, #tpu.memory_space<hbm>> -> memref<640x128xf32, #tpu.memory_space<hbm>>
      %dma_wait3A_253 = arith.constant 0 : i32
      %dma_wait3A_254 = tpu.memref_slice %arg12[%mul3A_2, %dma_wait3A_253] : memref<10240x128xf32, #tpu.memory_space<vmem_shared>> -> memref<640x128xf32, #tpu.memory_space<vmem_shared>>
      tpu.wait_dma2 semaphore(%run_scoped3A_244 : memref<!tpu.dma_semaphore, #tpu.memory_space<semaphore_mem>>) src(%dma_wait3A_254 : memref<640x128xf32, #tpu.memory_space<vmem_shared>>) dst(%dma_wait3A_252 : memref<640x128xf32, #tpu.memory_space<hbm>>)
      tpu.yield
    }) : () -> ()
    return
  }
}

module attributes {stable_mosaic.version = 14 : i64} {
  func.func @_scale_body(%arg0: i32, %arg1: memref<2048x128xf32, #tpu.memory_space<vmem>>, %arg2: memref<2048x1xf32, #tpu.memory_space<vmem>>, %arg3: memref<2048x1xf32, #tpu.memory_space<vmem>>, %arg4: memref<2048x128xf32, #tpu.memory_space<vmem>>) attributes {dimension_semantics = [#tpu.dimension_semantics<arbitrary>], iteration_bounds = array<i64: 5>, scalar_prefetch = 0 : i64, scratch_operands = 0 : i64, tpu.core_type = #tpu.core_type<tc>, window_params = [{transform_indices = @transform_0, window_bounds = array<i64: 2048, 128>}, {transform_indices = @transform_1, window_bounds = array<i64: 2048, 1>}, {transform_indices = @transform_2, window_bounds = array<i64: 2048, 1>}, {transform_indices = @transform_3, window_bounds = array<i64: 2048, 128>}]} {
    %get3A = arith.constant 0 : index
    %get3A_0 = arith.constant 0 : index
    %get3A_1 = vector.load %arg2[%get3A, %get3A_0] : memref<2048x1xf32, #tpu.memory_space<vmem>>, vector<2048x1xf32>
    %get3A_2 = arith.constant 0 : index
    %get3A_3 = arith.constant 0 : index
    %get3A_4 = vector.load %arg3[%get3A_2, %get3A_3] : memref<2048x1xf32, #tpu.memory_space<vmem>>, vector<2048x1xf32>
    %add3A = arith.addf %get3A_1, %get3A_4 : vector<2048x1xf32>
    %get3A_5 = arith.constant 0 : index
    %get3A_6 = arith.constant 0 : index
    %get3A_7 = vector.load %arg1[%get3A_5, %get3A_6] : memref<2048x128xf32, #tpu.memory_space<vmem>>, vector<2048x128xf32>
    %jit3A = arith.constant 1.000000e+00 : f32
    %max3A = vector.broadcast %jit3A : f32 to vector<2048x1xf32>
    %max3A_8 = arith.maximumf %max3A, %add3A : vector<2048x1xf32>
    %rsqrt3A = math.rsqrt %max3A_8 : vector<2048x1xf32>
    %mul3A = vector.broadcast %rsqrt3A : vector<2048x1xf32> to vector<2048x128xf32>
    %mul3A_9 = arith.mulf %get3A_7, %mul3A : vector<2048x128xf32>
    %swap3A = arith.constant 0 : index
    %swap3A_10 = arith.constant 0 : index
    %swap3A_11 = vector.load %arg4[%swap3A, %swap3A_10] : memref<2048x128xf32, #tpu.memory_space<vmem>>, vector<2048x128xf32>
    tpu.vector_store %arg4[%swap3A, %swap3A_10], %mul3A_9 {strides = array<i32>} : memref<2048x128xf32, #tpu.memory_space<vmem>>, vector<2048x128xf32>,
    return
  }
  func.func @transform_0(%arg0: i32) -> (i32, i32) {
    %c0_i32 = arith.constant 0 : i32
    %c0_i32_0 = arith.constant 0 : i32
    return %arg0, %c0_i32 : i32, i32
  }
  func.func @transform_1(%arg0: i32) -> (i32, i32) {
    %c0_i32 = arith.constant 0 : i32
    %c0_i32_0 = arith.constant 0 : i32
    return %arg0, %c0_i32 : i32, i32
  }
  func.func @transform_2(%arg0: i32) -> (i32, i32) {
    %c0_i32 = arith.constant 0 : i32
    %c0_i32_0 = arith.constant 0 : i32
    return %arg0, %c0_i32 : i32, i32
  }
  func.func @transform_3(%arg0: i32) -> (i32, i32) {
    %c0_i32 = arith.constant 0 : i32
    %c0_i32_0 = arith.constant 0 : i32
    return %arg0, %c0_i32 : i32, i32
  }
}

module attributes {stable_mosaic.version = 14 : i64} {
  func.func @_layer_body(%arg0: i32, %arg1: memref<2x2048x128xf32, #tpu.memory_space<vmem>>, %arg2: memref<2048x1xf32, #tpu.memory_space<vmem>>, %arg3: memref<2048x1xf32, #tpu.memory_space<vmem>>, %arg4: memref<2048x1xf32, #tpu.memory_space<vmem>>, %arg5: memref<2048x1xf32, #tpu.memory_space<vmem>>, %arg6: memref<128x128xf32, #tpu.memory_space<vmem>>, %arg7: memref<1x128xf32, #tpu.memory_space<vmem>>, %arg8: memref<2048x128xf32, #tpu.memory_space<vmem>>) attributes {dimension_semantics = [#tpu.dimension_semantics<arbitrary>], iteration_bounds = array<i64: 5>, scalar_prefetch = 0 : i64, scratch_operands = 0 : i64, tpu.core_type = #tpu.core_type<tc>, window_params = [{transform_indices = @transform_0, window_bounds = array<i64: 2, 2048, 128>}, {transform_indices = @transform_1, window_bounds = array<i64: 2048, 1>}, {transform_indices = @transform_2, window_bounds = array<i64: 2048, 1>}, {transform_indices = @transform_3, window_bounds = array<i64: 2048, 1>}, {transform_indices = @transform_4, window_bounds = array<i64: 2048, 1>}, {pipeline_mode = #tpu.pipeline_mode<synchronous>, transform_indices = @transform_5, window_bounds = array<i64: 128, 128>}, {pipeline_mode = #tpu.pipeline_mode<synchronous>, transform_indices = @transform_6, window_bounds = array<i64: 1, 128>}, {transform_indices = @transform_7, window_bounds = array<i64: 2048, 128>}]} {
    %get3A = arith.constant 0 : index
    %get3A_0 = arith.constant 0 : index
    %get3A_1 = arith.constant 0 : index
    %get3A_2 = vector.load %arg1[%get3A, %get3A_0, %get3A_1] : memref<2x2048x128xf32, #tpu.memory_space<vmem>>, vector<1x2048x128xf32>
    %get3A_3 = vector.shape_cast %get3A_2 : vector<1x2048x128xf32> to vector<2048x128xf32>
    %get3A_4 = arith.constant 1 : index
    %get3A_5 = arith.constant 0 : index
    %get3A_6 = arith.constant 0 : index
    %get3A_7 = vector.load %arg1[%get3A_4, %get3A_5, %get3A_6] : memref<2x2048x128xf32, #tpu.memory_space<vmem>>, vector<1x2048x128xf32>
    %get3A_8 = vector.shape_cast %get3A_7 : vector<1x2048x128xf32> to vector<2048x128xf32>
    %add3A = arith.addf %get3A_3, %get3A_8 : vector<2048x128xf32>
    %get3A_9 = arith.constant 0 : index
    %get3A_10 = arith.constant 0 : index
    %get3A_11 = vector.load %arg2[%get3A_9, %get3A_10] : memref<2048x1xf32, #tpu.memory_space<vmem>>, vector<2048x1xf32>
    %get3A_12 = arith.constant 0 : index
    %get3A_13 = arith.constant 0 : index
    %get3A_14 = vector.load %arg3[%get3A_12, %get3A_13] : memref<2048x1xf32, #tpu.memory_space<vmem>>, vector<2048x1xf32>
    %add3A_15 = arith.addf %get3A_11, %get3A_14 : vector<2048x1xf32>
    %jit3A = arith.constant 1.000000e+00 : f32
    %max3A = vector.broadcast %jit3A : f32 to vector<2048x1xf32>
    %max3A_16 = arith.maximumf %max3A, %add3A_15 : vector<2048x1xf32>
    %rsqrt3A = math.rsqrt %max3A_16 : vector<2048x1xf32>
    %mul3A = vector.broadcast %rsqrt3A : vector<2048x1xf32> to vector<2048x128xf32>
    %mul3A_17 = arith.mulf %add3A, %mul3A : vector<2048x128xf32>
    %get3A_18 = arith.constant 0 : index
    %get3A_19 = arith.constant 0 : index
    %get3A_20 = vector.load %arg6[%get3A_18, %get3A_19] : memref<128x128xf32, #tpu.memory_space<vmem>>, vector<128x128xf32>
    %dot_general3A = arith.constant dense<0.000000e+00> : vector<2048x128xf32>
    %dot_general3A_21 = tpu.matmul %mul3A_17, %get3A_20, %dot_general3A {dimension_numbers = #tpu.dot_dimension_numbers<[1], [0], [0], [1], [0, 0, 1, 1], [], []>, transpose_lhs_hint = false} : vector<2048x128xf32>, vector<128x128xf32>, vector<2048x128xf32> -> vector<2048x128xf32>
    %get3A_22 = arith.constant 0 : index
    %get3A_23 = arith.constant 0 : index
    %get3A_24 = vector.load %arg7[%get3A_22, %get3A_23] : memref<1x128xf32, #tpu.memory_space<vmem>>, vector<1x128xf32>
    %add3A_25 = vector.broadcast %get3A_24 : vector<1x128xf32> to vector<2048x128xf32>
    %add3A_26 = arith.addf %dot_general3A_21, %add3A_25 : vector<2048x128xf32>
    %max3A_27 = arith.constant 0.000000e+00 : f32
    %max3A_28 = vector.broadcast %max3A_27 : f32 to vector<2048x128xf32>
    %max3A_29 = arith.maximumf %add3A_26, %max3A_28 : vector<2048x128xf32>
    %get3A_30 = arith.constant 0 : index
    %get3A_31 = arith.constant 0 : index
    %get3A_32 = vector.load %arg4[%get3A_30, %get3A_31] : memref<2048x1xf32, #tpu.memory_space<vmem>>, vector<2048x1xf32>
    %get3A_33 = arith.constant 0 : index
    %get3A_34 = arith.constant 0 : index
    %get3A_35 = vector.load %arg5[%get3A_33, %get3A_34] : memref<2048x1xf32, #tpu.memory_space<vmem>>, vector<2048x1xf32>
    %add3A_36 = arith.addf %get3A_32, %get3A_35 : vector<2048x1xf32>
    %jit3A_37 = arith.constant 1.000000e+00 : f32
    %max3A_38 = vector.broadcast %jit3A_37 : f32 to vector<2048x1xf32>
    %max3A_39 = arith.maximumf %max3A_38, %add3A_36 : vector<2048x1xf32>
    %rsqrt3A_40 = math.rsqrt %max3A_39 : vector<2048x1xf32>
    %mul3A_41 = vector.broadcast %rsqrt3A_40 : vector<2048x1xf32> to vector<2048x128xf32>
    %mul3A_42 = arith.mulf %max3A_29, %mul3A_41 : vector<2048x128xf32>
    %swap3A = arith.constant 0 : index
    %swap3A_43 = arith.constant 0 : index
    %swap3A_44 = vector.load %arg8[%swap3A, %swap3A_43] : memref<2048x128xf32, #tpu.memory_space<vmem>>, vector<2048x128xf32>
    tpu.vector_store %arg8[%swap3A, %swap3A_43], %mul3A_42 {strides = array<i32>} : memref<2048x128xf32, #tpu.memory_space<vmem>>, vector<2048x128xf32>,
    return
  }
  func.func @transform_0(%arg0: i32) -> (i32, i32, i32) {
    %c0_i32 = arith.constant 0 : i32
    %c0_i32_0 = arith.constant 0 : i32
    %c0_i32_1 = arith.constant 0 : i32
    return %c0_i32, %arg0, %c0_i32_0 : i32, i32, i32
  }
  func.func @transform_1(%arg0: i32) -> (i32, i32) {
    %c0_i32 = arith.constant 0 : i32
    %c0_i32_0 = arith.constant 0 : i32
    return %arg0, %c0_i32 : i32, i32
  }
  func.func @transform_2(%arg0: i32) -> (i32, i32) {
    %c0_i32 = arith.constant 0 : i32
    %c0_i32_0 = arith.constant 0 : i32
    return %arg0, %c0_i32 : i32, i32
  }
  func.func @transform_3(%arg0: i32) -> (i32, i32) {
    %c0_i32 = arith.constant 0 : i32
    %c0_i32_0 = arith.constant 0 : i32
    return %arg0, %c0_i32 : i32, i32
  }
  func.func @transform_4(%arg0: i32) -> (i32, i32) {
    %c0_i32 = arith.constant 0 : i32
    %c0_i32_0 = arith.constant 0 : i32
    return %arg0, %c0_i32 : i32, i32
  }
  func.func @transform_5(%arg0: i32) -> (i32, i32) {
    %c0_i32 = arith.constant 0 : i32
    %c0_i32_0 = arith.constant 0 : i32
    %c0_i32_1 = arith.constant 0 : i32
    return %c0_i32, %c0_i32_0 : i32, i32
  }
  func.func @transform_6(%arg0: i32) -> (i32, i32) {
    %c0_i32 = arith.constant 0 : i32
    %c0_i32_0 = arith.constant 0 : i32
    %c0_i32_1 = arith.constant 0 : i32
    return %c0_i32, %c0_i32_0 : i32, i32
  }
  func.func @transform_7(%arg0: i32) -> (i32, i32) {
    %c0_i32 = arith.constant 0 : i32
    %c0_i32_0 = arith.constant 0 : i32
    return %arg0, %c0_i32 : i32, i32
  }
}

module attributes {stable_mosaic.version = 14 : i64} {
  func.func @_layer_body(%arg0: i32, %arg1: memref<2x2048x128xf32, #tpu.memory_space<vmem>>, %arg2: memref<2048x1xf32, #tpu.memory_space<vmem>>, %arg3: memref<2048x1xf32, #tpu.memory_space<vmem>>, %arg4: memref<2048x1xf32, #tpu.memory_space<vmem>>, %arg5: memref<2048x1xf32, #tpu.memory_space<vmem>>, %arg6: memref<128x128xf32, #tpu.memory_space<vmem>>, %arg7: memref<1x128xf32, #tpu.memory_space<vmem>>, %arg8: memref<2048x128xf32, #tpu.memory_space<vmem>>) attributes {dimension_semantics = [#tpu.dimension_semantics<arbitrary>], iteration_bounds = array<i64: 5>, scalar_prefetch = 0 : i64, scratch_operands = 0 : i64, tpu.core_type = #tpu.core_type<tc>, window_params = [{transform_indices = @transform_0, window_bounds = array<i64: 2, 2048, 128>}, {transform_indices = @transform_1, window_bounds = array<i64: 2048, 1>}, {transform_indices = @transform_2, window_bounds = array<i64: 2048, 1>}, {transform_indices = @transform_3, window_bounds = array<i64: 2048, 1>}, {transform_indices = @transform_4, window_bounds = array<i64: 2048, 1>}, {pipeline_mode = #tpu.pipeline_mode<synchronous>, transform_indices = @transform_5, window_bounds = array<i64: 128, 128>}, {pipeline_mode = #tpu.pipeline_mode<synchronous>, transform_indices = @transform_6, window_bounds = array<i64: 1, 128>}, {transform_indices = @transform_7, window_bounds = array<i64: 2048, 128>}]} {
    %get3A = arith.constant 0 : index
    %get3A_0 = arith.constant 0 : index
    %get3A_1 = arith.constant 0 : index
    %get3A_2 = vector.load %arg1[%get3A, %get3A_0, %get3A_1] : memref<2x2048x128xf32, #tpu.memory_space<vmem>>, vector<1x2048x128xf32>
    %get3A_3 = vector.shape_cast %get3A_2 : vector<1x2048x128xf32> to vector<2048x128xf32>
    %get3A_4 = arith.constant 1 : index
    %get3A_5 = arith.constant 0 : index
    %get3A_6 = arith.constant 0 : index
    %get3A_7 = vector.load %arg1[%get3A_4, %get3A_5, %get3A_6] : memref<2x2048x128xf32, #tpu.memory_space<vmem>>, vector<1x2048x128xf32>
    %get3A_8 = vector.shape_cast %get3A_7 : vector<1x2048x128xf32> to vector<2048x128xf32>
    %add3A = arith.addf %get3A_3, %get3A_8 : vector<2048x128xf32>
    %get3A_9 = arith.constant 0 : index
    %get3A_10 = arith.constant 0 : index
    %get3A_11 = vector.load %arg2[%get3A_9, %get3A_10] : memref<2048x1xf32, #tpu.memory_space<vmem>>, vector<2048x1xf32>
    %get3A_12 = arith.constant 0 : index
    %get3A_13 = arith.constant 0 : index
    %get3A_14 = vector.load %arg3[%get3A_12, %get3A_13] : memref<2048x1xf32, #tpu.memory_space<vmem>>, vector<2048x1xf32>
    %add3A_15 = arith.addf %get3A_11, %get3A_14 : vector<2048x1xf32>
    %jit3A = arith.constant 1.000000e+00 : f32
    %max3A = vector.broadcast %jit3A : f32 to vector<2048x1xf32>
    %max3A_16 = arith.maximumf %max3A, %add3A_15 : vector<2048x1xf32>
    %rsqrt3A = math.rsqrt %max3A_16 : vector<2048x1xf32>
    %mul3A = vector.broadcast %rsqrt3A : vector<2048x1xf32> to vector<2048x128xf32>
    %mul3A_17 = arith.mulf %add3A, %mul3A : vector<2048x128xf32>
    %get3A_18 = arith.constant 0 : index
    %get3A_19 = arith.constant 0 : index
    %get3A_20 = vector.load %arg6[%get3A_18, %get3A_19] : memref<128x128xf32, #tpu.memory_space<vmem>>, vector<128x128xf32>
    %dot_general3A = arith.constant dense<0.000000e+00> : vector<2048x128xf32>
    %dot_general3A_21 = tpu.matmul %mul3A_17, %get3A_20, %dot_general3A {dimension_numbers = #tpu.dot_dimension_numbers<[1], [0], [0], [1], [0, 0, 1, 1], [], []>, transpose_lhs_hint = false} : vector<2048x128xf32>, vector<128x128xf32>, vector<2048x128xf32> -> vector<2048x128xf32>
    %get3A_22 = arith.constant 0 : index
    %get3A_23 = arith.constant 0 : index
    %get3A_24 = vector.load %arg7[%get3A_22, %get3A_23] : memref<1x128xf32, #tpu.memory_space<vmem>>, vector<1x128xf32>
    %add3A_25 = vector.broadcast %get3A_24 : vector<1x128xf32> to vector<2048x128xf32>
    %add3A_26 = arith.addf %dot_general3A_21, %add3A_25 : vector<2048x128xf32>
    %max3A_27 = arith.constant 0.000000e+00 : f32
    %max3A_28 = vector.broadcast %max3A_27 : f32 to vector<2048x128xf32>
    %max3A_29 = arith.maximumf %add3A_26, %max3A_28 : vector<2048x128xf32>
    %swap3A = arith.constant 0 : index
    %swap3A_30 = arith.constant 0 : index
    %swap3A_31 = vector.load %arg8[%swap3A, %swap3A_30] : memref<2048x128xf32, #tpu.memory_space<vmem>>, vector<2048x128xf32>
    tpu.vector_store %arg8[%swap3A, %swap3A_30], %max3A_29 {strides = array<i32>} : memref<2048x128xf32, #tpu.memory_space<vmem>>, vector<2048x128xf32>,
    return
  }
  func.func @transform_0(%arg0: i32) -> (i32, i32, i32) {
    %c0_i32 = arith.constant 0 : i32
    %c0_i32_0 = arith.constant 0 : i32
    %c0_i32_1 = arith.constant 0 : i32
    return %c0_i32, %arg0, %c0_i32_0 : i32, i32, i32
  }
  func.func @transform_1(%arg0: i32) -> (i32, i32) {
    %c0_i32 = arith.constant 0 : i32
    %c0_i32_0 = arith.constant 0 : i32
    return %arg0, %c0_i32 : i32, i32
  }
  func.func @transform_2(%arg0: i32) -> (i32, i32) {
    %c0_i32 = arith.constant 0 : i32
    %c0_i32_0 = arith.constant 0 : i32
    return %arg0, %c0_i32 : i32, i32
  }
  func.func @transform_3(%arg0: i32) -> (i32, i32) {
    %c0_i32 = arith.constant 0 : i32
    %c0_i32_0 = arith.constant 0 : i32
    return %arg0, %c0_i32 : i32, i32
  }
  func.func @transform_4(%arg0: i32) -> (i32, i32) {
    %c0_i32 = arith.constant 0 : i32
    %c0_i32_0 = arith.constant 0 : i32
    return %arg0, %c0_i32 : i32, i32
  }
  func.func @transform_5(%arg0: i32) -> (i32, i32) {
    %c0_i32 = arith.constant 0 : i32
    %c0_i32_0 = arith.constant 0 : i32
    %c0_i32_1 = arith.constant 0 : i32
    return %c0_i32, %c0_i32_0 : i32, i32
  }
  func.func @transform_6(%arg0: i32) -> (i32, i32) {
    %c0_i32 = arith.constant 0 : i32
    %c0_i32_0 = arith.constant 0 : i32
    %c0_i32_1 = arith.constant 0 : i32
    return %c0_i32, %c0_i32_0 : i32, i32
  }
  func.func @transform_7(%arg0: i32) -> (i32, i32) {
    %c0_i32 = arith.constant 0 : i32
    %c0_i32_0 = arith.constant 0 : i32
    return %arg0, %c0_i32 : i32, i32
  }
}

</mosaic_0001>

<sc_bundles>
// kernel: kernel.11.cloned.1.call-start
scs
__scs_entry_jumppad:
0x0: {  	(pc) =	sbr.rel $0x88, $3  }
0x1: {  	(tag) =	ssettag $0x0;
	lr =	simm.s32 $0x1  }
0x2: {  	[smem:$0x3F9A] =	sst lr;
	_ =	strace $0xD0000000  }
0x3: {  	_ = 	snop  }
0x4: {  	_ = 	snop  }
0x5: {  	_ = 	snop  }
0x6: {  	_ = 	snop  }
0x7: {  	_ = 	snop  }
__scs_overlays_trampoline_lowered:
0x8: {  	[smem:$0x3FA9] =	sst s0  }
0x9: {  	[smem:$0x3FAA] =	sst s1  }
0xa: {  	[smem:$0x3FAB] =	sst s2  }
0xb: {  	[smem:$0x3FAC] =	sst s3  }
0xc: {  	[smem:$0x3FAD] =	sst s4  }
0xd: {  	[smem:$0x3FAE] =	sst s5  }
0xe: {  	[smem:$0x3FAF] =	sst s6  }
0xf: {  	[smem:$0x3FB0] =	sst s7  }
0x10: {  	[smem:$0x3FB1] =	sst s8  }
0x11: {  	[smem:$0x3FB2] =	sst s9;
	s0 =	simm.s32 @!p0 $0x0  }
0x12: {  	s1 =	sld [smem:$0x3F98];
	s0 =	simm.s32 @p0 $0x1  }
0x13: {  	[smem:$0x3FB3] =	sst s0;
	s0 =	simm.s32 @!p1 $0x0  }
0x14: {  	s2 =	sld [smem:$0x3F97];
	s0 =	simm.s32 @p1 $0x1  }
0x15: {  	[smem:$0x3FB4] =	sst s0;
	s0 =	simm.s32 @!p2 $0x0  }
0x16: {  	s3 =	sld [smem:$0x3FDB];
	s0 =	simm.s32 @p2 $0x1  }
0x17: {  	s4 =	simm.s32 $0x1BF5;
	[smem:$0x3FB6] =	sst s0  }
0x18: {  	s0 =	sld [smem:$0x3F99];
	_ =	swait.ge [sflag:s4], $0x0  }
0x19: {  	s7 =	sld [smem:$0x3F9A]  }
0x1a: {  	s8 =	sadd.s32 $0xFFFFE003, lr  }
0x1b: {  	s9 =	sadd.s32 $0xFFFFFEF7, lr;
	s5 =	simm.s32 $0xFFFFFFFF;
	p2 =	slt.u32 s8, $0xFFFFF086  }
0x1c: {  	p1 =	slt.u32 s9, $0xF7A;
	s5 =	simm.s32 @!p2 $0x0  }
0x1d: {  	s5 =	simm.s32 @p1 $0x1;
	p0 =	seq.s32 s7, s2  }
0x1e: {  	s7 =	smul.u32 @!p0 $0xF7A, s2;
	p2 =	seq.s32 @!p0 s5, $0x0  }
0x1f: {  	s9 =	smul.u32 $0xF7A, s1;
	s8 =	simm.s32 @!p0 $0x1BF5;
	p2 =	por !p2, p0  }
0x20: {  	[sflag:s8] =	ssyncset.s32 @!p0 $0xFFFFF086;
	s6 =	sadd.s32 @!p0 s3, s7;
	s7 =	simm.s32 @!p0 $0x108  }
0x21: {  	s3 =	sadd.s32 s3, s9;
	s6 =	sadd.s32 @!p0 $0x88, s6;
	s7 =	simm.s32 @p2 $0x1082  }
0x22: {  	[simem:s7], [sflag:s8] =	dma.local @!p0 [hbm:s6], $0xF7A  }
0x23: {  	s9 =	sor.u32 $0xD0000000, s2;
	s6 =	simm.s32 $0x108;
	_ =	swait.ge @!p0 [sflag:s8], $0x0  }
0x24: {  	s3 =	sadd.s32 $0x88, s3;
	s6 =	simm.s32 @!p1 $0x1082;
	[sflag:s4] =	ssyncset.s32 $0xFFFFF086  }
0x25: {  	[simem:s6], [sflag:s4] =	dma.local [hbm:s3], $0xF7A  }
0x26: {  	[smem:$0x3F9A] =	sst s1;
	(tag) =	ssettag s2;
	_ =	strace s9  }
0x27: {  	s1 =	sld [smem:$0x3FAA]  }
0x28: {  	s2 =	sld [smem:$0x3FAB]  }
0x29: {  	s4 =	sld [smem:$0x3FAD]  }
0x2a: {  	p0 =	seq.s32 s5, $0x0;
	s5 =	sld [smem:$0x3FAE]  }
0x2b: {  	s6 =	sld [smem:$0x3FAF]  }
0x2c: {  	s7 =	sld [smem:$0x3FB0]  }
0x2d: {  	s3 =	simm.s32 $0x108;
	s8 =	sld [smem:$0x3FB1]  }
0x2e: {  	s3 =	simm.s32 @!p0 $0x1082;
	s9 =	sld [smem:$0x3FB2]  }
0x2f: {  	lr =	sadd.s32 s0, s3;
	s0 =	sld [smem:$0x3FA9]  }
0x30: {  	s3 =	sld [smem:$0x3FAC]  }
0x31: {  	[smem:$0x3FB5] =	sst s10  }
0x32: {  	s10 =	sld [smem:$0x3FB3];
	_ =	sdelay $0x3  }
0x33: {  	p0 =	seq.s32 s10, $0x1;
	s10 =	sld [smem:$0x3FB5];
	_ =	sdelay $0x3  }
0x34: {  	[smem:$0x3FB5] =	sst s10  }
0x35: {  	s10 =	sld [smem:$0x3FB4];
	_ =	sdelay $0x3  }
0x36: {  	p1 =	seq.s32 s10, $0x1;
	s10 =	sld [smem:$0x3FB5];
	_ =	sdelay $0x3  }
0x37: {  	[smem:$0x3FB5] =	sst s10  }
0x38: {  	s10 =	sld [smem:$0x3FB6]  }
0x39: {  	_ = 	snop;
	(pc) =	sbr.ind lr, $3  }
0x3a: {  	_ = 	snop  }
0x3b: {  	_ = 	snop  }
0x3c: {  	p2 =	seq.s32 s10, $0x1;
	s10 =	sld [smem:$0x3FB5]  }
0x3d: {  	_ =	shalt  }
0x3e: {  	_ =	shalt  }
0x3f: {  	_ =	shalt  }
0x40: {  	_ =	shalt  }
0x41: {  	_ =	shalt  }
0x42: {  	_ =	shalt  }
0x43: {  	_ =	shalt  }
0x44: {  	_ =	shalt  }
0x45: {  	_ =	shalt  }
0x46: {  	_ =	shalt  }
0x47: {  	_ =	shalt  }
0x48: {  	_ =	shalt  }
0x49: {  	_ =	shalt  }
0x4a: {  	_ =	shalt  }
0x4b: {  	_ =	shalt  }
0x4c: {  	_ =	shalt  }
0x4d: {  	_ =	shalt  }
0x4e: {  	_ =	shalt  }
0x4f: {  	_ =	shalt  }
0x50: {  	_ =	shalt  }
0x51: {  	_ =	shalt  }
0x52: {  	_ =	shalt  }
0x53: {  	_ =	shalt  }
0x54: {  	_ =	shalt  }
0x55: {  	_ =	shalt  }
0x56: {  	_ =	shalt  }
0x57: {  	_ =	shalt  }
0x58: {  	_ =	shalt  }
0x59: {  	_ =	shalt  }
0x5a: {  	_ =	shalt  }
0x5b: {  	_ =	shalt  }
0x5c: {  	_ =	shalt  }
0x5d: {  	_ =	shalt  }
0x5e: {  	_ =	shalt  }
0x5f: {  	_ =	shalt  }
0x60: {  	_ =	shalt  }
0x61: {  	_ =	shalt  }
0x62: {  	_ =	shalt  }
0x63: {  	_ =	shalt  }
0x64: {  	_ =	shalt  }
0x65: {  	_ =	shalt  }
0x66: {  	_ =	shalt  }
0x67: {  	_ =	shalt  }
0x68: {  	_ =	shalt  }
0x69: {  	_ =	shalt  }
0x6a: {  	_ =	shalt  }
0x6b: {  	_ =	shalt  }
0x6c: {  	_ =	shalt  }
0x6d: {  	_ =	shalt  }
0x6e: {  	_ =	shalt  }
0x6f: {  	_ =	shalt  }
0x70: {  	_ =	shalt  }
0x71: {  	_ =	shalt  }
0x72: {  	_ =	shalt  }
0x73: {  	_ =	shalt  }
0x74: {  	_ =	shalt  }
0x75: {  	_ =	shalt  }
0x76: {  	_ =	shalt  }
0x77: {  	_ =	shalt  }
0x78: {  	_ =	shalt  }
0x79: {  	_ =	shalt  }
0x7a: {  	_ =	shalt  }
0x7b: {  	_ =	shalt  }
0x7c: {  	_ =	shalt  }
0x7d: {  	_ =	shalt  }
0x7e: {  	_ =	shalt  }
0x7f: {  	_ =	shalt  }
0x80: {  	_ =	shalt  }
0x81: {  	_ =	shalt  }
0x82: {  	_ =	shalt  }
0x83: {  	_ =	shalt  }
0x84: {  	_ =	shalt  }
0x85: {  	_ =	shalt  }
0x86: {  	_ =	shalt  }
0x87: {  	_ =	shalt  }
.Lfunc_end0:
.L_simem_size_0:
called_computation.1_lowered:
.L_overlay_start_0:
0x88: {  	s2 =	sld [smem:$0x3FD9]  }
0x89: {  	s3 =	sld [smem:$0x3FFE];
	_ =	sdelay $0x1  }
0x8a: {  	s1 =	srdreg.scid  }
0x8b: {  	s0 =	sand.u32 $0x1, s1  }
0x8c: {  	s17 =	sshll.u32 s0, $0xA;
	s2 =	sadd.s32 s3, s2  }
0x8d: {  	s2 =	sadd.s32 s2, s17  }
0x8e: {  	[smem:$0x3FC1] =	sst s2  }
0x8f: {  	_ = 	snop  }
0x90: {  	s2 =	sld [smem:$0x3FD0];
	(tm) =	ssettm $0x1  }
0x91: {  	s18 =	sld [smem:$0x3FFB];
	_ =	sdelay $0x3  }
0x92: {  	_ =	strace s18  }
0x93: {  	s3 =	sld [smem:$0x3FFC];
	_ =	sdelay $0x3  }
0x94: {  	_ =	strace s3  }
0x95: {  	s3 =	sld [smem:$0x3FFD];
	_ =	sdelay $0x3  }
0x96: {  	_ =	strace s3  }
0x97: {  	_ =	strace $0x8FFFFFFF  }
0x98: {  	s19 =	sld [smem:$0x3FDB];
	_ =	sdelay $0x1  }
0x99: {  	s4 =	simm.s32 $_scs_section_size  }
0x9a: {  	s5 =	simm.s32 $_size__tile_overlayer_lowered;
	s6 =	simm.s32 $_tile_overlayer_lowered  }
0x9b: {  	s22 =	simm.s32 $0x1BFF;
	s21 =	sshll.u32 s6, $0x1;
	s3 =	sadd.s32 s4, s19  }
0x9c: {  	s7 =	simm.s32 $0x0;
	s20 =	sshll.u32 s5, $0x1;
	s5 =	sadd.s32 s21, s3  }
0x9d: {  	[timem:s7], [sflag:s22] =	dma.local [hbm:s5], s20  }
0x9e: {  	_ =	swait.ge [sflag:s22], s20  }
0x9f: {  	s4 =	ssub.s32 $0x0, s20;
	[sflag:s22] =	ssyncset.done $0x0  }
0xa0: {  	[sflag:s22] =	ssyncadd.s32 s4;
	_ =	sdelay $0x1  }
0xa1: {  	s23 =	simm.s32 $0x1B8B  }
0xa2: {  	_ =	swait.ge [sflag:s23], $0x1  }
0xa3: {  	[sflag:s23] =	ssyncset.done $0x0  }
0xa4: {  	s25 =	simm.s32 $0x1B8E;
	s24 =	sld [smem:$0x3FFE];
	[sflag:s23] =	ssyncadd.s32 $0xFFFFFFFF  }
0xa5: {  	s26 =	simm.s32 $execute0_lowered;
	[smem:$0x3FD2] =	sst s25  }
0xa6: {  	s5 =	sshll.u32 s26, $0x1;
	_ =	strace $0x80000049;
	[dreg:$0x1] =	wrdreg $0xFFFFFFFF  }
0xa7: {  	s28 =	simm.s32 $_size_execute0_lowered;
	s3 =	sadd.s32 s3, s5;
	[dreg:$0x0] =	wrdreg $0x0  }
0xa8: {  	s5 =	sshll.u32 s28, $0x1;
	[dreg:$0x2] =	wrdreg s3  }
0xa9: {  	[dreg:$0x3] =	wrdreg s5  }
0xaa: {  	[dreg:$0x4] =	wrdreg $0xC0  }
0xab: {  	_ =	task [dreg:s7], $0x5FFFF  }
0xac: {  	[dreg:$0x1] =	wrdreg $0xFFFFFFFF  }
0xad: {  	[dreg:$0x0] =	wrdreg $0x60  }
0xae: {  	[dreg:$0x2] =	wrdreg s24  }
0xaf: {  	[dreg:$0x3] =	wrdreg s2  }
0xb0: {  	[dreg:$0x4] =	wrdreg $0xA8000  }
0xb1: {  	[dreg:$0x5] =	wrdreg $0x9  }
0xb2: {  	_ =	task.clear_ibuf [dreg:s7], $0x6FFFF;
	_ =	strace $0x90000049  }
0xb3: {  	s29 =	simm.s32 $0x9;
	_ =	strace $0x8000004B  }
0xb4: {  	_ =	swait.ge [sflag:s29], $0x1  }
0xb5: {  	[sflag:s29] =	ssyncadd.s32 $0xFFFFFFFF  }
0xb6: {  	_ =	strace $0x9000004B  }
0xb7: {  	_ =	sfence  }
0xb8: {  	s30 =	sld [smem:$0x0];
	_ =	sdelay $0x2  }
0xb9: {  	s31 =	sshll.u32 s1, $0xD;
	s1 =	sshrl.u32 s1, $0x2  }
0xba: {  	s3 =	sand.u32 $0x4000, s31;
	s1 =	sadd.s32 s1, s30  }
0xbb: {  	s0 =	sor.u32 s3, s0;
	s1 =	sshll.u32 s1, $0x11  }
0xbc: {  	s0 =	sor.u32 s1, s0  }
0xbd: {  	s0 =	sadd.s32 $0x8F2B, s0  }
0xbe: {  	[sflag:s0] =	ssyncadd.remote.s32 $0x1  }
0xbf: {  	_ =	sfence.sel $0xFFFF  }
0xc0: {  	[dreg:$0x0] =	wrdreg $0xFFFFFFFF;
	(pc) =	sbr.abs _section_cstart, $3  }
0xc1: {  	[dreg:$0x1] =	wrdreg $0xFFFFFFFF  }
0xc2: {  	_ =	task.clear_ibuf [dreg:s7], $0x2FFFF;
	_ =	strace $0x9FFFFFFF  }
0xc3: {  	(tm) =	ssettm $0x7FFFFFFF  }
tec
execute0_lowered:
.L_overlay_start_1:
0x0: {  	(tag) =	ssettag $0x1  }
0x1: {  	s0 =	rddreg [dreg:$0x0]  }
0x2: {  	s1 =	rddreg [dreg:$0x1]  }
0x3: {  	s2 =	rddreg [dreg:$0x2];
	s3 =	simm.s32 $0x0  }
0x4: {  	s13 =	stileid.u32;
	s4 =	srdreg.scid;
	s12 =	simm.s32 $0x9  }
0x5: {  	s14 =	simm.s32 $0x40;
	s15 =	simm.s32 $0x2800;
	s16 =	simm.s32 $0x4800  }
0x6: {  	s17 =	simm.s32 $0x80;
	s28 =	simm.s32 $0x5;
	s29 =	simm.s32 $0x6  }
0x7: {  	s30 =	simm.s32 $0x7;
	s31 =	simm.s32 $0x8;
	s6 =	smul.u32 $0x14000, s13  }
0x8: {  	s5 =	sand.u32 $0x1, s4;
	s18 =	sshll.u32 s13, $0x1;
	[smem:$0x7FF] =	sst s3  }
0x9: {  	s26 =	sshll.u32 s13, $0x6;
	s13 =	simm.s32 $0x0;
	s7 =	smul.u32 $0x140000, s5  }
0xa: {  	s4 =	sor.u32 s5, s18;
	_ =	strace $0x8000004A;
	s10 =	ssub.s32 $0x2, s5  }
0xb: {  	s18 =	simm.s32 $0x6800;
	s8 =	sshrl.u32 s6, $0x3;
	s9 =	smul.u32 $0x2800, s4  }
0xc: {  	s4 =	sadd.s32 $0x2400, s0;
	s20 =	sshrl.u32 s10, $0x1;
	s8 =	sadd.s32 s8, s0  }
0xd: {  	s7 =	sadd.s32 s6, s7;
	s21 =	ssub.s32 s10, s20;
	s6 =	sadd.s32 s6, s2  }
0xe: {  	s20 =	simm.s32 $0x8800;
	s7 =	sshrl.u32 s7, $0x3;
	s19 =	sshrl.u32 s9, $0x3  }
0xf: {  	s23 =	sadd.s32 $0x54600, s8;
	s11 =	smax.u32 s21, $0x1;
	s21 =	sor.u32 $0x1C09, s26  }
0x10: {  	s26 =	simm.s32 $0x4;
	s0 =	sadd.s32 s7, s0;
	s5 =	sadd.s32 s1, s19  }
0x11: {  	[dreg:$0x5] =	wrdreg s23;
	s19 =	simm.s32 $0xC0;
	s22 =	sadd.s32 $0xA000, s5  }
0x12: {  	s23 =	simm.s32 $0x1;
	s24 =	sadd.s32 $0x280, s5;
	[dreg:$0x4] =	wrdreg s22  }
0x13: {  	s1 =	simm.s32 $0x2740;
	s25 =	sadd.s32 $0xA280, s5;
	[dreg:$0x6] =	wrdreg s24  }
0x14: {  	s7 =	simm.s32 $0x27C0;
	s0 =	sadd.s32 $0x7C600, s0;
	[dreg:$0x7] =	wrdreg s25  }
0x15: {  	[dreg:$0x8] =	wrdreg s0;
	s22 =	sshrl.u32 s6, $0x3;
	s24 =	simm.s32 $0x2  }
0x16: {  	s25 =	simm.s32 $0x3;
	s0 =	simm.s32 $0x2700;
	s6 =	simm.s32 $0x2780  }
.LBB2_1:
0x17: {  	[tilespmem:s3], [sflag:$0x9] =	stream.linear.gather [hbm4b:s5+s3], $0x1400, $0x38;
	[tilespmem:$0x1E800] =	vst v63  }
0x18: {  	_ =	swait.ge [sflag:s12], $0x1400  }
0x19: {  	[sflag:s12] =	ssyncset.done $0x0  }
0x1a: {  	s9 =	simm.s32 $0x1400;
	s8 =	rddreg [dreg:$0x4];
	[sflag:s12] =	ssyncadd.s32 $0xFFFFEC00  }
0x1b: {  	[tilespmem:s9], [sflag:$0x9] =	stream.linear.gather [hbm4b:s8+s3], $0x1400, $0x38;
	[tilespmem:$0x1E800] =	vst v63  }
0x1c: {  	_ =	swait.ge [sflag:s12], $0x1400  }
0x1d: {  	[sflag:s12] =	ssyncset.done $0x0  }
0x1e: {  	[sflag:s12] =	ssyncadd.s32 $0xFFFFEC00  }
0x1f: {  	[tilespmem:s15], [sflag:$0x1] =	stream.indirect.gather [hbm4b:s4+s14], $0x80, s3, s14, $0xb8;
	[tilespmem:$0x1E800] =	vst v63  }
0x20: {  	_ = 	snop  }
0x21: {  	[tilespmem:s16], [sflag:$0x2] =	stream.indirect.gather [hbm4b:s4+s14], $0x80, s14, s14, $0xb8;
	[tilespmem:$0x1E800] =	vst v63  }
0x22: {  	_ = 	snop  }
0x23: {  	[tilespmem:s18], [sflag:$0x3] =	stream.indirect.gather [hbm4b:s4+s14], $0x80, s17, s14, $0xb8;
	[tilespmem:$0x1E800] =	vst v63  }
0x24: {  	s9 =	rddreg [dreg:$0x5]  }
0x25: {  	[tilespmem:s20], [sflag:$0x4] =	stream.indirect.gather [hbm4b:s4+s14], $0x80, s19, s14, $0xb8;
	[tilespmem:$0x1E800] =	vst v63  }
0x26: {  	[spmem:s22], [sflag:s21] =	dma.local [hbm:s9], $0x2800  }
0x27: {  	_ =	swait.ge [sflag:s12], $0x2800  }
0x28: {  	[sflag:s12] =	ssyncset.done $0x0  }
0x29: {  	[sflag:s12] =	ssyncadd.s32 $0xFFFFD800  }
0x2a: {  	[bflag:$0x0] =	sbarrier.arrive $0xFFFF  }
0x2b: {  	_ =	swait.ge [sflag:s23], $0x2000  }
0x2c: {  	[sflag:s23] =	ssyncset.done $0x0  }
0x2d: {  	s10 =	simm.s32 $0x1400;
	[sflag:s23] =	ssyncadd.s32 $0xFFFFE000  }
0x2e: {  	[spmem:s2] =	stream.indirect.scatter.add.f32 [tilespmem:s15], [sflag:$0x5], $0x80, s10, s14, $0xb8;
	[tilespmem:$0x1E800] =	vst v63  }
0x2f: {  	_ =	swait.ge [sflag:s24], $0x2000  }
0x30: {  	[sflag:s24] =	ssyncset.done $0x0  }
0x31: {  	s9 =	simm.s32 $0x1440;
	[sflag:s24] =	ssyncadd.s32 $0xFFFFE000  }
0x32: {  	[spmem:s2] =	stream.indirect.scatter.add.f32 [tilespmem:s16], [sflag:$0x6], $0x80, s9, s14, $0xb8;
	[tilespmem:$0x1E800] =	vst v63  }
0x33: {  	_ =	swait.ge [sflag:s25], $0x2000  }
0x34: {  	[sflag:s25] =	ssyncset.done $0x0  }
0x35: {  	s10 =	simm.s32 $0x1480;
	[sflag:s25] =	ssyncadd.s32 $0xFFFFE000  }
0x36: {  	[spmem:s2] =	stream.indirect.scatter.add.f32 [tilespmem:s18], [sflag:$0x7], $0x80, s10, s14, $0xb8;
	[tilespmem:$0x1E800] =	vst v63  }
0x37: {  	_ =	swait.ge [sflag:s26], $0x2000  }
0x38: {  	[sflag:s26] =	ssyncset.done $0x0  }
0x39: {  	s9 =	simm.s32 $0x14C0;
	[sflag:s26] =	ssyncadd.s32 $0xFFFFE000  }
0x3a: {  	[spmem:s2] =	stream.indirect.scatter.add.f32 [tilespmem:s20], [sflag:$0x8], $0x80, s9, s14, $0xb8;
	[tilespmem:$0x1E800] =	vst v63  }
0x3b: {  	_ =	swait.ge [sflag:s28], $0x2000  }
0x3c: {  	[sflag:s28] =	ssyncset.done $0x0  }
0x3d: {  	s10 =	simm.s32 $0x100;
	[sflag:s28] =	ssyncadd.s32 $0xFFFFE000  }
0x3e: {  	[tilespmem:s15], [sflag:$0x1] =	stream.indirect.gather [hbm4b:s4+s14], $0x80, s10, s14, $0xb8;
	[tilespmem:$0x1E800] =	vst v63  }
0x3f: {  	_ =	swait.ge [sflag:s29], $0x2000  }
0x40: {  	[sflag:s29] =	ssyncset.done $0x0  }
0x41: {  	s9 =	simm.s32 $0x140;
	[sflag:s29] =	ssyncadd.s32 $0xFFFFE000  }
0x42: {  	[tilespmem:s16], [sflag:$0x2] =	stream.indirect.gather [hbm4b:s4+s14], $0x80, s9, s14, $0xb8;
	[tilespmem:$0x1E800] =	vst v63  }
0x43: {  	_ =	swait.ge [sflag:s30], $0x2000  }
0x44: {  	[sflag:s30] =	ssyncset.done $0x0  }
0x45: {  	s10 =	simm.s32 $0x180;
	[sflag:s30] =	ssyncadd.s32 $0xFFFFE000  }
0x46: {  	[tilespmem:s18], [sflag:$0x3] =	stream.indirect.gather [hbm4b:s4+s14], $0x80, s10, s14, $0xb8;
	[tilespmem:$0x1E800] =	vst v63  }
0x47: {  	_ =	swait.ge [sflag:s31], $0x2000  }
0x48: {  	[sflag:s31] =	ssyncset.done $0x0  }
0x49: {  	s8 =	simm.s32 $0x400;
	s9 =	simm.s32 $0x1C0;
	[sflag:s31] =	ssyncadd.s32 $0xFFFFE000  }
.LBB2_2:
0x4a: {  	[tilespmem:s20], [sflag:$0x4] =	stream.indirect.gather [hbm4b:s4+s14], $0x80, s9, s14, $0xb8;
	[tilespmem:$0x1E800] =	vst v63  }
0x4b: {  	s9 =	smov.u32 s8  }
0x4c: {  	p0 =	sne.s32 s8, $0x4800;
	s8 =	sadd.s32 $0x400, s8;
	_ =	swait.ge [sflag:s23], $0x2000  }
0x4d: {  	s9 =	sshra.s32 s9, $0x2;
	[sflag:s23] =	ssyncset.done $0x0  }
0x4e: {  	s10 =	sadd.s32 $0x1400, s9;
	[sflag:s23] =	ssyncadd.s32 $0xFFFFE000  }
0x4f: {  	[spmem:s2] =	stream.indirect.scatter.add.f32 [tilespmem:s15], [sflag:$0x5], $0x80, s10, s14, $0xb8;
	[tilespmem:$0x1E800] =	vst v63  }
0x50: {  	_ =	swait.ge [sflag:s24], $0x2000  }
0x51: {  	[sflag:s24] =	ssyncset.done $0x0  }
0x52: {  	s10 =	sadd.s32 $0x1440, s9;
	[sflag:s24] =	ssyncadd.s32 $0xFFFFE000  }
0x53: {  	[spmem:s2] =	stream.indirect.scatter.add.f32 [tilespmem:s16], [sflag:$0x6], $0x80, s10, s14, $0xb8;
	[tilespmem:$0x1E800] =	vst v63  }
0x54: {  	_ =	swait.ge [sflag:s25], $0x2000  }
0x55: {  	[sflag:s25] =	ssyncset.done $0x0  }
0x56: {  	s10 =	sadd.s32 $0x1480, s9;
	[sflag:s25] =	ssyncadd.s32 $0xFFFFE000  }
0x57: {  	[spmem:s2] =	stream.indirect.scatter.add.f32 [tilespmem:s18], [sflag:$0x7], $0x80, s10, s14, $0xb8;
	[tilespmem:$0x1E800] =	vst v63  }
0x58: {  	_ =	swait.ge [sflag:s26], $0x2000  }
0x59: {  	[sflag:s26] =	ssyncset.done $0x0  }
0x5a: {  	s10 =	sadd.s32 $0x14C0, s9;
	[sflag:s26] =	ssyncadd.s32 $0xFFFFE000  }
0x5b: {  	[spmem:s2] =	stream.indirect.scatter.add.f32 [tilespmem:s20], [sflag:$0x8], $0x80, s10, s14, $0xb8;
	[tilespmem:$0x1E800] =	vst v63  }
0x5c: {  	_ =	swait.ge [sflag:s28], $0x2000  }
0x5d: {  	[sflag:s28] =	ssyncset.done $0x0  }
0x5e: {  	s10 =	sadd.s32 $0x100, s9;
	[sflag:s28] =	ssyncadd.s32 $0xFFFFE000  }
0x5f: {  	[tilespmem:s15], [sflag:$0x1] =	stream.indirect.gather [hbm4b:s4+s14], $0x80, s10, s14, $0xb8;
	[tilespmem:$0x1E800] =	vst v63  }
0x60: {  	_ =	swait.ge [sflag:s29], $0x2000  }
0x61: {  	[sflag:s29] =	ssyncset.done $0x0  }
0x62: {  	s10 =	sadd.s32 $0x140, s9;
	[sflag:s29] =	ssyncadd.s32 $0xFFFFE000  }
0x63: {  	[tilespmem:s16], [sflag:$0x2] =	stream.indirect.gather [hbm4b:s4+s14], $0x80, s10, s14, $0xb8;
	[tilespmem:$0x1E800] =	vst v63  }
0x64: {  	_ =	swait.ge [sflag:s30], $0x2000  }
0x65: {  	[sflag:s30] =	ssyncset.done $0x0  }
.Ltmp0:
0x66: {  	s10 =	sadd.s32 $0x180, s9;
	[sflag:s30] =	ssyncadd.s32 $0xFFFFE000;
	(pc) =	sbr.rel @p0 .LBB2_2-.Ltmp0, $4  }
0x67: {  	[tilespmem:s18], [sflag:$0x3] =	stream.indirect.gather [hbm4b:s4+s14], $0x80, s10, s14, $0xb8;
	[tilespmem:$0x1E800] =	vst v63  }
0x68: {  	_ =	swait.ge [sflag:s31], $0x2000  }
0x69: {  	[sflag:s31] =	ssyncset.done $0x0  }
0x6a: {  	s9 =	sadd.s32 $0x1C0, s9;
	[sflag:s31] =	ssyncadd.s32 $0xFFFFE000  }
0x6b: {  	[tilespmem:s20], [sflag:$0x4] =	stream.indirect.gather [hbm4b:s4+s14], $0x80, s9, s14, $0xb8;
	[tilespmem:$0x1E800] =	vst v63  }
0x6c: {  	_ =	swait.ge [sflag:s23], $0x2000  }
0x6d: {  	[sflag:s23] =	ssyncset.done $0x0  }
0x6e: {  	[sflag:s23] =	ssyncadd.s32 $0xFFFFE000  }
0x6f: {  	[spmem:s2] =	stream.indirect.scatter.add.f32 [tilespmem:s15], [sflag:$0x5], $0x80, s0, s14, $0xb8;
	[tilespmem:$0x1E800] =	vst v63  }
0x70: {  	_ =	swait.ge [sflag:s24], $0x2000  }
0x71: {  	[sflag:s24] =	ssyncset.done $0x0  }
0x72: {  	[sflag:s24] =	ssyncadd.s32 $0xFFFFE000  }
0x73: {  	[spmem:s2] =	stream.indirect.scatter.add.f32 [tilespmem:s16], [sflag:$0x6], $0x80, s1, s14, $0xb8;
	[tilespmem:$0x1E800] =	vst v63  }
0x74: {  	_ =	swait.ge [sflag:s25], $0x2000  }
0x75: {  	[sflag:s25] =	ssyncset.done $0x0  }
0x76: {  	[sflag:s25] =	ssyncadd.s32 $0xFFFFE000  }
0x77: {  	[spmem:s2] =	stream.indirect.scatter.add.f32 [tilespmem:s18], [sflag:$0x7], $0x80, s6, s14, $0xb8;
	[tilespmem:$0x1E800] =	vst v63  }
0x78: {  	_ =	swait.ge [sflag:s26], $0x2000  }
0x79: {  	[sflag:s26] =	ssyncset.done $0x0  }
0x7a: {  	[sflag:s26] =	ssyncadd.s32 $0xFFFFE000  }
0x7b: {  	[spmem:s2] =	stream.indirect.scatter.add.f32 [tilespmem:s20], [sflag:$0x8], $0x80, s7, s14, $0xb8;
	[tilespmem:$0x1E800] =	vst v63  }
0x7c: {  	_ =	swait.ge [sflag:s28], $0x2000  }
0x7d: {  	[sflag:s28] =	ssyncset.done $0x0  }
0x7e: {  	[sflag:s28] =	ssyncadd.s32 $0xFFFFE000  }
0x7f: {  	_ =	swait.ge [sflag:s29], $0x2000  }
0x80: {  	[sflag:s29] =	ssyncset.done $0x0  }
0x81: {  	[sflag:s29] =	ssyncadd.s32 $0xFFFFE000  }
0x82: {  	_ =	swait.ge [sflag:s30], $0x2000  }
0x83: {  	[sflag:s30] =	ssyncset.done $0x0  }
0x84: {  	[sflag:s30] =	ssyncadd.s32 $0xFFFFE000  }
0x85: {  	_ =	swait.ge [sflag:s31], $0x2000  }
0x86: {  	[sflag:s31] =	ssyncset.done $0x0  }
0x87: {  	s8 =	simm.s32 $0x0;
	s10 =	rddreg [dreg:$0x6];
	[sflag:s31] =	ssyncadd.s32 $0xFFFFE000  }
0x88: {  	[tilespmem:s8], [sflag:$0x9] =	stream.linear.gather [hbm4b:s10+s8], $0x1400, $0x38;
	[tilespmem:$0x1E800] =	vst v63  }
0x89: {  	_ =	swait.ge [sflag:s12], $0x1400  }
0x8a: {  	[sflag:s12] =	ssyncset.done $0x0  }
0x8b: {  	s10 =	simm.s32 $0x1400;
	s9 =	rddreg [dreg:$0x7];
	[sflag:s12] =	ssyncadd.s32 $0xFFFFEC00  }
0x8c: {  	[tilespmem:s10], [sflag:$0x9] =	stream.linear.gather [hbm4b:s9+s8], $0x1400, $0x38;
	[tilespmem:$0x1E800] =	vst v63  }
0x8d: {  	_ =	swait.ge [sflag:s12], $0x1400  }
0x8e: {  	[sflag:s12] =	ssyncset.done $0x0  }
0x8f: {  	[sflag:s12] =	ssyncadd.s32 $0xFFFFEC00  }
0x90: {  	[tilespmem:s15], [sflag:$0x1] =	stream.indirect.gather [hbm4b:s4+s14], $0x80, s8, s14, $0xb8;
	[tilespmem:$0x1E800] =	vst v63  }
0x91: {  	_ = 	snop  }
0x92: {  	[tilespmem:s16], [sflag:$0x2] =	stream.indirect.gather [hbm4b:s4+s14], $0x80, s14, s14, $0xb8;
	[tilespmem:$0x1E800] =	vst v63  }
0x93: {  	_ = 	snop  }
0x94: {  	[tilespmem:s18], [sflag:$0x3] =	stream.indirect.gather [hbm4b:s4+s14], $0x80, s17, s14, $0xb8;
	[tilespmem:$0x1E800] =	vst v63  }
0x95: {  	_ = 	snop  }
0x96: {  	[tilespmem:s20], [sflag:$0x4] =	stream.indirect.gather [hbm4b:s4+s14], $0x80, s19, s14, $0xb8;
	[tilespmem:$0x1E800] =	vst v63  }
0x97: {  	_ =	swait.ge [sflag:s23], $0x2000  }
0x98: {  	[sflag:s23] =	ssyncset.done $0x0  }
0x99: {  	s10 =	simm.s32 $0x1400;
	[sflag:s23] =	ssyncadd.s32 $0xFFFFE000  }
0x9a: {  	[spmem:s2] =	stream.indirect.scatter.add.f32 [tilespmem:s15], [sflag:$0x5], $0x80, s10, s14, $0xb8;
	[tilespmem:$0x1E800] =	vst v63  }
0x9b: {  	_ =	swait.ge [sflag:s24], $0x2000  }
0x9c: {  	[sflag:s24] =	ssyncset.done $0x0  }
0x9d: {  	s9 =	simm.s32 $0x1440;
	[sflag:s24] =	ssyncadd.s32 $0xFFFFE000  }
0x9e: {  	[spmem:s2] =	stream.indirect.scatter.add.f32 [tilespmem:s16], [sflag:$0x6], $0x80, s9, s14, $0xb8;
	[tilespmem:$0x1E800] =	vst v63  }
0x9f: {  	_ =	swait.ge [sflag:s25], $0x2000  }
0xa0: {  	[sflag:s25] =	ssyncset.done $0x0  }
0xa1: {  	s10 =	simm.s32 $0x1480;
	[sflag:s25] =	ssyncadd.s32 $0xFFFFE000  }
0xa2: {  	[spmem:s2] =	stream.indirect.scatter.add.f32 [tilespmem:s18], [sflag:$0x7], $0x80, s10, s14, $0xb8;
	[tilespmem:$0x1E800] =	vst v63  }
0xa3: {  	_ =	swait.ge [sflag:s26], $0x2000  }
0xa4: {  	[sflag:s26] =	ssyncset.done $0x0  }
0xa5: {  	s9 =	simm.s32 $0x14C0;
	[sflag:s26] =	ssyncadd.s32 $0xFFFFE000  }
0xa6: {  	[spmem:s2] =	stream.indirect.scatter.add.f32 [tilespmem:s20], [sflag:$0x8], $0x80, s9, s14, $0xb8;
	[tilespmem:$0x1E800] =	vst v63  }
0xa7: {  	_ =	swait.ge [sflag:s28], $0x2000  }
0xa8: {  	[sflag:s28] =	ssyncset.done $0x0  }
0xa9: {  	s10 =	simm.s32 $0x100;
	[sflag:s28] =	ssyncadd.s32 $0xFFFFE000  }
0xaa: {  	[tilespmem:s15], [sflag:$0x1] =	stream.indirect.gather [hbm4b:s4+s14], $0x80, s10, s14, $0xb8;
	[tilespmem:$0x1E800] =	vst v63  }
0xab: {  	_ =	swait.ge [sflag:s29], $0x2000  }
0xac: {  	[sflag:s29] =	ssyncset.done $0x0  }
0xad: {  	s9 =	simm.s32 $0x140;
	[sflag:s29] =	ssyncadd.s32 $0xFFFFE000  }
0xae: {  	[tilespmem:s16], [sflag:$0x2] =	stream.indirect.gather [hbm4b:s4+s14], $0x80, s9, s14, $0xb8;
	[tilespmem:$0x1E800] =	vst v63  }
0xaf: {  	_ =	swait.ge [sflag:s30], $0x2000  }
0xb0: {  	[sflag:s30] =	ssyncset.done $0x0  }
0xb1: {  	s10 =	simm.s32 $0x180;
	[sflag:s30] =	ssyncadd.s32 $0xFFFFE000  }
0xb2: {  	[tilespmem:s18], [sflag:$0x3] =	stream.indirect.gather [hbm4b:s4+s14], $0x80, s10, s14, $0xb8;
	[tilespmem:$0x1E800] =	vst v63  }
0xb3: {  	_ =	swait.ge [sflag:s31], $0x2000  }
0xb4: {  	[sflag:s31] =	ssyncset.done $0x0  }
0xb5: {  	s8 =	simm.s32 $0x400;
	s9 =	simm.s32 $0x1C0;
	[sflag:s31] =	ssyncadd.s32 $0xFFFFE000  }
.LBB2_4:
0xb6: {  	[tilespmem:s20], [sflag:$0x4] =	stream.indirect.gather [hbm4b:s4+s14], $0x80, s9, s14, $0xb8;
	[tilespmem:$0x1E800] =	vst v63  }
0xb7: {  	s9 =	smov.u32 s8  }
0xb8: {  	p0 =	sne.s32 s8, $0x4800;
	s8 =	sadd.s32 $0x400, s8;
	_ =	swait.ge [sflag:s23], $0x2000  }
0xb9: {  	s9 =	sshra.s32 s9, $0x2;
	[sflag:s23] =	ssyncset.done $0x0  }
0xba: {  	s10 =	sadd.s32 $0x1400, s9;
	[sflag:s23] =	ssyncadd.s32 $0xFFFFE000  }
0xbb: {  	[spmem:s2] =	stream.indirect.scatter.add.f32 [tilespmem:s15], [sflag:$0x5], $0x80, s10, s14, $0xb8;
	[tilespmem:$0x1E800] =	vst v63  }
0xbc: {  	_ =	swait.ge [sflag:s24], $0x2000  }
0xbd: {  	[sflag:s24] =	ssyncset.done $0x0  }
0xbe: {  	s10 =	sadd.s32 $0x1440, s9;
	[sflag:s24] =	ssyncadd.s32 $0xFFFFE000  }
0xbf: {  	[spmem:s2] =	stream.indirect.scatter.add.f32 [tilespmem:s16], [sflag:$0x6], $0x80, s10, s14, $0xb8;
	[tilespmem:$0x1E800] =	vst v63  }
0xc0: {  	_ =	swait.ge [sflag:s25], $0x2000  }
0xc1: {  	[sflag:s25] =	ssyncset.done $0x0  }
0xc2: {  	s10 =	sadd.s32 $0x1480, s9;
	[sflag:s25] =	ssyncadd.s32 $0xFFFFE000  }
0xc3: {  	[spmem:s2] =	stream.indirect.scatter.add.f32 [tilespmem:s18], [sflag:$0x7], $0x80, s10, s14, $0xb8;
	[tilespmem:$0x1E800] =	vst v63  }
0xc4: {  	_ =	swait.ge [sflag:s26], $0x2000  }
0xc5: {  	[sflag:s26] =	ssyncset.done $0x0  }
0xc6: {  	s10 =	sadd.s32 $0x14C0, s9;
	[sflag:s26] =	ssyncadd.s32 $0xFFFFE000  }
0xc7: {  	[spmem:s2] =	stream.indirect.scatter.add.f32 [tilespmem:s20], [sflag:$0x8], $0x80, s10, s14, $0xb8;
	[tilespmem:$0x1E800] =	vst v63  }
0xc8: {  	_ =	swait.ge [sflag:s28], $0x2000  }
0xc9: {  	[sflag:s28] =	ssyncset.done $0x0  }
0xca: {  	s10 =	sadd.s32 $0x100, s9;
	[sflag:s28] =	ssyncadd.s32 $0xFFFFE000  }
0xcb: {  	[tilespmem:s15], [sflag:$0x1] =	stream.indirect.gather [hbm4b:s4+s14], $0x80, s10, s14, $0xb8;
	[tilespmem:$0x1E800] =	vst v63  }
0xcc: {  	_ =	swait.ge [sflag:s29], $0x2000  }
0xcd: {  	[sflag:s29] =	ssyncset.done $0x0  }
0xce: {  	s10 =	sadd.s32 $0x140, s9;
	[sflag:s29] =	ssyncadd.s32 $0xFFFFE000  }
0xcf: {  	[tilespmem:s16], [sflag:$0x2] =	stream.indirect.gather [hbm4b:s4+s14], $0x80, s10, s14, $0xb8;
	[tilespmem:$0x1E800] =	vst v63  }
0xd0: {  	_ =	swait.ge [sflag:s30], $0x2000  }
0xd1: {  	[sflag:s30] =	ssyncset.done $0x0  }
.Ltmp1:
0xd2: {  	s10 =	sadd.s32 $0x180, s9;
	[sflag:s30] =	ssyncadd.s32 $0xFFFFE000;
	(pc) =	sbr.rel @p0 .LBB2_4-.Ltmp1, $4  }
0xd3: {  	[tilespmem:s18], [sflag:$0x3] =	stream.indirect.gather [hbm4b:s4+s14], $0x80, s10, s14, $0xb8;
	[tilespmem:$0x1E800] =	vst v63  }
0xd4: {  	_ =	swait.ge [sflag:s31], $0x2000  }
0xd5: {  	[sflag:s31] =	ssyncset.done $0x0  }
0xd6: {  	s9 =	sadd.s32 $0x1C0, s9;
	[sflag:s31] =	ssyncadd.s32 $0xFFFFE000  }
0xd7: {  	[tilespmem:s20], [sflag:$0x4] =	stream.indirect.gather [hbm4b:s4+s14], $0x80, s9, s14, $0xb8;
	[tilespmem:$0x1E800] =	vst v63  }
0xd8: {  	_ =	swait.ge [sflag:s23], $0x2000  }
0xd9: {  	[sflag:s23] =	ssyncset.done $0x0  }
0xda: {  	[sflag:s23] =	ssyncadd.s32 $0xFFFFE000  }
0xdb: {  	[spmem:s2] =	stream.indirect.scatter.add.f32 [tilespmem:s15], [sflag:$0x5], $0x80, s0, s14, $0xb8;
	[tilespmem:$0x1E800] =	vst v63  }
0xdc: {  	_ =	swait.ge [sflag:s24], $0x2000  }
0xdd: {  	[sflag:s24] =	ssyncset.done $0x0  }
0xde: {  	[sflag:s24] =	ssyncadd.s32 $0xFFFFE000  }
0xdf: {  	[spmem:s2] =	stream.indirect.scatter.add.f32 [tilespmem:s16], [sflag:$0x6], $0x80, s1, s14, $0xb8;
	[tilespmem:$0x1E800] =	vst v63  }
0xe0: {  	_ =	swait.ge [sflag:s25], $0x2000  }
0xe1: {  	[sflag:s25] =	ssyncset.done $0x0  }
0xe2: {  	[sflag:s25] =	ssyncadd.s32 $0xFFFFE000  }
0xe3: {  	[spmem:s2] =	stream.indirect.scatter.add.f32 [tilespmem:s18], [sflag:$0x7], $0x80, s6, s14, $0xb8;
	[tilespmem:$0x1E800] =	vst v63  }
0xe4: {  	_ =	swait.ge [sflag:s26], $0x2000  }
0xe5: {  	[sflag:s26] =	ssyncset.done $0x0  }
0xe6: {  	[sflag:s26] =	ssyncadd.s32 $0xFFFFE000  }
0xe7: {  	[spmem:s2] =	stream.indirect.scatter.add.f32 [tilespmem:s20], [sflag:$0x8], $0x80, s7, s14, $0xb8;
	[tilespmem:$0x1E800] =	vst v63  }
0xe8: {  	_ =	swait.ge [sflag:s28], $0x2000  }
0xe9: {  	[sflag:s28] =	ssyncset.done $0x0  }
0xea: {  	[sflag:s28] =	ssyncadd.s32 $0xFFFFE000  }
0xeb: {  	_ =	swait.ge [sflag:s29], $0x2000  }
0xec: {  	[sflag:s29] =	ssyncset.done $0x0  }
0xed: {  	[sflag:s29] =	ssyncadd.s32 $0xFFFFE000  }
0xee: {  	_ =	swait.ge [sflag:s30], $0x2000  }
0xef: {  	[sflag:s30] =	ssyncset.done $0x0  }
0xf0: {  	[sflag:s30] =	ssyncadd.s32 $0xFFFFE000  }
0xf1: {  	_ =	swait.ge [sflag:s31], $0x2000  }
0xf2: {  	[sflag:s31] =	ssyncset.done $0x0  }
0xf3: {  	s13 =	sadd.s32 $0x1, s13;
	[sflag:s31] =	ssyncadd.s32 $0xFFFFE000  }
0xf4: {  	p0 =	sne.s32 s13, s11;
	[bflag:$0x0] =	sbarrier.arrive $0xFFFF  }
.Ltmp2:
0xf5: {  	s8 =	rddreg [dreg:$0x8];
	(pc) =	sbr.rel @p0 .LBB2_1-.Ltmp2, $4  }
0xf6: {  	[hbm:s8], [sflag:s21] =	dma.local [spmem:s22], $0x2800  }
0xf7: {  	_ =	swait.ge [sflag:s12], $0x2800  }
0xf8: {  	[sflag:s12] =	ssyncset.done $0x0  }
0xf9: {  	[sflag:s12] =	ssyncadd.s32 $0xFFFFD800  }
0xfa: {  	_ =	sfence.sel $0x180000  }
0xfb: {  	[bflag:$0x0] =	sbarrier.arrive $0xFFFF  }
0xfc: {  	_ =	strace $0x9000004A  }
0xfd: {  	s0 =	stileid.u32;
	[bflag:$0x2] =	sbarrier.arrive $0xFFFF  }
0xfe: {  	p0 =	sne.s32 s0, $0x0;
	s0 =	rddreg [dreg:$0x3]  }
0xff: {  	s0 =	sadd.s32 @!p0 $0x100000, s0  }
0x100: {  	[sflag:s0] =	ssyncadd.tile.s32 @!p0 $0x1;
	_ =	shalt  }
.Lfunc_end2:
_tile_overlayer_lowered:
.L_overlay_start_2:
0x101: {  	(tag) =	ssettag $0x2  }
0x102: {  	s0 =	rddreg [dreg:$0x0];
	s2 =	stileid.u32  }
0x103: {  	s1 =	rddreg [dreg:$0x1];
	p0 =	sne.s32 s2, $0x0  }
0x104: {  	s3 =	rddreg [dreg:$0x2];
	[bflag:$0x3] =	sbarrier.arrive $0xFFFF;
	s2 =	simm.s32 @!p0 $0x1C09  }
0x105: {  	[timem:s3], [sflag:s2] =	dma.local @!p0 [hbm:s0], s1  }
0x106: {  	s0 =	simm.s32 @!p0 $0x9  }
0x107: {  	_ =	swait.ge @!p0 [sflag:s0], s1  }
0x108: {  	s1 =	ssub.s32 @!p0 $0x0, s1;
	[sflag:s0] =	ssyncset.done @!p0 $0x0  }
0x109: {  	[sflag:s0] =	ssyncadd.s32 @!p0 s1  }
0x10a: {  	[bflag:$0x3] =	sbarrier.arrive $0xFFFF  }
0x10b: {  	_ =	shalt  }

// kernel: kernel.14.cloned.1.call-start
scs
__scs_entry_jumppad:
0x0: {  	(pc) =	sbr.rel $0x88, $3  }
0x1: {  	(tag) =	ssettag $0x0;
	lr =	simm.s32 $0x1  }
0x2: {  	[smem:$0x3F9A] =	sst lr;
	_ =	strace $0xD0000000  }
0x3: {  	_ = 	snop  }
0x4: {  	_ = 	snop  }
0x5: {  	_ = 	snop  }
0x6: {  	_ = 	snop  }
0x7: {  	_ = 	snop  }
__scs_overlays_trampoline_lowered:
0x8: {  	[smem:$0x3FA9] =	sst s0  }
0x9: {  	[smem:$0x3FAA] =	sst s1  }
0xa: {  	[smem:$0x3FAB] =	sst s2  }
0xb: {  	[smem:$0x3FAC] =	sst s3  }
0xc: {  	[smem:$0x3FAD] =	sst s4  }
0xd: {  	[smem:$0x3FAE] =	sst s5  }
0xe: {  	[smem:$0x3FAF] =	sst s6  }
0xf: {  	[smem:$0x3FB0] =	sst s7  }
0x10: {  	[smem:$0x3FB1] =	sst s8  }
0x11: {  	[smem:$0x3FB2] =	sst s9;
	s0 =	simm.s32 @!p0 $0x0  }
0x12: {  	s1 =	sld [smem:$0x3F98];
	s0 =	simm.s32 @p0 $0x1  }
0x13: {  	[smem:$0x3FB3] =	sst s0;
	s0 =	simm.s32 @!p1 $0x0  }
0x14: {  	s2 =	sld [smem:$0x3F97];
	s0 =	simm.s32 @p1 $0x1  }
0x15: {  	[smem:$0x3FB4] =	sst s0;
	s0 =	simm.s32 @!p2 $0x0  }
0x16: {  	s3 =	sld [smem:$0x3FDB];
	s0 =	simm.s32 @p2 $0x1  }
0x17: {  	s4 =	simm.s32 $0x1BF5;
	[smem:$0x3FB6] =	sst s0  }
0x18: {  	s0 =	sld [smem:$0x3F99];
	_ =	swait.ge [sflag:s4], $0x0  }
0x19: {  	s7 =	sld [smem:$0x3F9A]  }
0x1a: {  	s8 =	sadd.s32 $0xFFFFE003, lr  }
0x1b: {  	s9 =	sadd.s32 $0xFFFFFEF7, lr;
	s5 =	simm.s32 $0xFFFFFFFF;
	p2 =	slt.u32 s8, $0xFFFFF086  }
0x1c: {  	p1 =	slt.u32 s9, $0xF7A;
	s5 =	simm.s32 @!p2 $0x0  }
0x1d: {  	s5 =	simm.s32 @p1 $0x1;
	p0 =	seq.s32 s7, s2  }
0x1e: {  	s7 =	smul.u32 @!p0 $0xF7A, s2;
	p2 =	seq.s32 @!p0 s5, $0x0  }
0x1f: {  	s9 =	smul.u32 $0xF7A, s1;
	s8 =	simm.s32 @!p0 $0x1BF5;
	p2 =	por !p2, p0  }
0x20: {  	[sflag:s8] =	ssyncset.s32 @!p0 $0xFFFFF086;
	s6 =	sadd.s32 @!p0 s3, s7;
	s7 =	simm.s32 @!p0 $0x108  }
0x21: {  	s3 =	sadd.s32 s3, s9;
	s6 =	sadd.s32 @!p0 $0x88, s6;
	s7 =	simm.s32 @p2 $0x1082  }
0x22: {  	[simem:s7], [sflag:s8] =	dma.local @!p0 [hbm:s6], $0xF7A  }
0x23: {  	s9 =	sor.u32 $0xD0000000, s2;
	s6 =	simm.s32 $0x108;
	_ =	swait.ge @!p0 [sflag:s8], $0x0  }
0x24: {  	s3 =	sadd.s32 $0x88, s3;
	s6 =	simm.s32 @!p1 $0x1082;
	[sflag:s4] =	ssyncset.s32 $0xFFFFF086  }
0x25: {  	[simem:s6], [sflag:s4] =	dma.local [hbm:s3], $0xF7A  }
0x26: {  	[smem:$0x3F9A] =	sst s1;
	(tag) =	ssettag s2;
	_ =	strace s9  }
0x27: {  	s1 =	sld [smem:$0x3FAA]  }
0x28: {  	s2 =	sld [smem:$0x3FAB]  }
0x29: {  	s4 =	sld [smem:$0x3FAD]  }
0x2a: {  	p0 =	seq.s32 s5, $0x0;
	s5 =	sld [smem:$0x3FAE]  }
0x2b: {  	s6 =	sld [smem:$0x3FAF]  }
0x2c: {  	s7 =	sld [smem:$0x3FB0]  }
0x2d: {  	s3 =	simm.s32 $0x108;
	s8 =	sld [smem:$0x3FB1]  }
0x2e: {  	s3 =	simm.s32 @!p0 $0x1082;
	s9 =	sld [smem:$0x3FB2]  }
0x2f: {  	lr =	sadd.s32 s0, s3;
	s0 =	sld [smem:$0x3FA9]  }
0x30: {  	s3 =	sld [smem:$0x3FAC]  }
0x31: {  	[smem:$0x3FB5] =	sst s10  }
0x32: {  	s10 =	sld [smem:$0x3FB3];
	_ =	sdelay $0x3  }
0x33: {  	p0 =	seq.s32 s10, $0x1;
	s10 =	sld [smem:$0x3FB5];
	_ =	sdelay $0x3  }
0x34: {  	[smem:$0x3FB5] =	sst s10  }
0x35: {  	s10 =	sld [smem:$0x3FB4];
	_ =	sdelay $0x3  }
0x36: {  	p1 =	seq.s32 s10, $0x1;
	s10 =	sld [smem:$0x3FB5];
	_ =	sdelay $0x3  }
0x37: {  	[smem:$0x3FB5] =	sst s10  }
0x38: {  	s10 =	sld [smem:$0x3FB6]  }
0x39: {  	_ = 	snop;
	(pc) =	sbr.ind lr, $3  }
0x3a: {  	_ = 	snop  }
0x3b: {  	_ = 	snop  }
0x3c: {  	p2 =	seq.s32 s10, $0x1;
	s10 =	sld [smem:$0x3FB5]  }
0x3d: {  	_ =	shalt  }
0x3e: {  	_ =	shalt  }
0x3f: {  	_ =	shalt  }
0x40: {  	_ =	shalt  }
0x41: {  	_ =	shalt  }
0x42: {  	_ =	shalt  }
0x43: {  	_ =	shalt  }
0x44: {  	_ =	shalt  }
0x45: {  	_ =	shalt  }
0x46: {  	_ =	shalt  }
0x47: {  	_ =	shalt  }
0x48: {  	_ =	shalt  }
0x49: {  	_ =	shalt  }
0x4a: {  	_ =	shalt  }
0x4b: {  	_ =	shalt  }
0x4c: {  	_ =	shalt  }
0x4d: {  	_ =	shalt  }
0x4e: {  	_ =	shalt  }
0x4f: {  	_ =	shalt  }
0x50: {  	_ =	shalt  }
0x51: {  	_ =	shalt  }
0x52: {  	_ =	shalt  }
0x53: {  	_ =	shalt  }
0x54: {  	_ =	shalt  }
0x55: {  	_ =	shalt  }
0x56: {  	_ =	shalt  }
0x57: {  	_ =	shalt  }
0x58: {  	_ =	shalt  }
0x59: {  	_ =	shalt  }
0x5a: {  	_ =	shalt  }
0x5b: {  	_ =	shalt  }
0x5c: {  	_ =	shalt  }
0x5d: {  	_ =	shalt  }
0x5e: {  	_ =	shalt  }
0x5f: {  	_ =	shalt  }
0x60: {  	_ =	shalt  }
0x61: {  	_ =	shalt  }
0x62: {  	_ =	shalt  }
0x63: {  	_ =	shalt  }
0x64: {  	_ =	shalt  }
0x65: {  	_ =	shalt  }
0x66: {  	_ =	shalt  }
0x67: {  	_ =	shalt  }
0x68: {  	_ =	shalt  }
0x69: {  	_ =	shalt  }
0x6a: {  	_ =	shalt  }
0x6b: {  	_ =	shalt  }
0x6c: {  	_ =	shalt  }
0x6d: {  	_ =	shalt  }
0x6e: {  	_ =	shalt  }
0x6f: {  	_ =	shalt  }
0x70: {  	_ =	shalt  }
0x71: {  	_ =	shalt  }
0x72: {  	_ =	shalt  }
0x73: {  	_ =	shalt  }
0x74: {  	_ =	shalt  }
0x75: {  	_ =	shalt  }
0x76: {  	_ =	shalt  }
0x77: {  	_ =	shalt  }
0x78: {  	_ =	shalt  }
0x79: {  	_ =	shalt  }
0x7a: {  	_ =	shalt  }
0x7b: {  	_ =	shalt  }
0x7c: {  	_ =	shalt  }
0x7d: {  	_ =	shalt  }
0x7e: {  	_ =	shalt  }
0x7f: {  	_ =	shalt  }
0x80: {  	_ =	shalt  }
0x81: {  	_ =	shalt  }
0x82: {  	_ =	shalt  }
0x83: {  	_ =	shalt  }
0x84: {  	_ =	shalt  }
0x85: {  	_ =	shalt  }
0x86: {  	_ =	shalt  }
0x87: {  	_ =	shalt  }
.Lfunc_end0:
.L_simem_size_0:
called_computation.2_lowered:
.L_overlay_start_0:
0x88: {  	s2 =	sld [smem:$0x3FD9]  }
0x89: {  	s3 =	sld [smem:$0x3FFE];
	_ =	sdelay $0x1  }
0x8a: {  	s1 =	srdreg.scid  }
0x8b: {  	s0 =	sand.u32 $0x1, s1  }
0x8c: {  	s17 =	sshll.u32 s0, $0xA;
	s2 =	sadd.s32 s3, s2  }
0x8d: {  	s2 =	sadd.s32 s2, s17  }
0x8e: {  	[smem:$0x3FC1] =	sst s2  }
0x8f: {  	_ = 	snop  }
0x90: {  	s2 =	sld [smem:$0x3FD0];
	(tm) =	ssettm $0x1  }
0x91: {  	s18 =	sld [smem:$0x3FFB];
	_ =	sdelay $0x3  }
0x92: {  	_ =	strace s18  }
0x93: {  	s3 =	sld [smem:$0x3FFC];
	_ =	sdelay $0x3  }
0x94: {  	_ =	strace s3  }
0x95: {  	s3 =	sld [smem:$0x3FFD];
	_ =	sdelay $0x3  }
0x96: {  	_ =	strace s3  }
0x97: {  	_ =	strace $0x8FFFFFFF  }
0x98: {  	s19 =	sld [smem:$0x3FDB];
	_ =	sdelay $0x1  }
0x99: {  	s4 =	simm.s32 $_scs_section_size  }
0x9a: {  	s5 =	simm.s32 $_size__tile_overlayer_lowered;
	s6 =	simm.s32 $_tile_overlayer_lowered  }
0x9b: {  	s22 =	simm.s32 $0x1BFF;
	s21 =	sshll.u32 s6, $0x1;
	s3 =	sadd.s32 s4, s19  }
0x9c: {  	s7 =	simm.s32 $0x0;
	s20 =	sshll.u32 s5, $0x1;
	s5 =	sadd.s32 s21, s3  }
0x9d: {  	[timem:s7], [sflag:s22] =	dma.local [hbm:s5], s20  }
0x9e: {  	_ =	swait.ge [sflag:s22], s20  }
0x9f: {  	s4 =	ssub.s32 $0x0, s20;
	[sflag:s22] =	ssyncset.done $0x0  }
0xa0: {  	[sflag:s22] =	ssyncadd.s32 s4;
	_ =	sdelay $0x1  }
0xa1: {  	s23 =	simm.s32 $0x1B8B  }
0xa2: {  	_ =	swait.ge [sflag:s23], $0x1  }
0xa3: {  	[sflag:s23] =	ssyncset.done $0x0  }
0xa4: {  	s25 =	simm.s32 $0x1B8E;
	s24 =	sld [smem:$0x3FFE];
	[sflag:s23] =	ssyncadd.s32 $0xFFFFFFFF  }
0xa5: {  	s26 =	simm.s32 $execute0_lowered;
	[smem:$0x3FD2] =	sst s25  }
0xa6: {  	s5 =	sshll.u32 s26, $0x1;
	_ =	strace $0x8000004C;
	[dreg:$0x1] =	wrdreg $0xFFFFFFFF  }
0xa7: {  	s28 =	simm.s32 $_size_execute0_lowered;
	s3 =	sadd.s32 s3, s5;
	[dreg:$0x0] =	wrdreg $0x0  }
0xa8: {  	s5 =	sshll.u32 s28, $0x1;
	[dreg:$0x2] =	wrdreg s3  }
0xa9: {  	[dreg:$0x3] =	wrdreg s5  }
0xaa: {  	[dreg:$0x4] =	wrdreg $0xC0  }
0xab: {  	_ =	task [dreg:s7], $0x5FFFF  }
0xac: {  	[dreg:$0x1] =	wrdreg $0xFFFFFFFF  }
0xad: {  	[dreg:$0x0] =	wrdreg $0x60  }
0xae: {  	[dreg:$0x2] =	wrdreg s24  }
0xaf: {  	[dreg:$0x3] =	wrdreg s2  }
0xb0: {  	[dreg:$0x4] =	wrdreg $0xA8000  }
0xb1: {  	[dreg:$0x5] =	wrdreg $0x9  }
0xb2: {  	_ =	task.clear_ibuf [dreg:s7], $0x6FFFF;
	_ =	strace $0x9000004C  }
0xb3: {  	s29 =	simm.s32 $0x9;
	_ =	strace $0x8000004E  }
0xb4: {  	_ =	swait.ge [sflag:s29], $0x1  }
0xb5: {  	[sflag:s29] =	ssyncadd.s32 $0xFFFFFFFF  }
0xb6: {  	_ =	strace $0x9000004E  }
0xb7: {  	_ =	sfence  }
0xb8: {  	s30 =	sld [smem:$0x0];
	_ =	sdelay $0x2  }
0xb9: {  	s31 =	sshll.u32 s1, $0xD;
	s1 =	sshrl.u32 s1, $0x2  }
0xba: {  	s3 =	sand.u32 $0x4000, s31;
	s1 =	sadd.s32 s1, s30  }
0xbb: {  	s0 =	sor.u32 s3, s0;
	s1 =	sshll.u32 s1, $0x11  }
0xbc: {  	s0 =	sor.u32 s1, s0  }
0xbd: {  	s0 =	sadd.s32 $0x8F2B, s0  }
0xbe: {  	[sflag:s0] =	ssyncadd.remote.s32 $0x1  }
0xbf: {  	_ =	sfence.sel $0xFFFF  }
0xc0: {  	[dreg:$0x0] =	wrdreg $0xFFFFFFFF;
	(pc) =	sbr.abs _section_cstart, $3  }
0xc1: {  	[dreg:$0x1] =	wrdreg $0xFFFFFFFF  }
0xc2: {  	_ =	task.clear_ibuf [dreg:s7], $0x2FFFF;
	_ =	strace $0x9FFFFFFF  }
0xc3: {  	(tm) =	ssettm $0x7FFFFFFF  }
tec
execute0_lowered:
.L_overlay_start_1:
0x0: {  	(tag) =	ssettag $0x1  }
0x1: {  	s0 =	rddreg [dreg:$0x0]  }
0x2: {  	s1 =	rddreg [dreg:$0x1]  }
0x3: {  	s2 =	rddreg [dreg:$0x2];
	s3 =	simm.s32 $0x0  }
0x4: {  	s13 =	stileid.u32;
	s4 =	srdreg.scid;
	s12 =	simm.s32 $0x9  }
0x5: {  	s14 =	simm.s32 $0x40;
	s15 =	simm.s32 $0x2800;
	s16 =	simm.s32 $0x4800  }
0x6: {  	s17 =	simm.s32 $0x80;
	s28 =	simm.s32 $0x5;
	s29 =	simm.s32 $0x6  }
0x7: {  	s30 =	simm.s32 $0x7;
	s31 =	simm.s32 $0x8;
	s6 =	smul.u32 $0x14000, s13  }
0x8: {  	s5 =	sand.u32 $0x1, s4;
	s18 =	sshll.u32 s13, $0x1;
	[smem:$0x7FF] =	sst s3  }
0x9: {  	s26 =	sshll.u32 s13, $0x6;
	s13 =	simm.s32 $0x0;
	s7 =	smul.u32 $0x140000, s5  }
0xa: {  	s4 =	sor.u32 s5, s18;
	_ =	strace $0x8000004D;
	s10 =	ssub.s32 $0x2, s5  }
0xb: {  	s18 =	simm.s32 $0x6800;
	s8 =	sshrl.u32 s6, $0x3;
	s9 =	smul.u32 $0x2800, s4  }
0xc: {  	s4 =	sadd.s32 $0x2400, s0;
	s20 =	sshrl.u32 s10, $0x1;
	s8 =	sadd.s32 s8, s0  }
0xd: {  	s7 =	sadd.s32 s6, s7;
	s21 =	ssub.s32 s10, s20;
	s6 =	sadd.s32 s6, s2  }
0xe: {  	s20 =	simm.s32 $0x8800;
	s7 =	sshrl.u32 s7, $0x3;
	s19 =	sshrl.u32 s9, $0x3  }
0xf: {  	s23 =	sadd.s32 $0x54600, s8;
	s11 =	smax.u32 s21, $0x1;
	s21 =	sor.u32 $0x1C09, s26  }
0x10: {  	s26 =	simm.s32 $0x4;
	s0 =	sadd.s32 s7, s0;
	s5 =	sadd.s32 s1, s19  }
0x11: {  	[dreg:$0x5] =	wrdreg s23;
	s19 =	simm.s32 $0xC0;
	s22 =	sadd.s32 $0xA000, s5  }
0x12: {  	s23 =	simm.s32 $0x1;
	s24 =	sadd.s32 $0x280, s5;
	[dreg:$0x4] =	wrdreg s22  }
0x13: {  	s1 =	simm.s32 $0x2740;
	s25 =	sadd.s32 $0xA280, s5;
	[dreg:$0x6] =	wrdreg s24  }
0x14: {  	s7 =	simm.s32 $0x27C0;
	s0 =	sadd.s32 $0x7C600, s0;
	[dreg:$0x7] =	wrdreg s25  }
0x15: {  	[dreg:$0x8] =	wrdreg s0;
	s22 =	sshrl.u32 s6, $0x3;
	s24 =	simm.s32 $0x2  }
0x16: {  	s25 =	simm.s32 $0x3;
	s0 =	simm.s32 $0x2700;
	s6 =	simm.s32 $0x2780  }
.LBB2_1:
0x17: {  	[tilespmem:s3], [sflag:$0x9] =	stream.linear.gather [hbm4b:s5+s3], $0x1400, $0x38;
	[tilespmem:$0x1E800] =	vst v63  }
0x18: {  	_ =	swait.ge [sflag:s12], $0x1400  }
0x19: {  	[sflag:s12] =	ssyncset.done $0x0  }
0x1a: {  	s9 =	simm.s32 $0x1400;
	s8 =	rddreg [dreg:$0x4];
	[sflag:s12] =	ssyncadd.s32 $0xFFFFEC00  }
0x1b: {  	[tilespmem:s9], [sflag:$0x9] =	stream.linear.gather [hbm4b:s8+s3], $0x1400, $0x38;
	[tilespmem:$0x1E800] =	vst v63  }
0x1c: {  	_ =	swait.ge [sflag:s12], $0x1400  }
0x1d: {  	[sflag:s12] =	ssyncset.done $0x0  }
0x1e: {  	[sflag:s12] =	ssyncadd.s32 $0xFFFFEC00  }
0x1f: {  	[tilespmem:s15], [sflag:$0x1] =	stream.indirect.gather [hbm4b:s4+s14], $0x80, s3, s14, $0xb8;
	[tilespmem:$0x1E800] =	vst v63  }
0x20: {  	_ = 	snop  }
0x21: {  	[tilespmem:s16], [sflag:$0x2] =	stream.indirect.gather [hbm4b:s4+s14], $0x80, s14, s14, $0xb8;
	[tilespmem:$0x1E800] =	vst v63  }
0x22: {  	_ = 	snop  }
0x23: {  	[tilespmem:s18], [sflag:$0x3] =	stream.indirect.gather [hbm4b:s4+s14], $0x80, s17, s14, $0xb8;
	[tilespmem:$0x1E800] =	vst v63  }
0x24: {  	s9 =	rddreg [dreg:$0x5]  }
0x25: {  	[tilespmem:s20], [sflag:$0x4] =	stream.indirect.gather [hbm4b:s4+s14], $0x80, s19, s14, $0xb8;
	[tilespmem:$0x1E800] =	vst v63  }
0x26: {  	[spmem:s22], [sflag:s21] =	dma.local [hbm:s9], $0x2800  }
0x27: {  	_ =	swait.ge [sflag:s12], $0x2800  }
0x28: {  	[sflag:s12] =	ssyncset.done $0x0  }
0x29: {  	[sflag:s12] =	ssyncadd.s32 $0xFFFFD800  }
0x2a: {  	[bflag:$0x0] =	sbarrier.arrive $0xFFFF  }
0x2b: {  	_ =	swait.ge [sflag:s23], $0x2000  }
0x2c: {  	[sflag:s23] =	ssyncset.done $0x0  }
0x2d: {  	s10 =	simm.s32 $0x1400;
	[sflag:s23] =	ssyncadd.s32 $0xFFFFE000  }
0x2e: {  	[spmem:s2] =	stream.indirect.scatter.add.f32 [tilespmem:s15], [sflag:$0x5], $0x80, s10, s14, $0xb8;
	[tilespmem:$0x1E800] =	vst v63  }
0x2f: {  	_ =	swait.ge [sflag:s24], $0x2000  }
0x30: {  	[sflag:s24] =	ssyncset.done $0x0  }
0x31: {  	s9 =	simm.s32 $0x1440;
	[sflag:s24] =	ssyncadd.s32 $0xFFFFE000  }
0x32: {  	[spmem:s2] =	stream.indirect.scatter.add.f32 [tilespmem:s16], [sflag:$0x6], $0x80, s9, s14, $0xb8;
	[tilespmem:$0x1E800] =	vst v63  }
0x33: {  	_ =	swait.ge [sflag:s25], $0x2000  }
0x34: {  	[sflag:s25] =	ssyncset.done $0x0  }
0x35: {  	s10 =	simm.s32 $0x1480;
	[sflag:s25] =	ssyncadd.s32 $0xFFFFE000  }
0x36: {  	[spmem:s2] =	stream.indirect.scatter.add.f32 [tilespmem:s18], [sflag:$0x7], $0x80, s10, s14, $0xb8;
	[tilespmem:$0x1E800] =	vst v63  }
0x37: {  	_ =	swait.ge [sflag:s26], $0x2000  }
0x38: {  	[sflag:s26] =	ssyncset.done $0x0  }
0x39: {  	s9 =	simm.s32 $0x14C0;
	[sflag:s26] =	ssyncadd.s32 $0xFFFFE000  }
0x3a: {  	[spmem:s2] =	stream.indirect.scatter.add.f32 [tilespmem:s20], [sflag:$0x8], $0x80, s9, s14, $0xb8;
	[tilespmem:$0x1E800] =	vst v63  }
0x3b: {  	_ =	swait.ge [sflag:s28], $0x2000  }
0x3c: {  	[sflag:s28] =	ssyncset.done $0x0  }
0x3d: {  	s10 =	simm.s32 $0x100;
	[sflag:s28] =	ssyncadd.s32 $0xFFFFE000  }
0x3e: {  	[tilespmem:s15], [sflag:$0x1] =	stream.indirect.gather [hbm4b:s4+s14], $0x80, s10, s14, $0xb8;
	[tilespmem:$0x1E800] =	vst v63  }
0x3f: {  	_ =	swait.ge [sflag:s29], $0x2000  }
0x40: {  	[sflag:s29] =	ssyncset.done $0x0  }
0x41: {  	s9 =	simm.s32 $0x140;
	[sflag:s29] =	ssyncadd.s32 $0xFFFFE000  }
0x42: {  	[tilespmem:s16], [sflag:$0x2] =	stream.indirect.gather [hbm4b:s4+s14], $0x80, s9, s14, $0xb8;
	[tilespmem:$0x1E800] =	vst v63  }
0x43: {  	_ =	swait.ge [sflag:s30], $0x2000  }
0x44: {  	[sflag:s30] =	ssyncset.done $0x0  }
0x45: {  	s10 =	simm.s32 $0x180;
	[sflag:s30] =	ssyncadd.s32 $0xFFFFE000  }
0x46: {  	[tilespmem:s18], [sflag:$0x3] =	stream.indirect.gather [hbm4b:s4+s14], $0x80, s10, s14, $0xb8;
	[tilespmem:$0x1E800] =	vst v63  }
0x47: {  	_ =	swait.ge [sflag:s31], $0x2000  }
0x48: {  	[sflag:s31] =	ssyncset.done $0x0  }
0x49: {  	s8 =	simm.s32 $0x400;
	s9 =	simm.s32 $0x1C0;
	[sflag:s31] =	ssyncadd.s32 $0xFFFFE000  }
.LBB2_2:
0x4a: {  	[tilespmem:s20], [sflag:$0x4] =	stream.indirect.gather [hbm4b:s4+s14], $0x80, s9, s14, $0xb8;
	[tilespmem:$0x1E800] =	vst v63  }
0x4b: {  	s9 =	smov.u32 s8  }
0x4c: {  	p0 =	sne.s32 s8, $0x4800;
	s8 =	sadd.s32 $0x400, s8;
	_ =	swait.ge [sflag:s23], $0x2000  }
0x4d: {  	s9 =	sshra.s32 s9, $0x2;
	[sflag:s23] =	ssyncset.done $0x0  }
0x4e: {  	s10 =	sadd.s32 $0x1400, s9;
	[sflag:s23] =	ssyncadd.s32 $0xFFFFE000  }
0x4f: {  	[spmem:s2] =	stream.indirect.scatter.add.f32 [tilespmem:s15], [sflag:$0x5], $0x80, s10, s14, $0xb8;
	[tilespmem:$0x1E800] =	vst v63  }
0x50: {  	_ =	swait.ge [sflag:s24], $0x2000  }
0x51: {  	[sflag:s24] =	ssyncset.done $0x0  }
0x52: {  	s10 =	sadd.s32 $0x1440, s9;
	[sflag:s24] =	ssyncadd.s32 $0xFFFFE000  }
0x53: {  	[spmem:s2] =	stream.indirect.scatter.add.f32 [tilespmem:s16], [sflag:$0x6], $0x80, s10, s14, $0xb8;
	[tilespmem:$0x1E800] =	vst v63  }
0x54: {  	_ =	swait.ge [sflag:s25], $0x2000  }
0x55: {  	[sflag:s25] =	ssyncset.done $0x0  }
0x56: {  	s10 =	sadd.s32 $0x1480, s9;
	[sflag:s25] =	ssyncadd.s32 $0xFFFFE000  }
0x57: {  	[spmem:s2] =	stream.indirect.scatter.add.f32 [tilespmem:s18], [sflag:$0x7], $0x80, s10, s14, $0xb8;
	[tilespmem:$0x1E800] =	vst v63  }
0x58: {  	_ =	swait.ge [sflag:s26], $0x2000  }
0x59: {  	[sflag:s26] =	ssyncset.done $0x0  }
0x5a: {  	s10 =	sadd.s32 $0x14C0, s9;
	[sflag:s26] =	ssyncadd.s32 $0xFFFFE000  }
0x5b: {  	[spmem:s2] =	stream.indirect.scatter.add.f32 [tilespmem:s20], [sflag:$0x8], $0x80, s10, s14, $0xb8;
	[tilespmem:$0x1E800] =	vst v63  }
0x5c: {  	_ =	swait.ge [sflag:s28], $0x2000  }
0x5d: {  	[sflag:s28] =	ssyncset.done $0x0  }
0x5e: {  	s10 =	sadd.s32 $0x100, s9;
	[sflag:s28] =	ssyncadd.s32 $0xFFFFE000  }
0x5f: {  	[tilespmem:s15], [sflag:$0x1] =	stream.indirect.gather [hbm4b:s4+s14], $0x80, s10, s14, $0xb8;
	[tilespmem:$0x1E800] =	vst v63  }
0x60: {  	_ =	swait.ge [sflag:s29], $0x2000  }
0x61: {  	[sflag:s29] =	ssyncset.done $0x0  }
0x62: {  	s10 =	sadd.s32 $0x140, s9;
	[sflag:s29] =	ssyncadd.s32 $0xFFFFE000  }
0x63: {  	[tilespmem:s16], [sflag:$0x2] =	stream.indirect.gather [hbm4b:s4+s14], $0x80, s10, s14, $0xb8;
	[tilespmem:$0x1E800] =	vst v63  }
0x64: {  	_ =	swait.ge [sflag:s30], $0x2000  }
0x65: {  	[sflag:s30] =	ssyncset.done $0x0  }
.Ltmp0:
0x66: {  	s10 =	sadd.s32 $0x180, s9;
	[sflag:s30] =	ssyncadd.s32 $0xFFFFE000;
	(pc) =	sbr.rel @p0 .LBB2_2-.Ltmp0, $4  }
0x67: {  	[tilespmem:s18], [sflag:$0x3] =	stream.indirect.gather [hbm4b:s4+s14], $0x80, s10, s14, $0xb8;
	[tilespmem:$0x1E800] =	vst v63  }
0x68: {  	_ =	swait.ge [sflag:s31], $0x2000  }
0x69: {  	[sflag:s31] =	ssyncset.done $0x0  }
0x6a: {  	s9 =	sadd.s32 $0x1C0, s9;
	[sflag:s31] =	ssyncadd.s32 $0xFFFFE000  }
0x6b: {  	[tilespmem:s20], [sflag:$0x4] =	stream.indirect.gather [hbm4b:s4+s14], $0x80, s9, s14, $0xb8;
	[tilespmem:$0x1E800] =	vst v63  }
0x6c: {  	_ =	swait.ge [sflag:s23], $0x2000  }
0x6d: {  	[sflag:s23] =	ssyncset.done $0x0  }
0x6e: {  	[sflag:s23] =	ssyncadd.s32 $0xFFFFE000  }
0x6f: {  	[spmem:s2] =	stream.indirect.scatter.add.f32 [tilespmem:s15], [sflag:$0x5], $0x80, s0, s14, $0xb8;
	[tilespmem:$0x1E800] =	vst v63  }
0x70: {  	_ =	swait.ge [sflag:s24], $0x2000  }
0x71: {  	[sflag:s24] =	ssyncset.done $0x0  }
0x72: {  	[sflag:s24] =	ssyncadd.s32 $0xFFFFE000  }
0x73: {  	[spmem:s2] =	stream.indirect.scatter.add.f32 [tilespmem:s16], [sflag:$0x6], $0x80, s1, s14, $0xb8;
	[tilespmem:$0x1E800] =	vst v63  }
0x74: {  	_ =	swait.ge [sflag:s25], $0x2000  }
0x75: {  	[sflag:s25] =	ssyncset.done $0x0  }
0x76: {  	[sflag:s25] =	ssyncadd.s32 $0xFFFFE000  }
0x77: {  	[spmem:s2] =	stream.indirect.scatter.add.f32 [tilespmem:s18], [sflag:$0x7], $0x80, s6, s14, $0xb8;
	[tilespmem:$0x1E800] =	vst v63  }
0x78: {  	_ =	swait.ge [sflag:s26], $0x2000  }
0x79: {  	[sflag:s26] =	ssyncset.done $0x0  }
0x7a: {  	[sflag:s26] =	ssyncadd.s32 $0xFFFFE000  }
0x7b: {  	[spmem:s2] =	stream.indirect.scatter.add.f32 [tilespmem:s20], [sflag:$0x8], $0x80, s7, s14, $0xb8;
	[tilespmem:$0x1E800] =	vst v63  }
0x7c: {  	_ =	swait.ge [sflag:s28], $0x2000  }
0x7d: {  	[sflag:s28] =	ssyncset.done $0x0  }
0x7e: {  	[sflag:s28] =	ssyncadd.s32 $0xFFFFE000  }
0x7f: {  	_ =	swait.ge [sflag:s29], $0x2000  }
0x80: {  	[sflag:s29] =	ssyncset.done $0x0  }
0x81: {  	[sflag:s29] =	ssyncadd.s32 $0xFFFFE000  }
0x82: {  	_ =	swait.ge [sflag:s30], $0x2000  }
0x83: {  	[sflag:s30] =	ssyncset.done $0x0  }
0x84: {  	[sflag:s30] =	ssyncadd.s32 $0xFFFFE000  }
0x85: {  	_ =	swait.ge [sflag:s31], $0x2000  }
0x86: {  	[sflag:s31] =	ssyncset.done $0x0  }
0x87: {  	s8 =	simm.s32 $0x0;
	s10 =	rddreg [dreg:$0x6];
	[sflag:s31] =	ssyncadd.s32 $0xFFFFE000  }
0x88: {  	[tilespmem:s8], [sflag:$0x9] =	stream.linear.gather [hbm4b:s10+s8], $0x1400, $0x38;
	[tilespmem:$0x1E800] =	vst v63  }
0x89: {  	_ =	swait.ge [sflag:s12], $0x1400  }
0x8a: {  	[sflag:s12] =	ssyncset.done $0x0  }
0x8b: {  	s10 =	simm.s32 $0x1400;
	s9 =	rddreg [dreg:$0x7];
	[sflag:s12] =	ssyncadd.s32 $0xFFFFEC00  }
0x8c: {  	[tilespmem:s10], [sflag:$0x9] =	stream.linear.gather [hbm4b:s9+s8], $0x1400, $0x38;
	[tilespmem:$0x1E800] =	vst v63  }
0x8d: {  	_ =	swait.ge [sflag:s12], $0x1400  }
0x8e: {  	[sflag:s12] =	ssyncset.done $0x0  }
0x8f: {  	[sflag:s12] =	ssyncadd.s32 $0xFFFFEC00  }
0x90: {  	[tilespmem:s15], [sflag:$0x1] =	stream.indirect.gather [hbm4b:s4+s14], $0x80, s8, s14, $0xb8;
	[tilespmem:$0x1E800] =	vst v63  }
0x91: {  	_ = 	snop  }
0x92: {  	[tilespmem:s16], [sflag:$0x2] =	stream.indirect.gather [hbm4b:s4+s14], $0x80, s14, s14, $0xb8;
	[tilespmem:$0x1E800] =	vst v63  }
0x93: {  	_ = 	snop  }
0x94: {  	[tilespmem:s18], [sflag:$0x3] =	stream.indirect.gather [hbm4b:s4+s14], $0x80, s17, s14, $0xb8;
	[tilespmem:$0x1E800] =	vst v63  }
0x95: {  	_ = 	snop  }
0x96: {  	[tilespmem:s20], [sflag:$0x4] =	stream.indirect.gather [hbm4b:s4+s14], $0x80, s19, s14, $0xb8;
	[tilespmem:$0x1E800] =	vst v63  }
0x97: {  	_ =	swait.ge [sflag:s23], $0x2000  }
0x98: {  	[sflag:s23] =	ssyncset.done $0x0  }
0x99: {  	s10 =	simm.s32 $0x1400;
	[sflag:s23] =	ssyncadd.s32 $0xFFFFE000  }
0x9a: {  	[spmem:s2] =	stream.indirect.scatter.add.f32 [tilespmem:s15], [sflag:$0x5], $0x80, s10, s14, $0xb8;
	[tilespmem:$0x1E800] =	vst v63  }
0x9b: {  	_ =	swait.ge [sflag:s24], $0x2000  }
0x9c: {  	[sflag:s24] =	ssyncset.done $0x0  }
0x9d: {  	s9 =	simm.s32 $0x1440;
	[sflag:s24] =	ssyncadd.s32 $0xFFFFE000  }
0x9e: {  	[spmem:s2] =	stream.indirect.scatter.add.f32 [tilespmem:s16], [sflag:$0x6], $0x80, s9, s14, $0xb8;
	[tilespmem:$0x1E800] =	vst v63  }
0x9f: {  	_ =	swait.ge [sflag:s25], $0x2000  }
0xa0: {  	[sflag:s25] =	ssyncset.done $0x0  }
0xa1: {  	s10 =	simm.s32 $0x1480;
	[sflag:s25] =	ssyncadd.s32 $0xFFFFE000  }
0xa2: {  	[spmem:s2] =	stream.indirect.scatter.add.f32 [tilespmem:s18], [sflag:$0x7], $0x80, s10, s14, $0xb8;
	[tilespmem:$0x1E800] =	vst v63  }
0xa3: {  	_ =	swait.ge [sflag:s26], $0x2000  }
0xa4: {  	[sflag:s26] =	ssyncset.done $0x0  }
0xa5: {  	s9 =	simm.s32 $0x14C0;
	[sflag:s26] =	ssyncadd.s32 $0xFFFFE000  }
0xa6: {  	[spmem:s2] =	stream.indirect.scatter.add.f32 [tilespmem:s20], [sflag:$0x8], $0x80, s9, s14, $0xb8;
	[tilespmem:$0x1E800] =	vst v63  }
0xa7: {  	_ =	swait.ge [sflag:s28], $0x2000  }
0xa8: {  	[sflag:s28] =	ssyncset.done $0x0  }
0xa9: {  	s10 =	simm.s32 $0x100;
	[sflag:s28] =	ssyncadd.s32 $0xFFFFE000  }
0xaa: {  	[tilespmem:s15], [sflag:$0x1] =	stream.indirect.gather [hbm4b:s4+s14], $0x80, s10, s14, $0xb8;
	[tilespmem:$0x1E800] =	vst v63  }
0xab: {  	_ =	swait.ge [sflag:s29], $0x2000  }
0xac: {  	[sflag:s29] =	ssyncset.done $0x0  }
0xad: {  	s9 =	simm.s32 $0x140;
	[sflag:s29] =	ssyncadd.s32 $0xFFFFE000  }
0xae: {  	[tilespmem:s16], [sflag:$0x2] =	stream.indirect.gather [hbm4b:s4+s14], $0x80, s9, s14, $0xb8;
	[tilespmem:$0x1E800] =	vst v63  }
0xaf: {  	_ =	swait.ge [sflag:s30], $0x2000  }
0xb0: {  	[sflag:s30] =	ssyncset.done $0x0  }
0xb1: {  	s10 =	simm.s32 $0x180;
	[sflag:s30] =	ssyncadd.s32 $0xFFFFE000  }
0xb2: {  	[tilespmem:s18], [sflag:$0x3] =	stream.indirect.gather [hbm4b:s4+s14], $0x80, s10, s14, $0xb8;
	[tilespmem:$0x1E800] =	vst v63  }
0xb3: {  	_ =	swait.ge [sflag:s31], $0x2000  }
0xb4: {  	[sflag:s31] =	ssyncset.done $0x0  }
0xb5: {  	s8 =	simm.s32 $0x400;
	s9 =	simm.s32 $0x1C0;
	[sflag:s31] =	ssyncadd.s32 $0xFFFFE000  }
.LBB2_4:
0xb6: {  	[tilespmem:s20], [sflag:$0x4] =	stream.indirect.gather [hbm4b:s4+s14], $0x80, s9, s14, $0xb8;
	[tilespmem:$0x1E800] =	vst v63  }
0xb7: {  	s9 =	smov.u32 s8  }
0xb8: {  	p0 =	sne.s32 s8, $0x4800;
	s8 =	sadd.s32 $0x400, s8;
	_ =	swait.ge [sflag:s23], $0x2000  }
0xb9: {  	s9 =	sshra.s32 s9, $0x2;
	[sflag:s23] =	ssyncset.done $0x0  }
0xba: {  	s10 =	sadd.s32 $0x1400, s9;
	[sflag:s23] =	ssyncadd.s32 $0xFFFFE000  }
0xbb: {  	[spmem:s2] =	stream.indirect.scatter.add.f32 [tilespmem:s15], [sflag:$0x5], $0x80, s10, s14, $0xb8;
	[tilespmem:$0x1E800] =	vst v63  }
0xbc: {  	_ =	swait.ge [sflag:s24], $0x2000  }
0xbd: {  	[sflag:s24] =	ssyncset.done $0x0  }
0xbe: {  	s10 =	sadd.s32 $0x1440, s9;
	[sflag:s24] =	ssyncadd.s32 $0xFFFFE000  }
0xbf: {  	[spmem:s2] =	stream.indirect.scatter.add.f32 [tilespmem:s16], [sflag:$0x6], $0x80, s10, s14, $0xb8;
	[tilespmem:$0x1E800] =	vst v63  }
0xc0: {  	_ =	swait.ge [sflag:s25], $0x2000  }
0xc1: {  	[sflag:s25] =	ssyncset.done $0x0  }
0xc2: {  	s10 =	sadd.s32 $0x1480, s9;
	[sflag:s25] =	ssyncadd.s32 $0xFFFFE000  }
0xc3: {  	[spmem:s2] =	stream.indirect.scatter.add.f32 [tilespmem:s18], [sflag:$0x7], $0x80, s10, s14, $0xb8;
	[tilespmem:$0x1E800] =	vst v63  }
0xc4: {  	_ =	swait.ge [sflag:s26], $0x2000  }
0xc5: {  	[sflag:s26] =	ssyncset.done $0x0  }
0xc6: {  	s10 =	sadd.s32 $0x14C0, s9;
	[sflag:s26] =	ssyncadd.s32 $0xFFFFE000  }
0xc7: {  	[spmem:s2] =	stream.indirect.scatter.add.f32 [tilespmem:s20], [sflag:$0x8], $0x80, s10, s14, $0xb8;
	[tilespmem:$0x1E800] =	vst v63  }
0xc8: {  	_ =	swait.ge [sflag:s28], $0x2000  }
0xc9: {  	[sflag:s28] =	ssyncset.done $0x0  }
0xca: {  	s10 =	sadd.s32 $0x100, s9;
	[sflag:s28] =	ssyncadd.s32 $0xFFFFE000  }
0xcb: {  	[tilespmem:s15], [sflag:$0x1] =	stream.indirect.gather [hbm4b:s4+s14], $0x80, s10, s14, $0xb8;
	[tilespmem:$0x1E800] =	vst v63  }
0xcc: {  	_ =	swait.ge [sflag:s29], $0x2000  }
0xcd: {  	[sflag:s29] =	ssyncset.done $0x0  }
0xce: {  	s10 =	sadd.s32 $0x140, s9;
	[sflag:s29] =	ssyncadd.s32 $0xFFFFE000  }
0xcf: {  	[tilespmem:s16], [sflag:$0x2] =	stream.indirect.gather [hbm4b:s4+s14], $0x80, s10, s14, $0xb8;
	[tilespmem:$0x1E800] =	vst v63  }
0xd0: {  	_ =	swait.ge [sflag:s30], $0x2000  }
0xd1: {  	[sflag:s30] =	ssyncset.done $0x0  }
.Ltmp1:
0xd2: {  	s10 =	sadd.s32 $0x180, s9;
	[sflag:s30] =	ssyncadd.s32 $0xFFFFE000;
	(pc) =	sbr.rel @p0 .LBB2_4-.Ltmp1, $4  }
0xd3: {  	[tilespmem:s18], [sflag:$0x3] =	stream.indirect.gather [hbm4b:s4+s14], $0x80, s10, s14, $0xb8;
	[tilespmem:$0x1E800] =	vst v63  }
0xd4: {  	_ =	swait.ge [sflag:s31], $0x2000  }
0xd5: {  	[sflag:s31] =	ssyncset.done $0x0  }
0xd6: {  	s9 =	sadd.s32 $0x1C0, s9;
	[sflag:s31] =	ssyncadd.s32 $0xFFFFE000  }
0xd7: {  	[tilespmem:s20], [sflag:$0x4] =	stream.indirect.gather [hbm4b:s4+s14], $0x80, s9, s14, $0xb8;
	[tilespmem:$0x1E800] =	vst v63  }
0xd8: {  	_ =	swait.ge [sflag:s23], $0x2000  }
0xd9: {  	[sflag:s23] =	ssyncset.done $0x0  }
0xda: {  	[sflag:s23] =	ssyncadd.s32 $0xFFFFE000  }
0xdb: {  	[spmem:s2] =	stream.indirect.scatter.add.f32 [tilespmem:s15], [sflag:$0x5], $0x80, s0, s14, $0xb8;
	[tilespmem:$0x1E800] =	vst v63  }
0xdc: {  	_ =	swait.ge [sflag:s24], $0x2000  }
0xdd: {  	[sflag:s24] =	ssyncset.done $0x0  }
0xde: {  	[sflag:s24] =	ssyncadd.s32 $0xFFFFE000  }
0xdf: {  	[spmem:s2] =	stream.indirect.scatter.add.f32 [tilespmem:s16], [sflag:$0x6], $0x80, s1, s14, $0xb8;
	[tilespmem:$0x1E800] =	vst v63  }
0xe0: {  	_ =	swait.ge [sflag:s25], $0x2000  }
0xe1: {  	[sflag:s25] =	ssyncset.done $0x0  }
0xe2: {  	[sflag:s25] =	ssyncadd.s32 $0xFFFFE000  }
0xe3: {  	[spmem:s2] =	stream.indirect.scatter.add.f32 [tilespmem:s18], [sflag:$0x7], $0x80, s6, s14, $0xb8;
	[tilespmem:$0x1E800] =	vst v63  }
0xe4: {  	_ =	swait.ge [sflag:s26], $0x2000  }
0xe5: {  	[sflag:s26] =	ssyncset.done $0x0  }
0xe6: {  	[sflag:s26] =	ssyncadd.s32 $0xFFFFE000  }
0xe7: {  	[spmem:s2] =	stream.indirect.scatter.add.f32 [tilespmem:s20], [sflag:$0x8], $0x80, s7, s14, $0xb8;
	[tilespmem:$0x1E800] =	vst v63  }
0xe8: {  	_ =	swait.ge [sflag:s28], $0x2000  }
0xe9: {  	[sflag:s28] =	ssyncset.done $0x0  }
0xea: {  	[sflag:s28] =	ssyncadd.s32 $0xFFFFE000  }
0xeb: {  	_ =	swait.ge [sflag:s29], $0x2000  }
0xec: {  	[sflag:s29] =	ssyncset.done $0x0  }
0xed: {  	[sflag:s29] =	ssyncadd.s32 $0xFFFFE000  }
0xee: {  	_ =	swait.ge [sflag:s30], $0x2000  }
0xef: {  	[sflag:s30] =	ssyncset.done $0x0  }
0xf0: {  	[sflag:s30] =	ssyncadd.s32 $0xFFFFE000  }
0xf1: {  	_ =	swait.ge [sflag:s31], $0x2000  }
0xf2: {  	[sflag:s31] =	ssyncset.done $0x0  }
0xf3: {  	s13 =	sadd.s32 $0x1, s13;
	[sflag:s31] =	ssyncadd.s32 $0xFFFFE000  }
0xf4: {  	p0 =	sne.s32 s13, s11;
	[bflag:$0x0] =	sbarrier.arrive $0xFFFF  }
.Ltmp2:
0xf5: {  	s8 =	rddreg [dreg:$0x8];
	(pc) =	sbr.rel @p0 .LBB2_1-.Ltmp2, $4  }
0xf6: {  	[hbm:s8], [sflag:s21] =	dma.local [spmem:s22], $0x2800  }
0xf7: {  	_ =	swait.ge [sflag:s12], $0x2800  }
0xf8: {  	[sflag:s12] =	ssyncset.done $0x0  }
0xf9: {  	[sflag:s12] =	ssyncadd.s32 $0xFFFFD800  }
0xfa: {  	_ =	sfence.sel $0x180000  }
0xfb: {  	[bflag:$0x0] =	sbarrier.arrive $0xFFFF  }
0xfc: {  	_ =	strace $0x9000004D  }
0xfd: {  	s0 =	stileid.u32;
	[bflag:$0x2] =	sbarrier.arrive $0xFFFF  }
0xfe: {  	p0 =	sne.s32 s0, $0x0;
	s0 =	rddreg [dreg:$0x3]  }
0xff: {  	s0 =	sadd.s32 @!p0 $0x100000, s0  }
0x100: {  	[sflag:s0] =	ssyncadd.tile.s32 @!p0 $0x1;
	_ =	shalt  }
.Lfunc_end2:
_tile_overlayer_lowered:
.L_overlay_start_2:
0x101: {  	(tag) =	ssettag $0x2  }
0x102: {  	s0 =	rddreg [dreg:$0x0];
	s2 =	stileid.u32  }
0x103: {  	s1 =	rddreg [dreg:$0x1];
	p0 =	sne.s32 s2, $0x0  }
0x104: {  	s3 =	rddreg [dreg:$0x2];
	[bflag:$0x3] =	sbarrier.arrive $0xFFFF;
	s2 =	simm.s32 @!p0 $0x1C09  }
0x105: {  	[timem:s3], [sflag:s2] =	dma.local @!p0 [hbm:s0], s1  }
0x106: {  	s0 =	simm.s32 @!p0 $0x9  }
0x107: {  	_ =	swait.ge @!p0 [sflag:s0], s1  }
0x108: {  	s1 =	ssub.s32 @!p0 $0x0, s1;
	[sflag:s0] =	ssyncset.done @!p0 $0x0  }
0x109: {  	[sflag:s0] =	ssyncadd.s32 @!p0 s1  }
0x10a: {  	[bflag:$0x3] =	sbarrier.arrive $0xFFFF  }
0x10b: {  	_ =	shalt  }

// kernel: kernel.8.cloned.1.call-start
scs
__scs_entry_jumppad:
0x0: {  	(pc) =	sbr.rel $0x88, $3  }
0x1: {  	(tag) =	ssettag $0x0;
	lr =	simm.s32 $0x1  }
0x2: {  	[smem:$0x3F9A] =	sst lr;
	_ =	strace $0xD0000000  }
0x3: {  	_ = 	snop  }
0x4: {  	_ = 	snop  }
0x5: {  	_ = 	snop  }
0x6: {  	_ = 	snop  }
0x7: {  	_ = 	snop  }
__scs_overlays_trampoline_lowered:
0x8: {  	[smem:$0x3FA9] =	sst s0  }
0x9: {  	[smem:$0x3FAA] =	sst s1  }
0xa: {  	[smem:$0x3FAB] =	sst s2  }
0xb: {  	[smem:$0x3FAC] =	sst s3  }
0xc: {  	[smem:$0x3FAD] =	sst s4  }
0xd: {  	[smem:$0x3FAE] =	sst s5  }
0xe: {  	[smem:$0x3FAF] =	sst s6  }
0xf: {  	[smem:$0x3FB0] =	sst s7  }
0x10: {  	[smem:$0x3FB1] =	sst s8  }
0x11: {  	[smem:$0x3FB2] =	sst s9;
	s0 =	simm.s32 @!p0 $0x0  }
0x12: {  	s1 =	sld [smem:$0x3F98];
	s0 =	simm.s32 @p0 $0x1  }
0x13: {  	[smem:$0x3FB3] =	sst s0;
	s0 =	simm.s32 @!p1 $0x0  }
0x14: {  	s2 =	sld [smem:$0x3F97];
	s0 =	simm.s32 @p1 $0x1  }
0x15: {  	[smem:$0x3FB4] =	sst s0;
	s0 =	simm.s32 @!p2 $0x0  }
0x16: {  	s3 =	sld [smem:$0x3FDB];
	s0 =	simm.s32 @p2 $0x1  }
0x17: {  	s4 =	simm.s32 $0x1BF5;
	[smem:$0x3FB6] =	sst s0  }
0x18: {  	s0 =	sld [smem:$0x3F99];
	_ =	swait.ge [sflag:s4], $0x0  }
0x19: {  	s7 =	sld [smem:$0x3F9A]  }
0x1a: {  	s8 =	sadd.s32 $0xFFFFE003, lr  }
0x1b: {  	s9 =	sadd.s32 $0xFFFFFEF7, lr;
	s5 =	simm.s32 $0xFFFFFFFF;
	p2 =	slt.u32 s8, $0xFFFFF086  }
0x1c: {  	p1 =	slt.u32 s9, $0xF7A;
	s5 =	simm.s32 @!p2 $0x0  }
0x1d: {  	s5 =	simm.s32 @p1 $0x1;
	p0 =	seq.s32 s7, s2  }
0x1e: {  	s7 =	smul.u32 @!p0 $0xF7A, s2;
	p2 =	seq.s32 @!p0 s5, $0x0  }
0x1f: {  	s9 =	smul.u32 $0xF7A, s1;
	s8 =	simm.s32 @!p0 $0x1BF5;
	p2 =	por !p2, p0  }
0x20: {  	[sflag:s8] =	ssyncset.s32 @!p0 $0xFFFFF086;
	s6 =	sadd.s32 @!p0 s3, s7;
	s7 =	simm.s32 @!p0 $0x108  }
0x21: {  	s3 =	sadd.s32 s3, s9;
	s6 =	sadd.s32 @!p0 $0x88, s6;
	s7 =	simm.s32 @p2 $0x1082  }
0x22: {  	[simem:s7], [sflag:s8] =	dma.local @!p0 [hbm:s6], $0xF7A  }
0x23: {  	s9 =	sor.u32 $0xD0000000, s2;
	s6 =	simm.s32 $0x108;
	_ =	swait.ge @!p0 [sflag:s8], $0x0  }
0x24: {  	s3 =	sadd.s32 $0x88, s3;
	s6 =	simm.s32 @!p1 $0x1082;
	[sflag:s4] =	ssyncset.s32 $0xFFFFF086  }
0x25: {  	[simem:s6], [sflag:s4] =	dma.local [hbm:s3], $0xF7A  }
0x26: {  	[smem:$0x3F9A] =	sst s1;
	(tag) =	ssettag s2;
	_ =	strace s9  }
0x27: {  	s1 =	sld [smem:$0x3FAA]  }
0x28: {  	s2 =	sld [smem:$0x3FAB]  }
0x29: {  	s4 =	sld [smem:$0x3FAD]  }
0x2a: {  	p0 =	seq.s32 s5, $0x0;
	s5 =	sld [smem:$0x3FAE]  }
0x2b: {  	s6 =	sld [smem:$0x3FAF]  }
0x2c: {  	s7 =	sld [smem:$0x3FB0]  }
0x2d: {  	s3 =	simm.s32 $0x108;
	s8 =	sld [smem:$0x3FB1]  }
0x2e: {  	s3 =	simm.s32 @!p0 $0x1082;
	s9 =	sld [smem:$0x3FB2]  }
0x2f: {  	lr =	sadd.s32 s0, s3;
	s0 =	sld [smem:$0x3FA9]  }
0x30: {  	s3 =	sld [smem:$0x3FAC]  }
0x31: {  	[smem:$0x3FB5] =	sst s10  }
0x32: {  	s10 =	sld [smem:$0x3FB3];
	_ =	sdelay $0x3  }
0x33: {  	p0 =	seq.s32 s10, $0x1;
	s10 =	sld [smem:$0x3FB5];
	_ =	sdelay $0x3  }
0x34: {  	[smem:$0x3FB5] =	sst s10  }
0x35: {  	s10 =	sld [smem:$0x3FB4];
	_ =	sdelay $0x3  }
0x36: {  	p1 =	seq.s32 s10, $0x1;
	s10 =	sld [smem:$0x3FB5];
	_ =	sdelay $0x3  }
0x37: {  	[smem:$0x3FB5] =	sst s10  }
0x38: {  	s10 =	sld [smem:$0x3FB6]  }
0x39: {  	_ = 	snop;
	(pc) =	sbr.ind lr, $3  }
0x3a: {  	_ = 	snop  }
0x3b: {  	_ = 	snop  }
0x3c: {  	p2 =	seq.s32 s10, $0x1;
	s10 =	sld [smem:$0x3FB5]  }
0x3d: {  	_ =	shalt  }
0x3e: {  	_ =	shalt  }
0x3f: {  	_ =	shalt  }
0x40: {  	_ =	shalt  }
0x41: {  	_ =	shalt  }
0x42: {  	_ =	shalt  }
0x43: {  	_ =	shalt  }
0x44: {  	_ =	shalt  }
0x45: {  	_ =	shalt  }
0x46: {  	_ =	shalt  }
0x47: {  	_ =	shalt  }
0x48: {  	_ =	shalt  }
0x49: {  	_ =	shalt  }
0x4a: {  	_ =	shalt  }
0x4b: {  	_ =	shalt  }
0x4c: {  	_ =	shalt  }
0x4d: {  	_ =	shalt  }
0x4e: {  	_ =	shalt  }
0x4f: {  	_ =	shalt  }
0x50: {  	_ =	shalt  }
0x51: {  	_ =	shalt  }
0x52: {  	_ =	shalt  }
0x53: {  	_ =	shalt  }
0x54: {  	_ =	shalt  }
0x55: {  	_ =	shalt  }
0x56: {  	_ =	shalt  }
0x57: {  	_ =	shalt  }
0x58: {  	_ =	shalt  }
0x59: {  	_ =	shalt  }
0x5a: {  	_ =	shalt  }
0x5b: {  	_ =	shalt  }
0x5c: {  	_ =	shalt  }
0x5d: {  	_ =	shalt  }
0x5e: {  	_ =	shalt  }
0x5f: {  	_ =	shalt  }
0x60: {  	_ =	shalt  }
0x61: {  	_ =	shalt  }
0x62: {  	_ =	shalt  }
0x63: {  	_ =	shalt  }
0x64: {  	_ =	shalt  }
0x65: {  	_ =	shalt  }
0x66: {  	_ =	shalt  }
0x67: {  	_ =	shalt  }
0x68: {  	_ =	shalt  }
0x69: {  	_ =	shalt  }
0x6a: {  	_ =	shalt  }
0x6b: {  	_ =	shalt  }
0x6c: {  	_ =	shalt  }
0x6d: {  	_ =	shalt  }
0x6e: {  	_ =	shalt  }
0x6f: {  	_ =	shalt  }
0x70: {  	_ =	shalt  }
0x71: {  	_ =	shalt  }
0x72: {  	_ =	shalt  }
0x73: {  	_ =	shalt  }
0x74: {  	_ =	shalt  }
0x75: {  	_ =	shalt  }
0x76: {  	_ =	shalt  }
0x77: {  	_ =	shalt  }
0x78: {  	_ =	shalt  }
0x79: {  	_ =	shalt  }
0x7a: {  	_ =	shalt  }
0x7b: {  	_ =	shalt  }
0x7c: {  	_ =	shalt  }
0x7d: {  	_ =	shalt  }
0x7e: {  	_ =	shalt  }
0x7f: {  	_ =	shalt  }
0x80: {  	_ =	shalt  }
0x81: {  	_ =	shalt  }
0x82: {  	_ =	shalt  }
0x83: {  	_ =	shalt  }
0x84: {  	_ =	shalt  }
0x85: {  	_ =	shalt  }
0x86: {  	_ =	shalt  }
0x87: {  	_ =	shalt  }
.Lfunc_end0:
.L_simem_size_0:
called_computation_lowered:
.L_overlay_start_0:
0x88: {  	s2 =	sld [smem:$0x3FD9]  }
0x89: {  	s3 =	sld [smem:$0x3FFE];
	_ =	sdelay $0x1  }
0x8a: {  	s1 =	srdreg.scid  }
0x8b: {  	s0 =	sand.u32 $0x1, s1  }
0x8c: {  	s17 =	sshll.u32 s0, $0xA;
	s2 =	sadd.s32 s3, s2  }
0x8d: {  	s2 =	sadd.s32 s2, s17  }
0x8e: {  	[smem:$0x3FC1] =	sst s2  }
0x8f: {  	_ = 	snop  }
0x90: {  	s2 =	sld [smem:$0x3FC7]  }
0x91: {  	s18 =	sld [smem:$0x3FD0];
	(tm) =	ssettm $0x1  }
0x92: {  	s4 =	sld [smem:$0x3FFB];
	_ =	sdelay $0x3  }
0x93: {  	_ =	strace s4  }
0x94: {  	s4 =	sld [smem:$0x3FFC];
	_ =	sdelay $0x3  }
0x95: {  	_ =	strace s4  }
0x96: {  	s4 =	sld [smem:$0x3FFD];
	_ =	sdelay $0x3  }
0x97: {  	_ =	strace s4  }
0x98: {  	_ =	strace $0x8FFFFFFF  }
0x99: {  	s19 =	sld [smem:$0x3FDB];
	_ =	sdelay $0x1  }
0x9a: {  	s5 =	simm.s32 $_scs_section_size  }
0x9b: {  	s6 =	simm.s32 $_size__tile_overlayer_lowered;
	s7 =	simm.s32 $_tile_overlayer_lowered  }
0x9c: {  	s22 =	simm.s32 $0x1BFF;
	s21 =	sshll.u32 s7, $0x1;
	s4 =	sadd.s32 s5, s19  }
0x9d: {  	s8 =	simm.s32 $0x0;
	s20 =	sshll.u32 s6, $0x1;
	s6 =	sadd.s32 s21, s4  }
0x9e: {  	[timem:s8], [sflag:s22] =	dma.local [hbm:s6], s20  }
0x9f: {  	_ =	swait.ge [sflag:s22], s20  }
0xa0: {  	s5 =	ssub.s32 $0x0, s20;
	[sflag:s22] =	ssyncset.done $0x0  }
0xa1: {  	[sflag:s22] =	ssyncadd.s32 s5;
	_ =	sdelay $0x1  }
0xa2: {  	s23 =	simm.s32 $0x1B8B  }
0xa3: {  	_ =	swait.ge [sflag:s23], $0x1  }
0xa4: {  	[sflag:s23] =	ssyncset.done $0x0  }
0xa5: {  	s25 =	simm.s32 $0x1B8E;
	s24 =	sld [smem:$0x3FFE];
	[sflag:s23] =	ssyncadd.s32 $0xFFFFFFFF  }
0xa6: {  	s26 =	simm.s32 $execute0_lowered;
	[smem:$0x3FD2] =	sst s25  }
0xa7: {  	s6 =	sshll.u32 s26, $0x1;
	_ =	strace $0x80000046;
	[dreg:$0x1] =	wrdreg $0xFFFFFFFF  }
0xa8: {  	s28 =	simm.s32 $_size_execute0_lowered;
	s4 =	sadd.s32 s4, s6;
	[dreg:$0x0] =	wrdreg $0x0  }
0xa9: {  	s6 =	sshll.u32 s28, $0x1;
	[dreg:$0x2] =	wrdreg s4  }
0xaa: {  	[dreg:$0x3] =	wrdreg s6  }
0xab: {  	[dreg:$0x4] =	wrdreg $0xC0  }
0xac: {  	_ =	task [dreg:s8], $0x5FFFF  }
0xad: {  	[dreg:$0x1] =	wrdreg $0xFFFFFFFF  }
0xae: {  	[dreg:$0x0] =	wrdreg $0x60  }
0xaf: {  	[dreg:$0x2] =	wrdreg s2  }
0xb0: {  	[dreg:$0x3] =	wrdreg s24  }
0xb1: {  	[dreg:$0x4] =	wrdreg s18  }
0xb2: {  	[dreg:$0x5] =	wrdreg $0xF1C00  }
0xb3: {  	[dreg:$0x6] =	wrdreg $0xF4400  }
0xb4: {  	[dreg:$0x7] =	wrdreg $0x9  }
0xb5: {  	_ =	task.clear_ibuf [dreg:s8], $0x8FFFF;
	_ =	strace $0x90000046  }
0xb6: {  	s29 =	simm.s32 $0x9;
	_ =	strace $0x80000048  }
0xb7: {  	_ =	swait.ge [sflag:s29], $0x1  }
0xb8: {  	[sflag:s29] =	ssyncadd.s32 $0xFFFFFFFF  }
0xb9: {  	_ =	strace $0x90000048  }
0xba: {  	_ =	sfence  }
0xbb: {  	s30 =	sld [smem:$0x0];
	_ =	sdelay $0x2  }
0xbc: {  	s31 =	sshll.u32 s1, $0xD;
	s1 =	sshrl.u32 s1, $0x2  }
0xbd: {  	s3 =	sand.u32 $0x4000, s31;
	s1 =	sadd.s32 s1, s30  }
0xbe: {  	s0 =	sor.u32 s3, s0;
	s1 =	sshll.u32 s1, $0x11  }
0xbf: {  	s0 =	sor.u32 s1, s0  }
0xc0: {  	s0 =	sadd.s32 $0x8F2B, s0  }
0xc1: {  	[sflag:s0] =	ssyncadd.remote.s32 $0x1  }
0xc2: {  	_ =	sfence.sel $0xFFFF  }
0xc3: {  	[dreg:$0x0] =	wrdreg $0xFFFFFFFF;
	(pc) =	sbr.abs _section_cstart, $3  }
0xc4: {  	[dreg:$0x1] =	wrdreg $0xFFFFFFFF  }
0xc5: {  	_ =	task.clear_ibuf [dreg:s8], $0x2FFFF;
	_ =	strace $0x9FFFFFFF  }
0xc6: {  	(tm) =	ssettm $0x7FFFFFFF  }
0xc7: {  	_ =	shalt  }
tec
execute0_lowered:
.L_overlay_start_1:
0x0: {  	(tag) =	ssettag $0x1  }
0x1: {  	s1 =	rddreg [dreg:$0x0]  }
0x2: {  	s0 =	rddreg [dreg:$0x1]  }
0x3: {  	s2 =	rddreg [dreg:$0x2]  }
0x4: {  	s4 =	srdreg.scid;
	s17 =	stileid.u32  }
0x5: {  	s3 =	rddreg [dreg:$0x3];
	s19 =	simm.s32 $0xF140;
	s20 =	simm.s32 $0xA140  }
0x6: {  	s21 =	simm.s32 $0xC940;
	s22 =	simm.s32 $0x40;
	s23 =	simm.s32 $0x140  }
0x7: {  	s25 =	simm.s32 $0x80;
	s24 =	simm.s32 $0x3;
	s26 =	simm.s32 $0x0  }
0x8: {  	s7 =	sand.u32 $0x1, s4;
	s5 =	sshll.u32 s17, $0x1;
	s4 =	rddreg [dreg:$0x4]  }
0x9: {  	s9 =	smul.u32 $0x280, s17;
	s28 =	sadd.s32 $0x2A00, s0;
	s30 =	sshll.u32 s17, $0x6  }
0xa: {  	s17 =	simm.s32 $0x4;
	s8 =	sor.u32 s7, s5;
	s10 =	smul.u32 $0x5000, s7  }
0xb: {  	s5 =	simm.s32 $0x0;
	s7 =	ssub.s32 $0x2, s7;
	s6 =	smul.u32 $0x28, s8  }
0xc: {  	[smem:$0x7FF] =	sst s5;
	s12 =	sshrl.u32 s9, $0x3;
	s13 =	smul.u32 $0x1400, s8  }
0xd: {  	s29 =	sshrl.u32 s7, $0x1;
	s14 =	smul.u32 $0x2800, s8;
	s16 =	sadd.s32 s9, s3  }
0xe: {  	s8 =	sor.u32 $0x1C04, s30;
	s18 =	sadd.s32 s9, s4;
	_ =	strace $0x80000047  }
0xf: {  	[dreg:$0x6] =	wrdreg s28;
	s12 =	sadd.s32 s12, s0;
	s10 =	sadd.s32 s9, s10  }
0x10: {  	s15 =	ssub.s32 s7, s29;
	s16 =	sshrl.u32 s16, $0x3;
	s18 =	sshrl.u32 s18, $0x3  }
0x11: {  	s11 =	sadd.s32 s6, s0;
	s13 =	sadd.s32 s13, s0;
	s10 =	sshrl.u32 s10, $0x3  }
0x12: {  	s7 =	sadd.s32 $0x2C00, s12;
	s31 =	sshrl.u32 s14, $0x3;
	s15 =	smax.u32 s15, $0x1  }
0x13: {  	s0 =	sadd.s32 s10, s0;
	s9 =	sadd.s32 $0x2400, s11;
	s10 =	sadd.s32 s2, s31  }
0x14: {  	s12 =	sadd.s32 $0x4600, s13;
	s2 =	simm.s32 $0x1;
	s11 =	sadd.s32 $0xA000, s10  }
0x15: {  	s13 =	sadd.s32 $0x3200, s0;
	s14 =	sadd.s32 $0x3700, s0;
	s0 =	simm.s32 $0x2  }
.LBB2_1:
0x16: {  	[spmem:s16], [sflag:s8] =	dma.local [hbm:s7], $0x50  }
0x17: {  	_ =	swait.ge [sflag:s17], $0x50  }
0x18: {  	[sflag:s17] =	ssyncset.done $0x0  }
0x19: {  	[sflag:s17] =	ssyncadd.s32 $0xFFFFFFB0  }
0x1a: {  	[spmem:s18], [sflag:s8] =	dma.local [hbm:s7], $0x50  }
0x1b: {  	_ =	swait.ge [sflag:s17], $0x50  }
0x1c: {  	[sflag:s17] =	ssyncset.done $0x0  }
0x1d: {  	s6 =	rddreg [dreg:$0x6];
	[sflag:s17] =	ssyncadd.s32 $0xFFFFFFB0  }
0x1e: {  	[tilespmem:s19], [sflag:$0x4] =	stream.linear.gather [hbm4b:s6+s5], $0x80, $0x38;
	[tilespmem:$0xF6C0] =	vst v63  }
0x1f: {  	_ =	swait.ge [sflag:s17], $0x80  }
0x20: {  	[sflag:s17] =	ssyncset.done $0x0  }
0x21: {  	[sflag:s17] =	ssyncadd.s32 $0xFFFFFF80  }
0x22: {  	[tilespmem:s5], [sflag:$0x4] =	stream.linear.gather [hbm4b:s9+s5], $0x140, $0x38;
	[tilespmem:$0xF6C0] =	vst v63  }
0x23: {  	_ =	swait.ge [sflag:s17], $0x140  }
0x24: {  	[sflag:s17] =	ssyncset.done $0x0  }
0x25: {  	[sflag:s17] =	ssyncadd.s32 $0xFFFFFEC0  }
0x26: {  	[tilespmem:s20], [sflag:$0x4] =	stream.linear.gather [hbm4b:s10+s5], $0x2800, $0x38;
	[tilespmem:$0xF6C0] =	vst v63  }
0x27: {  	_ =	swait.ge [sflag:s17], $0x2800  }
0x28: {  	[sflag:s17] =	ssyncset.done $0x0  }
0x29: {  	[sflag:s17] =	ssyncadd.s32 $0xFFFFD800  }
0x2a: {  	[tilespmem:s21], [sflag:$0x4] =	stream.linear.gather [hbm4b:s11+s5], $0x2800, $0x38;
	[tilespmem:$0xF6C0] =	vst v63  }
0x2b: {  	_ =	swait.ge [sflag:s17], $0x2800  }
0x2c: {  	[sflag:s17] =	ssyncset.done $0x0  }
0x2d: {  	[sflag:s17] =	ssyncadd.s32 $0xFFFFD800  }
0x2e: {  	[tilespmem:s23], [sflag:$0x1] =	stream.indirect.gather [hbm4b:s1+s22], $0x80, s5, s22, $0xb8;
	[tilespmem:$0xF6C0] =	vst v63  }
0x2f: {  	s30 =	simm.s32 $0x2140  }
0x30: {  	[tilespmem:s30], [sflag:$0x1] =	stream.indirect.gather [hbm4b:s1+s22], $0x80, s22, s22, $0xb8;
	[tilespmem:$0xF6C0] =	vst v63  }
0x31: {  	s31 =	simm.s32 $0x4140  }
0x32: {  	[tilespmem:s31], [sflag:$0x1] =	stream.indirect.gather [hbm4b:s1+s22], $0x80, s25, s22, $0xb8;
	[tilespmem:$0xF6C0] =	vst v63  }
0x33: {  	s28 =	simm.s32 $0x6140;
	s30 =	simm.s32 $0xC0  }
0x34: {  	[tilespmem:s28], [sflag:$0x1] =	stream.indirect.gather [hbm4b:s1+s22], $0x80, s30, s22, $0xb8;
	[tilespmem:$0xF6C0] =	vst v63  }
0x35: {  	s31 =	simm.s32 $0x100;
	s28 =	simm.s32 $0x8140  }
0x36: {  	[tilespmem:s28], [sflag:$0x1] =	stream.indirect.gather [hbm4b:s1+s22], $0x80, s31, s22, $0xb8;
	[tilespmem:$0xF6C0] =	vst v63  }
0x37: {  	_ =	swait.ge [sflag:s2], $0x2000  }
0x38: {  	[sflag:s2] =	ssyncset.done $0x0  }
0x39: {  	[sflag:s2] =	ssyncadd.s32 $0xFFFFE000  }
0x3a: {  	_ =	swait.ge [sflag:s2], $0x2000  }
0x3b: {  	[sflag:s2] =	ssyncset.done $0x0  }
0x3c: {  	[sflag:s2] =	ssyncadd.s32 $0xFFFFE000  }
0x3d: {  	_ =	swait.ge [sflag:s2], $0x2000  }
0x3e: {  	[sflag:s2] =	ssyncset.done $0x0  }
0x3f: {  	[sflag:s2] =	ssyncadd.s32 $0xFFFFE000  }
0x40: {  	_ =	swait.ge [sflag:s2], $0x2000  }
0x41: {  	[sflag:s2] =	ssyncset.done $0x0  }
0x42: {  	[sflag:s2] =	ssyncadd.s32 $0xFFFFE000  }
0x43: {  	_ =	swait.ge [sflag:s2], $0x2000  }
0x44: {  	[sflag:s2] =	ssyncset.done $0x0  }
0x45: {  	[sflag:s2] =	ssyncadd.s32 $0xFFFFE000  }
0x46: {  	[hbm4b:s12+s5] =	stream.linear.scatter [tilespmem:s23], [sflag:$0x4], $0xA000, $0x38;
	[tilespmem:$0xF6C0] =	vst v63  }
0x47: {  	_ =	swait.ge [sflag:s17], $0xA000  }
0x48: {  	[sflag:s17] =	ssyncset.done $0x0  }
0x49: {  	[sflag:s17] =	ssyncadd.s32 $0xFFFF6000  }
0x4a: {  	[bflag:$0x0] =	sbarrier.arrive $0xFFFF  }
0x4b: {  	[spmem:s3] =	stream.indirect.scatter.add.f32 [tilespmem:s19], [sflag:$0x2], $0x1, s20, s25, $0xb8;
	[tilespmem:$0xF6C0] =	vst v63  }
0x4c: {  	_ = 	snop  }
0x4d: {  	[spmem:s4] =	stream.indirect.scatter.add.f32 [tilespmem:s19], [sflag:$0x3], $0x1, s21, s25, $0xb8;
	[tilespmem:$0xF6C0] =	vst v63  }
0x4e: {  	s28 =	simm.s32 $0xA1C0  }
0x4f: {  	[spmem:s3] =	stream.indirect.scatter.add.f32 [tilespmem:s19], [sflag:$0x2], $0x1, s28, s25, $0xb8;
	[tilespmem:$0xF6C0] =	vst v63  }
0x50: {  	s28 =	simm.s32 $0xC9C0  }
0x51: {  	[spmem:s4] =	stream.indirect.scatter.add.f32 [tilespmem:s19], [sflag:$0x3], $0x1, s28, s25, $0xb8;
	[tilespmem:$0xF6C0] =	vst v63  }
0x52: {  	_ =	swait.ge [sflag:s0], $0x80  }
0x53: {  	[sflag:s0] =	ssyncset.done $0x0  }
0x54: {  	[sflag:s0] =	ssyncadd.s32 $0xFFFFFF80  }
0x55: {  	_ =	swait.ge [sflag:s24], $0x80  }
0x56: {  	s29 =	simm.s32 $0x600;
	s28 =	simm.s32 $0x100;
	[sflag:s24] =	ssyncset.done $0x0  }
.LBB2_2:
0x57: {  	s30 =	sadd.s32 $0xA140, s28  }
0x58: {  	[sflag:s24] =	ssyncadd.s32 $0xFFFFFF80;
	s31 =	smov.u32 s29;
	s6 =	sadd.s32 $0x200, s29  }
0x59: {  	[spmem:s3] =	stream.indirect.scatter.add.f32 [tilespmem:s19], [sflag:$0x2], $0x1, s30, s25, $0xb8;
	[tilespmem:$0xF6C0] =	vst v63  }
0x5a: {  	p0 =	sne.s32 s29, $0x9E00;
	s28 =	sadd.s32 $0xC940, s28  }
0x5b: {  	[spmem:s4] =	stream.indirect.scatter.add.f32 [tilespmem:s19], [sflag:$0x3], $0x1, s28, s25, $0xb8;
	[tilespmem:$0xF6C0] =	vst v63  }
.Ltmp0:
0x5c: {  	_ =	swait.ge [sflag:s0], $0x80;
	(pc) =	sbr.rel @p0 .LBB2_2-.Ltmp0, $4  }
0x5d: {  	[sflag:s0] =	ssyncset.done $0x0  }
0x5e: {  	[sflag:s0] =	ssyncadd.s32 $0xFFFFFF80  }
0x5f: {  	_ =	swait.ge [sflag:s24], $0x80  }
0x60: {  	s29 =	smov.u32 s6;
	s28 =	sshra.s32 s31, $0x2;
	[sflag:s24] =	ssyncset.done $0x0  }
0x61: {  	s6 =	sadd.s32 $0xA140, s28;
	[sflag:s24] =	ssyncadd.s32 $0xFFFFFF80  }
0x62: {  	[spmem:s3] =	stream.indirect.scatter.add.f32 [tilespmem:s19], [sflag:$0x2], $0x1, s6, s25, $0xb8;
	[tilespmem:$0xF6C0] =	vst v63  }
0x63: {  	s31 =	sadd.s32 $0xC940, s28  }
0x64: {  	[spmem:s4] =	stream.indirect.scatter.add.f32 [tilespmem:s19], [sflag:$0x3], $0x1, s31, s25, $0xb8;
	[tilespmem:$0xF6C0] =	vst v63  }
0x65: {  	_ =	swait.ge [sflag:s0], $0x80  }
0x66: {  	[sflag:s0] =	ssyncset.done $0x0  }
0x67: {  	[sflag:s0] =	ssyncadd.s32 $0xFFFFFF80  }
0x68: {  	_ =	swait.ge [sflag:s24], $0x80  }
0x69: {  	[sflag:s24] =	ssyncset.done $0x0  }
0x6a: {  	[sflag:s24] =	ssyncadd.s32 $0xFFFFFF80  }
0x6b: {  	_ =	swait.ge [sflag:s0], $0x80  }
0x6c: {  	[sflag:s0] =	ssyncset.done $0x0  }
0x6d: {  	[sflag:s0] =	ssyncadd.s32 $0xFFFFFF80  }
0x6e: {  	_ =	swait.ge [sflag:s24], $0x80  }
0x6f: {  	[sflag:s24] =	ssyncset.done $0x0  }
0x70: {  	[sflag:s24] =	ssyncadd.s32 $0xFFFFFF80  }
0x71: {  	[bflag:$0x0] =	sbarrier.arrive $0xFFFF  }
0x72: {  	[hbm:s13], [sflag:s8] =	dma.local [spmem:s16], $0x50  }
0x73: {  	s26 =	sadd.s32 $0x1, s26;
	_ =	swait.ge [sflag:s17], $0x50  }
0x74: {  	p0 =	sne.s32 s26, s15;
	[sflag:s17] =	ssyncset.done $0x0  }
.Ltmp1:
0x75: {  	[sflag:s17] =	ssyncadd.s32 $0xFFFFFFB0;
	(pc) =	sbr.rel @p0 .LBB2_1-.Ltmp1, $4  }
0x76: {  	[hbm:s14], [sflag:s8] =	dma.local [spmem:s18], $0x50  }
0x77: {  	_ =	swait.ge [sflag:s17], $0x50  }
0x78: {  	[sflag:s17] =	ssyncset.done $0x0  }
0x79: {  	[sflag:s17] =	ssyncadd.s32 $0xFFFFFFB0  }
0x7a: {  	_ =	sfence.sel $0x180000  }
0x7b: {  	[bflag:$0x0] =	sbarrier.arrive $0xFFFF  }
0x7c: {  	_ =	strace $0x90000047  }
0x7d: {  	s0 =	stileid.u32;
	[bflag:$0x2] =	sbarrier.arrive $0xFFFF  }
0x7e: {  	p0 =	sne.s32 s0, $0x0;
	s0 =	rddreg [dreg:$0x5]  }
0x7f: {  	s0 =	sadd.s32 @!p0 $0x100000, s0  }
0x80: {  	[sflag:s0] =	ssyncadd.tile.s32 @!p0 $0x1;
	_ =	shalt  }
.Lfunc_end2:
_tile_overlayer_lowered:
.L_overlay_start_2:
0x81: {  	(tag) =	ssettag $0x2  }
0x82: {  	s0 =	rddreg [dreg:$0x0];
	s2 =	stileid.u32  }
0x83: {  	s1 =	rddreg [dreg:$0x1];
	p0 =	sne.s32 s2, $0x0  }
0x84: {  	s3 =	rddreg [dreg:$0x2];
	[bflag:$0x3] =	sbarrier.arrive $0xFFFF;
	s2 =	simm.s32 @!p0 $0x1C04  }
0x85: {  	[timem:s3], [sflag:s2] =	dma.local @!p0 [hbm:s0], s1  }
0x86: {  	s0 =	simm.s32 @!p0 $0x4  }
0x87: {  	_ =	swait.ge @!p0 [sflag:s0], s1  }
0x88: {  	s1 =	ssub.s32 @!p0 $0x0, s1;
	[sflag:s0] =	ssyncset.done @!p0 $0x0  }
0x89: {  	[sflag:s0] =	ssyncadd.s32 @!p0 s1  }
0x8a: {  	[bflag:$0x3] =	sbarrier.arrive $0xFFFF  }
0x8b: {  	_ =	shalt  }

</sc_bundles>
